<compile_context>
chip_gen: v7x
topology: tpu7x:2x2x1
jax: 0.10.2.dev20260603
libtpu: 0.0.44.dev20260713+nightly
codegen_flags: <defaults>
</compile_context>

<pallas_src>
import functools

import jax
import jax.numpy as jnp
from jax import lax
from jax.experimental import pallas as pl
from jax.experimental.pallas import tpu as pltpu
from jax.experimental.pallas import tpu_sc as plsc

N_NODES = 10000
N_EDGES = 320000
FDIM = 128

_NC = 2
_NS = 16
_NW = _NC * _NS
_CHUNK = 80
_NCHUNK = 128
_EPW = _NCHUNK * _CHUNK
_NEPAD = _NW * _EPW
_NPAD = 10240
_RPT = _NPAD // _NS

_ABUF = 3
_AGRP = (_NCHUNK - 2) // _ABUF

_MESH = plsc.VectorSubcoreMesh(core_axis_name="c", subcore_axis_name="s")


@functools.partial(
    pl.kernel,
    mesh=_MESH,
    out_type=jax.ShapeDtypeStruct((_NC * _NPAD, FDIM), jnp.float32),
    scratch_types=[
        pltpu.VMEM((_EPW,), jnp.int32),
        pltpu.VMEM((_ABUF, _CHUNK), jnp.int32),
        pltpu.VMEM((_ABUF, _CHUNK, FDIM), jnp.float32),
        pltpu.VMEM_SHARED((_NPAD, FDIM), jnp.float32),
    ] + [pltpu.SemaphoreType.DMA] * (2 * _ABUF),
)
def _edge_agg(p_hbm, src_hbm, dst_hbm, z_hbm, out_hbm,
              src_v, idx_d, rows, acc, *sems):
    gsem = sems[:_ABUF]
    dsem = sems[_ABUF:]
    cid = lax.axis_index("c")
    sid = lax.axis_index("s")
    wid = sid * _NC + cid
    e0 = wid * _EPW

    pltpu.sync_copy(src_hbm.at[pl.ds(e0, _EPW)], src_v)

    def fire(b, c):
        off = pl.multiple_of(c * _CHUNK, 8)
        base = pl.multiple_of(e0 + c * _CHUNK, 8)
        pltpu.async_copy(dst_hbm.at[pl.ds(base, _CHUNK)], idx_d.at[b],
                         dsem[b])
        pltpu.async_copy(p_hbm.at[src_v.at[pl.ds(off, _CHUNK)]], rows.at[b],
                         gsem[b])

    def drain_scatter(b, c):
        off = pl.multiple_of(c * _CHUNK, 8)
        base = pl.multiple_of(e0 + c * _CHUNK, 8)
        pltpu.make_async_copy(dst_hbm.at[pl.ds(base, _CHUNK)], idx_d.at[b],
                              dsem[b]).wait()
        pltpu.make_async_copy(p_hbm.at[src_v.at[pl.ds(off, _CHUNK)]],
                              rows.at[b], gsem[b]).wait()
        pltpu.sync_copy(rows.at[b], acc.at[idx_d.at[b]], add=True)

    for b in range(_ABUF):
        fire(b, b)

    pltpu.sync_copy(z_hbm, acc.at[pl.ds(sid * _RPT, _RPT)])
    plsc.subcore_barrier()

    def step(j, carry):
        for b in range(_ABUF):
            drain_scatter(b, j * _ABUF + b)

            @pl.when(j < _AGRP - 1)
            def _():
                fire(b, (j + 1) * _ABUF + b)
        return carry

    lax.fori_loop(0, _AGRP, step, 0)

    for t, c in enumerate(range(_AGRP * _ABUF, _NCHUNK)):
        fire(t, c)
    for t, c in enumerate(range(_AGRP * _ABUF, _NCHUNK)):
        drain_scatter(t, c)

    plsc.subcore_barrier()
    row0 = cid * _NPAD + sid * _RPT
    pltpu.sync_copy(acc.at[pl.ds(sid * _RPT, _RPT)],
                    out_hbm.at[pl.ds(row0, _RPT)])


@functools.partial(
    pl.kernel,
    mesh=_MESH,
    out_type=jax.ShapeDtypeStruct((_NC * _NPAD, FDIM), jnp.float32),
    scratch_types=[
        pltpu.VMEM((_NCHUNK, _CHUNK), jnp.int32),
        pltpu.VMEM((_CHUNK, FDIM), jnp.float32),
        pltpu.VMEM_SHARED((_NPAD, FDIM), jnp.float32),
    ],
)
def _edge_counts(dst2d_hbm, z_hbm, ones_hbm, cnt_hbm, dst_v, ones_v, accc):
    cid = lax.axis_index("c")
    sid = lax.axis_index("s")
    wid = sid * _NC + cid

    pltpu.sync_copy(dst2d_hbm.at[pl.ds(wid * _NCHUNK, _NCHUNK)], dst_v)
    pltpu.sync_copy(z_hbm, accc.at[pl.ds(sid * _RPT, _RPT)])
    pltpu.sync_copy(ones_hbm, ones_v)
    plsc.subcore_barrier()

    def step(i, carry):
        pltpu.sync_copy(ones_v, accc.at[dst_v.at[i]], add=True)
        return carry

    lax.fori_loop(0, _NCHUNK, step, 0)

    plsc.subcore_barrier()
    row0 = cid * _NPAD + sid * _RPT
    pltpu.sync_copy(accc.at[pl.ds(sid * _RPT, _RPT)],
                    cnt_hbm.at[pl.ds(row0, _RPT)])


def _dense_pre(h, wlt, wrt, b2d):
    def body(h_ref, wl_ref, wr_ref, b_ref, p_ref, r_ref):
        hv = h_ref[...]
        p_ref[...] = jnp.dot(hv, wl_ref[...], preferred_element_type=jnp.float32)
        r_ref[...] = jnp.dot(hv, wr_ref[...],
                             preferred_element_type=jnp.float32) + b_ref[...]

    return pl.pallas_call(
        body,
        out_shape=(jax.ShapeDtypeStruct((N_NODES, FDIM), jnp.float32),
                   jax.ShapeDtypeStruct((N_NODES, FDIM), jnp.float32)),
    )(h, wlt, wrt, b2d)


def _combine_relu_dense(parts, cnts, r_prev, wlt, wrt, b2d):
    def body(s_ref, c_ref, r_ref, wl_ref, wr_ref, b_ref, p_ref, rr_ref):
        s = s_ref[0:N_NODES, :] + s_ref[_NPAD:_NPAD + N_NODES, :]
        c = c_ref[0:N_NODES, 0:1] + c_ref[_NPAD:_NPAD + N_NODES, 0:1]
        h = jnp.maximum(s / jnp.maximum(c, 1.0) + r_ref[...], 0.0)
        p_ref[...] = jnp.dot(h, wl_ref[...], preferred_element_type=jnp.float32)
        rr_ref[...] = jnp.dot(h, wr_ref[...],
                              preferred_element_type=jnp.float32) + b_ref[...]

    return pl.pallas_call(
        body,
        out_shape=(jax.ShapeDtypeStruct((N_NODES, FDIM), jnp.float32),
                   jax.ShapeDtypeStruct((N_NODES, FDIM), jnp.float32)),
    )(parts, cnts, r_prev, wlt, wrt, b2d)


def _combine_final(parts, cnts, r_prev):
    def body(s_ref, c_ref, r_ref, o_ref):
        s = s_ref[0:N_NODES, :] + s_ref[_NPAD:_NPAD + N_NODES, :]
        c = c_ref[0:N_NODES, 0:1] + c_ref[_NPAD:_NPAD + N_NODES, 0:1]
        o_ref[...] = s / jnp.maximum(c, 1.0) + r_ref[...]

    return pl.pallas_call(
        body,
        out_shape=jax.ShapeDtypeStruct((N_NODES, FDIM), jnp.float32),
    )(parts, cnts, r_prev)


def kernel(x, edge_index, W_l0, b_l0, W_r0, W_l1, b_l1, W_r1):
    n_fill = _NEPAD - N_EDGES
    fill = jnp.arange(n_fill, dtype=jnp.int32)
    src = jnp.concatenate([edge_index[0], fill % N_NODES])
    dst = jnp.concatenate([edge_index[1],
                           N_NODES + fill % (_NPAD - N_NODES)])
    dst2d = dst.reshape(_NW * _NCHUNK, _CHUNK)
    z = jnp.zeros((_RPT, FDIM), jnp.float32)
    ones = jnp.zeros((_CHUNK, FDIM), jnp.float32).at[:, 0].set(1.0)

    p0, r0 = _dense_pre(x, W_l0.T, W_r0.T, b_l0.reshape(1, FDIM))
    parts0 = _edge_agg(p0, src, dst, z)
    cnts = _edge_counts(dst2d, z, ones)
    p1, r1 = _combine_relu_dense(parts0, cnts, r0, W_l1.T, W_r1.T,
                                 b_l1.reshape(1, FDIM))
    parts1 = _edge_agg(p1, src, dst, z)
    return _combine_final(parts1, cnts, r1)

# --- scband reference (transcript-rebuilt; emitter-appended) ---
"""Pipeline reference for scband-graph-sagemodel-32916629356788 (READ-ONLY COPY).

The authoritative reference and input builder live on the scoring server;
editing this copy changes nothing except your own understanding.
"""

import jax, jax.numpy as jnp
import numpy as np

N_NODES = 10000
N_EDGES = 320000
D = 128  # embedding_dim
H = 128  # hidden_dim


def _glorot(key, shape):
    fan_in, fan_out = shape[1], shape[0]
    limit = float(np.sqrt(6.0 / (fan_in + fan_out)))
    return jax.random.uniform(key, shape, dtype=jnp.float32, minval=-limit, maxval=limit)


def setup_inputs(seed: int = 0) -> dict:
    key = jax.random.key(seed)
    ks = jax.random.split(key, 10)
    x = jax.random.normal(ks[0], (N_NODES, D), dtype=jnp.float32)
    edge_index = jax.random.randint(ks[1], (2, N_EDGES), 0, N_NODES, dtype=jnp.int32)
    # SAGEConv layer 0: in=D, out=H. lin_l (neighbor agg, with bias), lin_r (root, no bias)
    W_l0 = _glorot(ks[2], (H, D))
    b_l0 = jnp.zeros((H,), dtype=jnp.float32)
    W_r0 = _glorot(ks[3], (H, D))
    # SAGEConv layer 1: in=H, out=D
    W_l1 = _glorot(ks[4], (D, H))
    b_l1 = jnp.zeros((D,), dtype=jnp.float32)
    W_r1 = _glorot(ks[5], (D, H))
    return {"x": x, "edge_index": edge_index, "W_l0": W_l0, "b_l0": b_l0, "W_r0": W_r0,
            "W_l1": W_l1, "b_l1": b_l1, "W_r1": W_r1}


def reference(x, edge_index, W_l0, b_l0, W_r0, W_l1, b_l1, W_r1):
    src = edge_index[0]
    dst = edge_index[1]

    def sage_conv(h, W_l, b_l, W_r):
        # message: gather source node features along each edge
        msg = jnp.take(h, src, axis=0)
        # mean aggregation onto destination nodes (scatter-add + count)
        summed = jax.ops.segment_sum(msg, dst, num_segments=N_NODES)
        cnt = jax.ops.segment_sum(jnp.ones((msg.shape[0], 1), dtype=h.dtype), dst, num_segments=N_NODES)
        agg = summed / jnp.maximum(cnt, 1.0)
        # lin_l(agg) + lin_r(root)
        return agg @ W_l.T + b_l + h @ W_r.T

    h = sage_conv(x, W_l0, b_l0, W_r0)
    h = jax.nn.relu(h)
    # dropout is identity in eval mode (training=False)
    out = sage_conv(h, W_l1, b_l1, W_r1)
    return out

if __name__ == "__main__":
    import jax
    _d = setup_inputs()
    print(jax.jit(kernel)(*tuple(_d.values())))

</pallas_src>

<mosaic_0001>
#map = affine_map<(d0, d1) -> (0, 0)>
module attributes {stable_mosaic.version = 14 : i64} {
  func.func @_edge_counts(%arg0: i32, %arg1: i32, %arg2: memref<4096x80xi32, #tpu.memory_space<hbm>>, %arg3: memref<640x128xf32, #tpu.memory_space<hbm>>, %arg4: memref<80x128xf32, #tpu.memory_space<hbm>>, %arg5: memref<20480x128xf32, #tpu.memory_space<hbm>>, %arg6: memref<128x80xi32, #tpu.memory_space<vmem>>, %arg7: memref<80x128xf32, #tpu.memory_space<vmem>>, %arg8: memref<10240x128xf32, #tpu.memory_space<vmem_shared>>) attributes {dimension_semantics = [#tpu.dimension_semantics<core_parallel>, #tpu.dimension_semantics<subcore_parallel>], iteration_bounds = array<i64: 2, 16>, scalar_prefetch = 0 : i64, scratch_operands = 3 : i64, tpu.core_type = #tpu.core_type<sc_vector_subcore>, window_params = [{transform_indices = #map}, {transform_indices = #map}, {transform_indices = #map}, {transform_indices = #map}]} {
    %mul3A = arith.constant 2 : i32
    %mul3A_0 = arith.muli %arg1, %mul3A : i32
    %add3A = arith.addi %mul3A_0, %arg0 : i32
    %mul3A_1 = arith.constant 128 : i32
    %mul3A_2 = arith.muli %add3A, %mul3A_1 : i32
    "tpu.region"() ({
      %run_scoped3A = tpu.sem_alloc : memref<!tpu.dma_semaphore, #tpu.memory_space<semaphore_mem>>
      %dma_start3A = arith.constant 0 : i32
      %dma_start3A_18 = tpu.memref_slice %arg2[%mul3A_2, %dma_start3A] : memref<4096x80xi32, #tpu.memory_space<hbm>> -> memref<128x80xi32, #tpu.memory_space<hbm>>
      %dma_start3A_19 = arith.constant 0 : i32
      %dma_start3A_20 = tpu.memref_slice %arg2[%mul3A_2, %dma_start3A_19] : memref<4096x80xi32, #tpu.memory_space<hbm>> -> memref<128x80xi32, #tpu.memory_space<hbm>>
      tpu.enqueue_dma source(%dma_start3A_20 : memref<128x80xi32, #tpu.memory_space<hbm>>) target(%arg6 : memref<128x80xi32, #tpu.memory_space<vmem>>) target_semaphore(%run_scoped3A : memref<!tpu.dma_semaphore, #tpu.memory_space<semaphore_mem>>)
      %dma_wait3A = arith.constant 0 : i32
      %dma_wait3A_21 = tpu.memref_slice %arg2[%mul3A_2, %dma_wait3A] : memref<4096x80xi32, #tpu.memory_space<hbm>> -> memref<128x80xi32, #tpu.memory_space<hbm>>
      %dma_wait3A_22 = arith.constant 0 : i32
      %dma_wait3A_23 = tpu.memref_slice %arg2[%mul3A_2, %dma_wait3A_22] : memref<4096x80xi32, #tpu.memory_space<hbm>> -> memref<128x80xi32, #tpu.memory_space<hbm>>
      tpu.wait_dma2 semaphore(%run_scoped3A : memref<!tpu.dma_semaphore, #tpu.memory_space<semaphore_mem>>) src(%dma_wait3A_23 : memref<128x80xi32, #tpu.memory_space<hbm>>) dst(%arg6 : memref<128x80xi32, #tpu.memory_space<vmem>>)
      tpu.yield
    }) : () -> ()
    %mul3A_3 = arith.constant 640 : i32
    %mul3A_4 = arith.muli %arg1, %mul3A_3 : i32
    "tpu.region"() ({
      %run_scoped3A = tpu.sem_alloc : memref<!tpu.dma_semaphore, #tpu.memory_space<semaphore_mem>>
      %dma_start3A = arith.constant 0 : i32
      %dma_start3A_18 = tpu.memref_slice %arg8[%mul3A_4, %dma_start3A] : memref<10240x128xf32, #tpu.memory_space<vmem_shared>> -> memref<640x128xf32, #tpu.memory_space<vmem_shared>>
      tpu.enqueue_dma source(%arg3 : memref<640x128xf32, #tpu.memory_space<hbm>>) target(%dma_start3A_18 : memref<640x128xf32, #tpu.memory_space<vmem_shared>>) target_semaphore(%run_scoped3A : memref<!tpu.dma_semaphore, #tpu.memory_space<semaphore_mem>>)
      %dma_wait3A = arith.constant 0 : i32
      %dma_wait3A_19 = tpu.memref_slice %arg8[%mul3A_4, %dma_wait3A] : memref<10240x128xf32, #tpu.memory_space<vmem_shared>> -> memref<640x128xf32, #tpu.memory_space<vmem_shared>>
      tpu.wait_dma2 semaphore(%run_scoped3A : memref<!tpu.dma_semaphore, #tpu.memory_space<semaphore_mem>>) src(%arg3 : memref<640x128xf32, #tpu.memory_space<hbm>>) dst(%dma_wait3A_19 : memref<640x128xf32, #tpu.memory_space<vmem_shared>>)
      tpu.yield
    }) : () -> ()
    "tpu.region"() ({
      %run_scoped3A = tpu.sem_alloc : memref<!tpu.dma_semaphore, #tpu.memory_space<semaphore_mem>>
      tpu.enqueue_dma source(%arg4 : memref<80x128xf32, #tpu.memory_space<hbm>>) target(%arg7 : memref<80x128xf32, #tpu.memory_space<vmem>>) target_semaphore(%run_scoped3A : memref<!tpu.dma_semaphore, #tpu.memory_space<semaphore_mem>>)
      tpu.wait_dma2 semaphore(%run_scoped3A : memref<!tpu.dma_semaphore, #tpu.memory_space<semaphore_mem>>) src(%arg4 : memref<80x128xf32, #tpu.memory_space<hbm>>) dst(%arg7 : memref<80x128xf32, #tpu.memory_space<vmem>>)
      tpu.yield
    }) : () -> ()
    %barrier3A = arith.constant 0 : index
    tpu.barrier barrier_id(%barrier3A)
    %scan3A = arith.constant 0 : i32
    %scan3A_5 = arith.constant 0 : i32
    %scan3A_6 = arith.constant 128 : i32
    %scan3A_7 = arith.addi %scan3A_5, %scan3A_6 : i32
    %scan3A_8 = arith.constant 1 : i32
    scf.for %scan3A_18 = %scan3A_5 to %scan3A_7 step %scan3A_8  : i32 {
      "tpu.region"() ({
        %run_scoped3A = tpu.sem_alloc : memref<!tpu.dma_semaphore, #tpu.memory_space<semaphore_mem>>
        %dma_start3A = arith.constant 0 : i32
        %dma_start3A_19 = tpu.memref_slice %arg6[%scan3A_18, %dma_start3A] : memref<128x80xi32, #tpu.memory_space<vmem>> -> memref<1x80xi32, #tpu.memory_space<vmem>>
        %dma_start3A_20 = tpu.memref_squeeze %dma_start3A_19 : memref<1x80xi32, #tpu.memory_space<vmem>> -> memref<80xi32, #tpu.memory_space<vmem>>
        %dma_start3A_21 = arith.constant 0 : i32
        %dma_start3A_22 = arith.constant 0 : i32
        %dma_start3A_23 = tpu.memref_slice %arg8[%dma_start3A_21, %dma_start3A_22] : memref<10240x128xf32, #tpu.memory_space<vmem_shared>> -> memref<10240x128xf32, #tpu.memory_space<vmem_shared>>
        tpu.enqueue_indirect_dma source(%arg7 : memref<80x128xf32, #tpu.memory_space<vmem>>) target(%dma_start3A_23 : memref<10240x128xf32, #tpu.memory_space<vmem_shared>>) offsets(%dma_start3A_20 : memref<80xi32, #tpu.memory_space<vmem>>) semaphore(%run_scoped3A : memref<!tpu.dma_semaphore, #tpu.memory_space<semaphore_mem>>) {add = true}
        %dma_wait3A = arith.constant 0 : i32
        %dma_wait3A_24 = tpu.memref_slice %arg6[%scan3A_18, %dma_wait3A] : memref<128x80xi32, #tpu.memory_space<vmem>> -> memref<1x80xi32, #tpu.memory_space<vmem>>
        %dma_wait3A_25 = tpu.memref_squeeze %dma_wait3A_24 : memref<1x80xi32, #tpu.memory_space<vmem>> -> memref<80xi32, #tpu.memory_space<vmem>>
        %dma_wait3A_26 = arith.constant 0 : i32
        %dma_wait3A_27 = arith.constant 0 : i32
        %dma_wait3A_28 = tpu.memref_slice %arg8[%dma_wait3A_26, %dma_wait3A_27] : memref<10240x128xf32, #tpu.memory_space<vmem_shared>> -> memref<10240x128xf32, #tpu.memory_space<vmem_shared>>
        tpu.wait_indirect_dma semaphore(%run_scoped3A : memref<!tpu.dma_semaphore, #tpu.memory_space<semaphore_mem>>) src(%arg7 : memref<80x128xf32, #tpu.memory_space<vmem>>) dst(%dma_wait3A_28 : memref<10240x128xf32, #tpu.memory_space<vmem_shared>>)
        tpu.yield
      }) : () -> ()
    }
    %scan3A_9 = arith.constant 128 : i32
    %barrier3A_10 = arith.constant 0 : index
    tpu.barrier barrier_id(%barrier3A_10)
    %mul3A_11 = arith.constant 10240 : i32
    %mul3A_12 = arith.muli %arg0, %mul3A_11 : i32
    %mul3A_13 = arith.constant 640 : i32
    %mul3A_14 = arith.muli %arg1, %mul3A_13 : i32
    %add3A_15 = arith.addi %mul3A_12, %mul3A_14 : i32
    %mul3A_16 = arith.constant 640 : i32
    %mul3A_17 = arith.muli %arg1, %mul3A_16 : i32
    "tpu.region"() ({
      %run_scoped3A = tpu.sem_alloc : memref<!tpu.dma_semaphore, #tpu.memory_space<semaphore_mem>>
      %dma_start3A = arith.constant 0 : i32
      %dma_start3A_18 = tpu.memref_slice %arg5[%add3A_15, %dma_start3A] : memref<20480x128xf32, #tpu.memory_space<hbm>> -> memref<640x128xf32, #tpu.memory_space<hbm>>
      %dma_start3A_19 = arith.constant 0 : i32
      %dma_start3A_20 = tpu.memref_slice %arg8[%mul3A_17, %dma_start3A_19] : memref<10240x128xf32, #tpu.memory_space<vmem_shared>> -> memref<640x128xf32, #tpu.memory_space<vmem_shared>>
      tpu.enqueue_dma source(%dma_start3A_20 : memref<640x128xf32, #tpu.memory_space<vmem_shared>>) target(%dma_start3A_18 : memref<640x128xf32, #tpu.memory_space<hbm>>) target_semaphore(%run_scoped3A : memref<!tpu.dma_semaphore, #tpu.memory_space<semaphore_mem>>)
      %dma_wait3A = arith.constant 0 : i32
      %dma_wait3A_21 = tpu.memref_slice %arg5[%add3A_15, %dma_wait3A] : memref<20480x128xf32, #tpu.memory_space<hbm>> -> memref<640x128xf32, #tpu.memory_space<hbm>>
      %dma_wait3A_22 = arith.constant 0 : i32
      %dma_wait3A_23 = tpu.memref_slice %arg8[%mul3A_17, %dma_wait3A_22] : memref<10240x128xf32, #tpu.memory_space<vmem_shared>> -> memref<640x128xf32, #tpu.memory_space<vmem_shared>>
      tpu.wait_dma2 semaphore(%run_scoped3A : memref<!tpu.dma_semaphore, #tpu.memory_space<semaphore_mem>>) src(%dma_wait3A_23 : memref<640x128xf32, #tpu.memory_space<vmem_shared>>) dst(%dma_wait3A_21 : memref<640x128xf32, #tpu.memory_space<hbm>>)
      tpu.yield
    }) : () -> ()
    return
  }
}

#map = affine_map<(d0, d1) -> (0, 0)>
#map1 = affine_map<(d0, d1) -> (0)>
module attributes {stable_mosaic.version = 14 : i64} {
  func.func @_edge_agg(%arg0: i32, %arg1: i32, %arg2: memref<10000x128xf32, #tpu.memory_space<hbm>>, %arg3: memref<327680xi32, #tpu.memory_space<hbm>>, %arg4: memref<327680xi32, #tpu.memory_space<hbm>>, %arg5: memref<640x128xf32, #tpu.memory_space<hbm>>, %arg6: memref<20480x128xf32, #tpu.memory_space<hbm>>, %arg7: memref<10240xi32, #tpu.memory_space<vmem>>, %arg8: memref<3x80xi32, #tpu.memory_space<vmem>>, %arg9: memref<3x80x128xf32, #tpu.memory_space<vmem>>, %arg10: memref<10240x128xf32, #tpu.memory_space<vmem_shared>>, %arg11: memref<!tpu.dma_semaphore, #tpu.memory_space<semaphore_mem>>, %arg12: memref<!tpu.dma_semaphore, #tpu.memory_space<semaphore_mem>>, %arg13: memref<!tpu.dma_semaphore, #tpu.memory_space<semaphore_mem>>, %arg14: memref<!tpu.dma_semaphore, #tpu.memory_space<semaphore_mem>>, %arg15: memref<!tpu.dma_semaphore, #tpu.memory_space<semaphore_mem>>, %arg16: memref<!tpu.dma_semaphore, #tpu.memory_space<semaphore_mem>>) attributes {dimension_semantics = [#tpu.dimension_semantics<core_parallel>, #tpu.dimension_semantics<subcore_parallel>], iteration_bounds = array<i64: 2, 16>, scalar_prefetch = 0 : i64, scratch_operands = 10 : i64, tpu.core_type = #tpu.core_type<sc_vector_subcore>, window_params = [{transform_indices = #map}, {transform_indices = #map1}, {transform_indices = #map1}, {transform_indices = #map}, {transform_indices = #map}]} {
    %mul3A = arith.constant 2 : i32
    %mul3A_0 = arith.muli %arg1, %mul3A : i32
    %add3A = arith.addi %mul3A_0, %arg0 : i32
    %mul3A_1 = arith.constant 10240 : i32
    %mul3A_2 = arith.muli %add3A, %mul3A_1 : i32
    "tpu.region"() ({
      %run_scoped3A_179 = tpu.sem_alloc : memref<!tpu.dma_semaphore, #tpu.memory_space<semaphore_mem>>
      %dma_start3A_180 = tpu.memref_slice %arg3[%mul3A_2] : memref<327680xi32, #tpu.memory_space<hbm>> -> memref<10240xi32, #tpu.memory_space<hbm>>
      %dma_start3A_181 = tpu.memref_slice %arg3[%mul3A_2] : memref<327680xi32, #tpu.memory_space<hbm>> -> memref<10240xi32, #tpu.memory_space<hbm>>
      tpu.enqueue_dma source(%dma_start3A_181 : memref<10240xi32, #tpu.memory_space<hbm>>) target(%arg7 : memref<10240xi32, #tpu.memory_space<vmem>>) target_semaphore(%run_scoped3A_179 : memref<!tpu.dma_semaphore, #tpu.memory_space<semaphore_mem>>)
      %dma_wait3A_182 = tpu.memref_slice %arg3[%mul3A_2] : memref<327680xi32, #tpu.memory_space<hbm>> -> memref<10240xi32, #tpu.memory_space<hbm>>
      %dma_wait3A_183 = tpu.memref_slice %arg3[%mul3A_2] : memref<327680xi32, #tpu.memory_space<hbm>> -> memref<10240xi32, #tpu.memory_space<hbm>>
      tpu.wait_dma2 semaphore(%run_scoped3A_179 : memref<!tpu.dma_semaphore, #tpu.memory_space<semaphore_mem>>) src(%dma_wait3A_183 : memref<10240xi32, #tpu.memory_space<hbm>>) dst(%arg7 : memref<10240xi32, #tpu.memory_space<vmem>>)
      tpu.yield
    }) : () -> ()
    %multiple_of3A = arith.constant 0 : i32
    %multiple_of3A_3 = tpu.assume_multiple %multiple_of3A, 8 : i32
    %add3A_4 = arith.constant 0 : i32
    %add3A_5 = arith.addi %mul3A_2, %add3A_4 : i32
    %multiple_of3A_6 = tpu.assume_multiple %add3A_5, 8 : i32
    %dma_start3A = arith.constant 0 : i32
    %dma_start3A_7 = arith.constant 0 : i32
    %dma_start3A_8 = tpu.memref_slice %arg8[%dma_start3A, %dma_start3A_7] : memref<3x80xi32, #tpu.memory_space<vmem>> -> memref<1x80xi32, #tpu.memory_space<vmem>>
    %dma_start3A_9 = tpu.memref_squeeze %dma_start3A_8 : memref<1x80xi32, #tpu.memory_space<vmem>> -> memref<80xi32, #tpu.memory_space<vmem>>
    %dma_start3A_10 = tpu.memref_slice %arg4[%multiple_of3A_6] : memref<327680xi32, #tpu.memory_space<hbm>> -> memref<80xi32, #tpu.memory_space<hbm>>
    %dma_start3A_11 = arith.constant 0 : i32
    %dma_start3A_12 = tpu.memref_slice %arg8[%dma_start3A, %dma_start3A_11] : memref<3x80xi32, #tpu.memory_space<vmem>> -> memref<1x80xi32, #tpu.memory_space<vmem>>
    %dma_start3A_13 = tpu.memref_squeeze %dma_start3A_12 : memref<1x80xi32, #tpu.memory_space<vmem>> -> memref<80xi32, #tpu.memory_space<vmem>>
    %dma_start3A_14 = tpu.memref_slice %arg4[%multiple_of3A_6] : memref<327680xi32, #tpu.memory_space<hbm>> -> memref<80xi32, #tpu.memory_space<hbm>>
    tpu.enqueue_dma source(%dma_start3A_14 : memref<80xi32, #tpu.memory_space<hbm>>) target(%dma_start3A_13 : memref<80xi32, #tpu.memory_space<vmem>>) target_semaphore(%arg14 : memref<!tpu.dma_semaphore, #tpu.memory_space<semaphore_mem>>)
    %dma_start3A_15 = arith.constant 0 : i32
    %dma_start3A_16 = arith.constant 0 : i32
    %dma_start3A_17 = arith.constant 0 : i32
    %dma_start3A_18 = tpu.memref_slice %arg9[%dma_start3A_15, %dma_start3A_16, %dma_start3A_17] : memref<3x80x128xf32, #tpu.memory_space<vmem>> -> memref<1x80x128xf32, #tpu.memory_space<vmem>>
    %dma_start3A_19 = tpu.memref_squeeze %dma_start3A_18 : memref<1x80x128xf32, #tpu.memory_space<vmem>> -> memref<80x128xf32, #tpu.memory_space<vmem>>
    %dma_start3A_20 = tpu.memref_slice %arg7[%multiple_of3A_3] : memref<10240xi32, #tpu.memory_space<vmem>> -> memref<80xi32, #tpu.memory_space<vmem>>
    %dma_start3A_21 = arith.constant 0 : i32
    %dma_start3A_22 = arith.constant 0 : i32
    %dma_start3A_23 = tpu.memref_slice %arg2[%dma_start3A_21, %dma_start3A_22] : memref<10000x128xf32, #tpu.memory_space<hbm>> -> memref<10000x128xf32, #tpu.memory_space<hbm>>
    tpu.enqueue_indirect_dma source(%dma_start3A_23 : memref<10000x128xf32, #tpu.memory_space<hbm>>) target(%dma_start3A_19 : memref<80x128xf32, #tpu.memory_space<vmem>>) offsets(%dma_start3A_20 : memref<80xi32, #tpu.memory_space<vmem>>) semaphore(%arg11 : memref<!tpu.dma_semaphore, #tpu.memory_space<semaphore_mem>>)
    %multiple_of3A_24 = arith.constant 80 : i32
    %multiple_of3A_25 = tpu.assume_multiple %multiple_of3A_24, 8 : i32
    %add3A_26 = arith.constant 80 : i32
    %add3A_27 = arith.addi %mul3A_2, %add3A_26 : i32
    %multiple_of3A_28 = tpu.assume_multiple %add3A_27, 8 : i32
    %dma_start3A_29 = arith.constant 1 : i32
    %dma_start3A_30 = arith.constant 0 : i32
    %dma_start3A_31 = tpu.memref_slice %arg8[%dma_start3A_29, %dma_start3A_30] : memref<3x80xi32, #tpu.memory_space<vmem>> -> memref<1x80xi32, #tpu.memory_space<vmem>>
    %dma_start3A_32 = tpu.memref_squeeze %dma_start3A_31 : memref<1x80xi32, #tpu.memory_space<vmem>> -> memref<80xi32, #tpu.memory_space<vmem>>
    %dma_start3A_33 = tpu.memref_slice %arg4[%multiple_of3A_28] : memref<327680xi32, #tpu.memory_space<hbm>> -> memref<80xi32, #tpu.memory_space<hbm>>
    %dma_start3A_34 = arith.constant 0 : i32
    %dma_start3A_35 = tpu.memref_slice %arg8[%dma_start3A_29, %dma_start3A_34] : memref<3x80xi32, #tpu.memory_space<vmem>> -> memref<1x80xi32, #tpu.memory_space<vmem>>
    %dma_start3A_36 = tpu.memref_squeeze %dma_start3A_35 : memref<1x80xi32, #tpu.memory_space<vmem>> -> memref<80xi32, #tpu.memory_space<vmem>>
    %dma_start3A_37 = tpu.memref_slice %arg4[%multiple_of3A_28] : memref<327680xi32, #tpu.memory_space<hbm>> -> memref<80xi32, #tpu.memory_space<hbm>>
    tpu.enqueue_dma source(%dma_start3A_37 : memref<80xi32, #tpu.memory_space<hbm>>) target(%dma_start3A_36 : memref<80xi32, #tpu.memory_space<vmem>>) target_semaphore(%arg15 : memref<!tpu.dma_semaphore, #tpu.memory_space<semaphore_mem>>)
    %dma_start3A_38 = arith.constant 1 : i32
    %dma_start3A_39 = arith.constant 0 : i32
    %dma_start3A_40 = arith.constant 0 : i32
    %dma_start3A_41 = tpu.memref_slice %arg9[%dma_start3A_38, %dma_start3A_39, %dma_start3A_40] : memref<3x80x128xf32, #tpu.memory_space<vmem>> -> memref<1x80x128xf32, #tpu.memory_space<vmem>>
    %dma_start3A_42 = tpu.memref_squeeze %dma_start3A_41 : memref<1x80x128xf32, #tpu.memory_space<vmem>> -> memref<80x128xf32, #tpu.memory_space<vmem>>
    %dma_start3A_43 = tpu.memref_slice %arg7[%multiple_of3A_25] : memref<10240xi32, #tpu.memory_space<vmem>> -> memref<80xi32, #tpu.memory_space<vmem>>
    %dma_start3A_44 = arith.constant 0 : i32
    %dma_start3A_45 = arith.constant 0 : i32
    %dma_start3A_46 = tpu.memref_slice %arg2[%dma_start3A_44, %dma_start3A_45] : memref<10000x128xf32, #tpu.memory_space<hbm>> -> memref<10000x128xf32, #tpu.memory_space<hbm>>
    tpu.enqueue_indirect_dma source(%dma_start3A_46 : memref<10000x128xf32, #tpu.memory_space<hbm>>) target(%dma_start3A_42 : memref<80x128xf32, #tpu.memory_space<vmem>>) offsets(%dma_start3A_43 : memref<80xi32, #tpu.memory_space<vmem>>) semaphore(%arg12 : memref<!tpu.dma_semaphore, #tpu.memory_space<semaphore_mem>>)
    %multiple_of3A_47 = arith.constant 160 : i32
    %multiple_of3A_48 = tpu.assume_multiple %multiple_of3A_47, 8 : i32
    %add3A_49 = arith.constant 160 : i32
    %add3A_50 = arith.addi %mul3A_2, %add3A_49 : i32
    %multiple_of3A_51 = tpu.assume_multiple %add3A_50, 8 : i32
    %dma_start3A_52 = arith.constant 2 : i32
    %dma_start3A_53 = arith.constant 0 : i32
    %dma_start3A_54 = tpu.memref_slice %arg8[%dma_start3A_52, %dma_start3A_53] : memref<3x80xi32, #tpu.memory_space<vmem>> -> memref<1x80xi32, #tpu.memory_space<vmem>>
    %dma_start3A_55 = tpu.memref_squeeze %dma_start3A_54 : memref<1x80xi32, #tpu.memory_space<vmem>> -> memref<80xi32, #tpu.memory_space<vmem>>
    %dma_start3A_56 = tpu.memref_slice %arg4[%multiple_of3A_51] : memref<327680xi32, #tpu.memory_space<hbm>> -> memref<80xi32, #tpu.memory_space<hbm>>
    %dma_start3A_57 = arith.constant 0 : i32
    %dma_start3A_58 = tpu.memref_slice %arg8[%dma_start3A_52, %dma_start3A_57] : memref<3x80xi32, #tpu.memory_space<vmem>> -> memref<1x80xi32, #tpu.memory_space<vmem>>
    %dma_start3A_59 = tpu.memref_squeeze %dma_start3A_58 : memref<1x80xi32, #tpu.memory_space<vmem>> -> memref<80xi32, #tpu.memory_space<vmem>>
    %dma_start3A_60 = tpu.memref_slice %arg4[%multiple_of3A_51] : memref<327680xi32, #tpu.memory_space<hbm>> -> memref<80xi32, #tpu.memory_space<hbm>>
    tpu.enqueue_dma source(%dma_start3A_60 : memref<80xi32, #tpu.memory_space<hbm>>) target(%dma_start3A_59 : memref<80xi32, #tpu.memory_space<vmem>>) target_semaphore(%arg16 : memref<!tpu.dma_semaphore, #tpu.memory_space<semaphore_mem>>)
    %dma_start3A_61 = arith.constant 2 : i32
    %dma_start3A_62 = arith.constant 0 : i32
    %dma_start3A_63 = arith.constant 0 : i32
    %dma_start3A_64 = tpu.memref_slice %arg9[%dma_start3A_61, %dma_start3A_62, %dma_start3A_63] : memref<3x80x128xf32, #tpu.memory_space<vmem>> -> memref<1x80x128xf32, #tpu.memory_space<vmem>>
    %dma_start3A_65 = tpu.memref_squeeze %dma_start3A_64 : memref<1x80x128xf32, #tpu.memory_space<vmem>> -> memref<80x128xf32, #tpu.memory_space<vmem>>
    %dma_start3A_66 = tpu.memref_slice %arg7[%multiple_of3A_48] : memref<10240xi32, #tpu.memory_space<vmem>> -> memref<80xi32, #tpu.memory_space<vmem>>
    %dma_start3A_67 = arith.constant 0 : i32
    %dma_start3A_68 = arith.constant 0 : i32
    %dma_start3A_69 = tpu.memref_slice %arg2[%dma_start3A_67, %dma_start3A_68] : memref<10000x128xf32, #tpu.memory_space<hbm>> -> memref<10000x128xf32, #tpu.memory_space<hbm>>
    tpu.enqueue_indirect_dma source(%dma_start3A_69 : memref<10000x128xf32, #tpu.memory_space<hbm>>) target(%dma_start3A_65 : memref<80x128xf32, #tpu.memory_space<vmem>>) offsets(%dma_start3A_66 : memref<80xi32, #tpu.memory_space<vmem>>) semaphore(%arg13 : memref<!tpu.dma_semaphore, #tpu.memory_space<semaphore_mem>>)
    %mul3A_70 = arith.constant 640 : i32
    %mul3A_71 = arith.muli %arg1, %mul3A_70 : i32
    "tpu.region"() ({
      %run_scoped3A_179 = tpu.sem_alloc : memref<!tpu.dma_semaphore, #tpu.memory_space<semaphore_mem>>
      %dma_start3A_180 = arith.constant 0 : i32
      %dma_start3A_181 = tpu.memref_slice %arg10[%mul3A_71, %dma_start3A_180] : memref<10240x128xf32, #tpu.memory_space<vmem_shared>> -> memref<640x128xf32, #tpu.memory_space<vmem_shared>>
      tpu.enqueue_dma source(%arg5 : memref<640x128xf32, #tpu.memory_space<hbm>>) target(%dma_start3A_181 : memref<640x128xf32, #tpu.memory_space<vmem_shared>>) target_semaphore(%run_scoped3A_179 : memref<!tpu.dma_semaphore, #tpu.memory_space<semaphore_mem>>)
      %dma_wait3A_182 = arith.constant 0 : i32
      %dma_wait3A_183 = tpu.memref_slice %arg10[%mul3A_71, %dma_wait3A_182] : memref<10240x128xf32, #tpu.memory_space<vmem_shared>> -> memref<640x128xf32, #tpu.memory_space<vmem_shared>>
      tpu.wait_dma2 semaphore(%run_scoped3A_179 : memref<!tpu.dma_semaphore, #tpu.memory_space<semaphore_mem>>) src(%arg5 : memref<640x128xf32, #tpu.memory_space<hbm>>) dst(%dma_wait3A_183 : memref<640x128xf32, #tpu.memory_space<vmem_shared>>)
      tpu.yield
    }) : () -> ()
    %barrier3A = arith.constant 0 : index
    tpu.barrier barrier_id(%barrier3A)
    %scan3A = arith.constant 0 : i32
    %scan3A_72 = arith.constant 0 : i32
    %scan3A_73 = arith.constant 42 : i32
    %scan3A_74 = arith.addi %scan3A_72, %scan3A_73 : i32
    %scan3A_75 = arith.constant 1 : i32
    scf.for %scan3A_179 = %scan3A_72 to %scan3A_74 step %scan3A_75  : i32 {
      %mul3A_180 = arith.constant 3 : i32
      %mul3A_181 = arith.muli %scan3A_179, %mul3A_180 : i32
      %add3A_182 = arith.constant 0 : i32
      %add3A_183 = arith.addi %mul3A_181, %add3A_182 : i32
      %mul3A_184 = arith.constant 80 : i32
      %mul3A_185 = arith.muli %add3A_183, %mul3A_184 : i32
      %multiple_of3A_186 = tpu.assume_multiple %mul3A_185, 8 : i32
      %mul3A_187 = arith.constant 80 : i32
      %mul3A_188 = arith.muli %add3A_183, %mul3A_187 : i32
      %add3A_189 = arith.addi %mul3A_2, %mul3A_188 : i32
      %multiple_of3A_190 = tpu.assume_multiple %add3A_189, 8 : i32
      %dma_wait3A_191 = arith.constant 0 : i32
      %dma_wait3A_192 = arith.constant 0 : i32
      %dma_wait3A_193 = tpu.memref_slice %arg8[%dma_wait3A_191, %dma_wait3A_192] : memref<3x80xi32, #tpu.memory_space<vmem>> -> memref<1x80xi32, #tpu.memory_space<vmem>>
      %dma_wait3A_194 = tpu.memref_squeeze %dma_wait3A_193 : memref<1x80xi32, #tpu.memory_space<vmem>> -> memref<80xi32, #tpu.memory_space<vmem>>
      %dma_wait3A_195 = tpu.memref_slice %arg4[%multiple_of3A_190] : memref<327680xi32, #tpu.memory_space<hbm>> -> memref<80xi32, #tpu.memory_space<hbm>>
      %dma_wait3A_196 = arith.constant 0 : i32
      %dma_wait3A_197 = tpu.memref_slice %arg8[%dma_wait3A_191, %dma_wait3A_196] : memref<3x80xi32, #tpu.memory_space<vmem>> -> memref<1x80xi32, #tpu.memory_space<vmem>>
      %dma_wait3A_198 = tpu.memref_squeeze %dma_wait3A_197 : memref<1x80xi32, #tpu.memory_space<vmem>> -> memref<80xi32, #tpu.memory_space<vmem>>
      %dma_wait3A_199 = tpu.memref_slice %arg4[%multiple_of3A_190] : memref<327680xi32, #tpu.memory_space<hbm>> -> memref<80xi32, #tpu.memory_space<hbm>>
      tpu.wait_dma2 semaphore(%arg14 : memref<!tpu.dma_semaphore, #tpu.memory_space<semaphore_mem>>) src(%dma_wait3A_199 : memref<80xi32, #tpu.memory_space<hbm>>) dst(%dma_wait3A_198 : memref<80xi32, #tpu.memory_space<vmem>>)
      %dma_wait3A_200 = arith.constant 0 : i32
      %dma_wait3A_201 = arith.constant 0 : i32
      %dma_wait3A_202 = arith.constant 0 : i32
      %dma_wait3A_203 = tpu.memref_slice %arg9[%dma_wait3A_200, %dma_wait3A_201, %dma_wait3A_202] : memref<3x80x128xf32, #tpu.memory_space<vmem>> -> memref<1x80x128xf32, #tpu.memory_space<vmem>>
      %dma_wait3A_204 = tpu.memref_squeeze %dma_wait3A_203 : memref<1x80x128xf32, #tpu.memory_space<vmem>> -> memref<80x128xf32, #tpu.memory_space<vmem>>
      %dma_wait3A_205 = tpu.memref_slice %arg7[%multiple_of3A_186] : memref<10240xi32, #tpu.memory_space<vmem>> -> memref<80xi32, #tpu.memory_space<vmem>>
      %dma_wait3A_206 = arith.constant 0 : i32
      %dma_wait3A_207 = arith.constant 0 : i32
      %dma_wait3A_208 = tpu.memref_slice %arg2[%dma_wait3A_206, %dma_wait3A_207] : memref<10000x128xf32, #tpu.memory_space<hbm>> -> memref<10000x128xf32, #tpu.memory_space<hbm>>
      tpu.wait_indirect_dma semaphore(%arg11 : memref<!tpu.dma_semaphore, #tpu.memory_space<semaphore_mem>>) src(%dma_wait3A_208 : memref<10000x128xf32, #tpu.memory_space<hbm>>) dst(%dma_wait3A_204 : memref<80x128xf32, #tpu.memory_space<vmem>>)
      %run_scoped3A_209 = arith.constant 0 : i32
      %run_scoped3A_210 = arith.constant 0 : i32
      "tpu.region"() ({
        %run_scoped3A_285 = tpu.sem_alloc : memref<!tpu.dma_semaphore, #tpu.memory_space<semaphore_mem>>
        %dma_start3A_286 = arith.constant 0 : i32
        %dma_start3A_287 = arith.constant 0 : i32
        %dma_start3A_288 = tpu.memref_slice %arg9[%run_scoped3A_209, %dma_start3A_286, %dma_start3A_287] : memref<3x80x128xf32, #tpu.memory_space<vmem>> -> memref<1x80x128xf32, #tpu.memory_space<vmem>>
        %dma_start3A_289 = tpu.memref_squeeze %dma_start3A_288 : memref<1x80x128xf32, #tpu.memory_space<vmem>> -> memref<80x128xf32, #tpu.memory_space<vmem>>
        %dma_start3A_290 = arith.constant 0 : i32
        %dma_start3A_291 = tpu.memref_slice %arg8[%run_scoped3A_210, %dma_start3A_290] : memref<3x80xi32, #tpu.memory_space<vmem>> -> memref<1x80xi32, #tpu.memory_space<vmem>>
        %dma_start3A_292 = tpu.memref_squeeze %dma_start3A_291 : memref<1x80xi32, #tpu.memory_space<vmem>> -> memref<80xi32, #tpu.memory_space<vmem>>
        %dma_start3A_293 = arith.constant 0 : i32
        %dma_start3A_294 = arith.constant 0 : i32
        %dma_start3A_295 = tpu.memref_slice %arg10[%dma_start3A_293, %dma_start3A_294] : memref<10240x128xf32, #tpu.memory_space<vmem_shared>> -> memref<10240x128xf32, #tpu.memory_space<vmem_shared>>
        tpu.enqueue_indirect_dma source(%dma_start3A_289 : memref<80x128xf32, #tpu.memory_space<vmem>>) target(%dma_start3A_295 : memref<10240x128xf32, #tpu.memory_space<vmem_shared>>) offsets(%dma_start3A_292 : memref<80xi32, #tpu.memory_space<vmem>>) semaphore(%run_scoped3A_285 : memref<!tpu.dma_semaphore, #tpu.memory_space<semaphore_mem>>) {add = true}
        %dma_wait3A_296 = arith.constant 0 : i32
        %dma_wait3A_297 = arith.constant 0 : i32
        %dma_wait3A_298 = tpu.memref_slice %arg9[%run_scoped3A_209, %dma_wait3A_296, %dma_wait3A_297] : memref<3x80x128xf32, #tpu.memory_space<vmem>> -> memref<1x80x128xf32, #tpu.memory_space<vmem>>
        %dma_wait3A_299 = tpu.memref_squeeze %dma_wait3A_298 : memref<1x80x128xf32, #tpu.memory_space<vmem>> -> memref<80x128xf32, #tpu.memory_space<vmem>>
        %dma_wait3A_300 = arith.constant 0 : i32
        %dma_wait3A_301 = tpu.memref_slice %arg8[%run_scoped3A_210, %dma_wait3A_300] : memref<3x80xi32, #tpu.memory_space<vmem>> -> memref<1x80xi32, #tpu.memory_space<vmem>>
        %dma_wait3A_302 = tpu.memref_squeeze %dma_wait3A_301 : memref<1x80xi32, #tpu.memory_space<vmem>> -> memref<80xi32, #tpu.memory_space<vmem>>
        %dma_wait3A_303 = arith.constant 0 : i32
        %dma_wait3A_304 = arith.constant 0 : i32
        %dma_wait3A_305 = tpu.memref_slice %arg10[%dma_wait3A_303, %dma_wait3A_304] : memref<10240x128xf32, #tpu.memory_space<vmem_shared>> -> memref<10240x128xf32, #tpu.memory_space<vmem_shared>>
        tpu.wait_indirect_dma semaphore(%run_scoped3A_285 : memref<!tpu.dma_semaphore, #tpu.memory_space<semaphore_mem>>) src(%dma_wait3A_299 : memref<80x128xf32, #tpu.memory_space<vmem>>) dst(%dma_wait3A_305 : memref<10240x128xf32, #tpu.memory_space<vmem_shared>>)
        tpu.yield
      }) : () -> ()
      %lt3A = arith.constant 41 : i32
      %lt3A_211 = arith.cmpi slt, %scan3A_179, %lt3A : i32
      %convert_element_type3A = arith.extui %lt3A_211 : i1 to i32
      %cond3A = arith.constant 0 : i32
      %cond3A_212 = arith.cmpi ne, %convert_element_type3A, %cond3A : i32
      scf.if %cond3A_212 {
        %add3A_285 = arith.constant 1 : i32
        %add3A_286 = arith.addi %scan3A_179, %add3A_285 : i32
        %mul3A_287 = arith.constant 3 : i32
        %mul3A_288 = arith.muli %add3A_286, %mul3A_287 : i32
        %add3A_289 = arith.constant 0 : i32
        %add3A_290 = arith.addi %mul3A_288, %add3A_289 : i32
        %mul3A_291 = arith.constant 80 : i32
        %mul3A_292 = arith.muli %add3A_290, %mul3A_291 : i32
        %multiple_of3A_293 = tpu.assume_multiple %mul3A_292, 8 : i32
        %mul3A_294 = arith.constant 80 : i32
        %mul3A_295 = arith.muli %add3A_290, %mul3A_294 : i32
        %add3A_296 = arith.addi %mul3A_2, %mul3A_295 : i32
        %multiple_of3A_297 = tpu.assume_multiple %add3A_296, 8 : i32
        %dma_start3A_298 = arith.constant 0 : i32
        %dma_start3A_299 = arith.constant 0 : i32
        %dma_start3A_300 = tpu.memref_slice %arg8[%dma_start3A_298, %dma_start3A_299] : memref<3x80xi32, #tpu.memory_space<vmem>> -> memref<1x80xi32, #tpu.memory_space<vmem>>
        %dma_start3A_301 = tpu.memref_squeeze %dma_start3A_300 : memref<1x80xi32, #tpu.memory_space<vmem>> -> memref<80xi32, #tpu.memory_space<vmem>>
        %dma_start3A_302 = tpu.memref_slice %arg4[%multiple_of3A_297] : memref<327680xi32, #tpu.memory_space<hbm>> -> memref<80xi32, #tpu.memory_space<hbm>>
        %dma_start3A_303 = arith.constant 0 : i32
        %dma_start3A_304 = tpu.memref_slice %arg8[%dma_start3A_298, %dma_start3A_303] : memref<3x80xi32, #tpu.memory_space<vmem>> -> memref<1x80xi32, #tpu.memory_space<vmem>>
        %dma_start3A_305 = tpu.memref_squeeze %dma_start3A_304 : memref<1x80xi32, #tpu.memory_space<vmem>> -> memref<80xi32, #tpu.memory_space<vmem>>
        %dma_start3A_306 = tpu.memref_slice %arg4[%multiple_of3A_297] : memref<327680xi32, #tpu.memory_space<hbm>> -> memref<80xi32, #tpu.memory_space<hbm>>
        tpu.enqueue_dma source(%dma_start3A_306 : memref<80xi32, #tpu.memory_space<hbm>>) target(%dma_start3A_305 : memref<80xi32, #tpu.memory_space<vmem>>) target_semaphore(%arg14 : memref<!tpu.dma_semaphore, #tpu.memory_space<semaphore_mem>>)
        %dma_start3A_307 = arith.constant 0 : i32
        %dma_start3A_308 = arith.constant 0 : i32
        %dma_start3A_309 = arith.constant 0 : i32
        %dma_start3A_310 = tpu.memref_slice %arg9[%dma_start3A_307, %dma_start3A_308, %dma_start3A_309] : memref<3x80x128xf32, #tpu.memory_space<vmem>> -> memref<1x80x128xf32, #tpu.memory_space<vmem>>
        %dma_start3A_311 = tpu.memref_squeeze %dma_start3A_310 : memref<1x80x128xf32, #tpu.memory_space<vmem>> -> memref<80x128xf32, #tpu.memory_space<vmem>>
        %dma_start3A_312 = tpu.memref_slice %arg7[%multiple_of3A_293] : memref<10240xi32, #tpu.memory_space<vmem>> -> memref<80xi32, #tpu.memory_space<vmem>>
        %dma_start3A_313 = arith.constant 0 : i32
        %dma_start3A_314 = arith.constant 0 : i32
        %dma_start3A_315 = tpu.memref_slice %arg2[%dma_start3A_313, %dma_start3A_314] : memref<10000x128xf32, #tpu.memory_space<hbm>> -> memref<10000x128xf32, #tpu.memory_space<hbm>>
        tpu.enqueue_indirect_dma source(%dma_start3A_315 : memref<10000x128xf32, #tpu.memory_space<hbm>>) target(%dma_start3A_311 : memref<80x128xf32, #tpu.memory_space<vmem>>) offsets(%dma_start3A_312 : memref<80xi32, #tpu.memory_space<vmem>>) semaphore(%arg11 : memref<!tpu.dma_semaphore, #tpu.memory_space<semaphore_mem>>)
      } else {
      }
      %mul3A_213 = arith.constant 3 : i32
      %mul3A_214 = arith.muli %scan3A_179, %mul3A_213 : i32
      %add3A_215 = arith.constant 1 : i32
      %add3A_216 = arith.addi %mul3A_214, %add3A_215 : i32
      %mul3A_217 = arith.constant 80 : i32
      %mul3A_218 = arith.muli %add3A_216, %mul3A_217 : i32
      %multiple_of3A_219 = tpu.assume_multiple %mul3A_218, 8 : i32
      %mul3A_220 = arith.constant 80 : i32
      %mul3A_221 = arith.muli %add3A_216, %mul3A_220 : i32
      %add3A_222 = arith.addi %mul3A_2, %mul3A_221 : i32
      %multiple_of3A_223 = tpu.assume_multiple %add3A_222, 8 : i32
      %dma_wait3A_224 = arith.constant 1 : i32
      %dma_wait3A_225 = arith.constant 0 : i32
      %dma_wait3A_226 = tpu.memref_slice %arg8[%dma_wait3A_224, %dma_wait3A_225] : memref<3x80xi32, #tpu.memory_space<vmem>> -> memref<1x80xi32, #tpu.memory_space<vmem>>
      %dma_wait3A_227 = tpu.memref_squeeze %dma_wait3A_226 : memref<1x80xi32, #tpu.memory_space<vmem>> -> memref<80xi32, #tpu.memory_space<vmem>>
      %dma_wait3A_228 = tpu.memref_slice %arg4[%multiple_of3A_223] : memref<327680xi32, #tpu.memory_space<hbm>> -> memref<80xi32, #tpu.memory_space<hbm>>
      %dma_wait3A_229 = arith.constant 0 : i32
      %dma_wait3A_230 = tpu.memref_slice %arg8[%dma_wait3A_224, %dma_wait3A_229] : memref<3x80xi32, #tpu.memory_space<vmem>> -> memref<1x80xi32, #tpu.memory_space<vmem>>
      %dma_wait3A_231 = tpu.memref_squeeze %dma_wait3A_230 : memref<1x80xi32, #tpu.memory_space<vmem>> -> memref<80xi32, #tpu.memory_space<vmem>>
      %dma_wait3A_232 = tpu.memref_slice %arg4[%multiple_of3A_223] : memref<327680xi32, #tpu.memory_space<hbm>> -> memref<80xi32, #tpu.memory_space<hbm>>
      tpu.wait_dma2 semaphore(%arg15 : memref<!tpu.dma_semaphore, #tpu.memory_space<semaphore_mem>>) src(%dma_wait3A_232 : memref<80xi32, #tpu.memory_space<hbm>>) dst(%dma_wait3A_231 : memref<80xi32, #tpu.memory_space<vmem>>)
      %dma_wait3A_233 = arith.constant 1 : i32
      %dma_wait3A_234 = arith.constant 0 : i32
      %dma_wait3A_235 = arith.constant 0 : i32
      %dma_wait3A_236 = tpu.memref_slice %arg9[%dma_wait3A_233, %dma_wait3A_234, %dma_wait3A_235] : memref<3x80x128xf32, #tpu.memory_space<vmem>> -> memref<1x80x128xf32, #tpu.memory_space<vmem>>
      %dma_wait3A_237 = tpu.memref_squeeze %dma_wait3A_236 : memref<1x80x128xf32, #tpu.memory_space<vmem>> -> memref<80x128xf32, #tpu.memory_space<vmem>>
      %dma_wait3A_238 = tpu.memref_slice %arg7[%multiple_of3A_219] : memref<10240xi32, #tpu.memory_space<vmem>> -> memref<80xi32, #tpu.memory_space<vmem>>
      %dma_wait3A_239 = arith.constant 0 : i32
      %dma_wait3A_240 = arith.constant 0 : i32
      %dma_wait3A_241 = tpu.memref_slice %arg2[%dma_wait3A_239, %dma_wait3A_240] : memref<10000x128xf32, #tpu.memory_space<hbm>> -> memref<10000x128xf32, #tpu.memory_space<hbm>>
      tpu.wait_indirect_dma semaphore(%arg12 : memref<!tpu.dma_semaphore, #tpu.memory_space<semaphore_mem>>) src(%dma_wait3A_241 : memref<10000x128xf32, #tpu.memory_space<hbm>>) dst(%dma_wait3A_237 : memref<80x128xf32, #tpu.memory_space<vmem>>)
      %run_scoped3A_242 = arith.constant 1 : i32
      %run_scoped3A_243 = arith.constant 1 : i32
      "tpu.region"() ({
        %run_scoped3A_285 = tpu.sem_alloc : memref<!tpu.dma_semaphore, #tpu.memory_space<semaphore_mem>>
        %dma_start3A_286 = arith.constant 0 : i32
        %dma_start3A_287 = arith.constant 0 : i32
        %dma_start3A_288 = tpu.memref_slice %arg9[%run_scoped3A_242, %dma_start3A_286, %dma_start3A_287] : memref<3x80x128xf32, #tpu.memory_space<vmem>> -> memref<1x80x128xf32, #tpu.memory_space<vmem>>
        %dma_start3A_289 = tpu.memref_squeeze %dma_start3A_288 : memref<1x80x128xf32, #tpu.memory_space<vmem>> -> memref<80x128xf32, #tpu.memory_space<vmem>>
        %dma_start3A_290 = arith.constant 0 : i32
        %dma_start3A_291 = tpu.memref_slice %arg8[%run_scoped3A_243, %dma_start3A_290] : memref<3x80xi32, #tpu.memory_space<vmem>> -> memref<1x80xi32, #tpu.memory_space<vmem>>
        %dma_start3A_292 = tpu.memref_squeeze %dma_start3A_291 : memref<1x80xi32, #tpu.memory_space<vmem>> -> memref<80xi32, #tpu.memory_space<vmem>>
        %dma_start3A_293 = arith.constant 0 : i32
        %dma_start3A_294 = arith.constant 0 : i32
        %dma_start3A_295 = tpu.memref_slice %arg10[%dma_start3A_293, %dma_start3A_294] : memref<10240x128xf32, #tpu.memory_space<vmem_shared>> -> memref<10240x128xf32, #tpu.memory_space<vmem_shared>>
        tpu.enqueue_indirect_dma source(%dma_start3A_289 : memref<80x128xf32, #tpu.memory_space<vmem>>) target(%dma_start3A_295 : memref<10240x128xf32, #tpu.memory_space<vmem_shared>>) offsets(%dma_start3A_292 : memref<80xi32, #tpu.memory_space<vmem>>) semaphore(%run_scoped3A_285 : memref<!tpu.dma_semaphore, #tpu.memory_space<semaphore_mem>>) {add = true}
        %dma_wait3A_296 = arith.constant 0 : i32
        %dma_wait3A_297 = arith.constant 0 : i32
        %dma_wait3A_298 = tpu.memref_slice %arg9[%run_scoped3A_242, %dma_wait3A_296, %dma_wait3A_297] : memref<3x80x128xf32, #tpu.memory_space<vmem>> -> memref<1x80x128xf32, #tpu.memory_space<vmem>>
        %dma_wait3A_299 = tpu.memref_squeeze %dma_wait3A_298 : memref<1x80x128xf32, #tpu.memory_space<vmem>> -> memref<80x128xf32, #tpu.memory_space<vmem>>
        %dma_wait3A_300 = arith.constant 0 : i32
        %dma_wait3A_301 = tpu.memref_slice %arg8[%run_scoped3A_243, %dma_wait3A_300] : memref<3x80xi32, #tpu.memory_space<vmem>> -> memref<1x80xi32, #tpu.memory_space<vmem>>
        %dma_wait3A_302 = tpu.memref_squeeze %dma_wait3A_301 : memref<1x80xi32, #tpu.memory_space<vmem>> -> memref<80xi32, #tpu.memory_space<vmem>>
        %dma_wait3A_303 = arith.constant 0 : i32
        %dma_wait3A_304 = arith.constant 0 : i32
        %dma_wait3A_305 = tpu.memref_slice %arg10[%dma_wait3A_303, %dma_wait3A_304] : memref<10240x128xf32, #tpu.memory_space<vmem_shared>> -> memref<10240x128xf32, #tpu.memory_space<vmem_shared>>
        tpu.wait_indirect_dma semaphore(%run_scoped3A_285 : memref<!tpu.dma_semaphore, #tpu.memory_space<semaphore_mem>>) src(%dma_wait3A_299 : memref<80x128xf32, #tpu.memory_space<vmem>>) dst(%dma_wait3A_305 : memref<10240x128xf32, #tpu.memory_space<vmem_shared>>)
        tpu.yield
      }) : () -> ()
      %lt3A_244 = arith.constant 41 : i32
      %lt3A_245 = arith.cmpi slt, %scan3A_179, %lt3A_244 : i32
      %convert_element_type3A_246 = arith.extui %lt3A_245 : i1 to i32
      %cond3A_247 = arith.constant 0 : i32
      %cond3A_248 = arith.cmpi ne, %convert_element_type3A_246, %cond3A_247 : i32
      scf.if %cond3A_248 {
        %add3A_285 = arith.constant 1 : i32
        %add3A_286 = arith.addi %scan3A_179, %add3A_285 : i32
        %mul3A_287 = arith.constant 3 : i32
        %mul3A_288 = arith.muli %add3A_286, %mul3A_287 : i32
        %add3A_289 = arith.constant 1 : i32
        %add3A_290 = arith.addi %mul3A_288, %add3A_289 : i32
        %mul3A_291 = arith.constant 80 : i32
        %mul3A_292 = arith.muli %add3A_290, %mul3A_291 : i32
        %multiple_of3A_293 = tpu.assume_multiple %mul3A_292, 8 : i32
        %mul3A_294 = arith.constant 80 : i32
        %mul3A_295 = arith.muli %add3A_290, %mul3A_294 : i32
        %add3A_296 = arith.addi %mul3A_2, %mul3A_295 : i32
        %multiple_of3A_297 = tpu.assume_multiple %add3A_296, 8 : i32
        %dma_start3A_298 = arith.constant 1 : i32
        %dma_start3A_299 = arith.constant 0 : i32
        %dma_start3A_300 = tpu.memref_slice %arg8[%dma_start3A_298, %dma_start3A_299] : memref<3x80xi32, #tpu.memory_space<vmem>> -> memref<1x80xi32, #tpu.memory_space<vmem>>
        %dma_start3A_301 = tpu.memref_squeeze %dma_start3A_300 : memref<1x80xi32, #tpu.memory_space<vmem>> -> memref<80xi32, #tpu.memory_space<vmem>>
        %dma_start3A_302 = tpu.memref_slice %arg4[%multiple_of3A_297] : memref<327680xi32, #tpu.memory_space<hbm>> -> memref<80xi32, #tpu.memory_space<hbm>>
        %dma_start3A_303 = arith.constant 0 : i32
        %dma_start3A_304 = tpu.memref_slice %arg8[%dma_start3A_298, %dma_start3A_303] : memref<3x80xi32, #tpu.memory_space<vmem>> -> memref<1x80xi32, #tpu.memory_space<vmem>>
        %dma_start3A_305 = tpu.memref_squeeze %dma_start3A_304 : memref<1x80xi32, #tpu.memory_space<vmem>> -> memref<80xi32, #tpu.memory_space<vmem>>
        %dma_start3A_306 = tpu.memref_slice %arg4[%multiple_of3A_297] : memref<327680xi32, #tpu.memory_space<hbm>> -> memref<80xi32, #tpu.memory_space<hbm>>
        tpu.enqueue_dma source(%dma_start3A_306 : memref<80xi32, #tpu.memory_space<hbm>>) target(%dma_start3A_305 : memref<80xi32, #tpu.memory_space<vmem>>) target_semaphore(%arg15 : memref<!tpu.dma_semaphore, #tpu.memory_space<semaphore_mem>>)
        %dma_start3A_307 = arith.constant 1 : i32
        %dma_start3A_308 = arith.constant 0 : i32
        %dma_start3A_309 = arith.constant 0 : i32
        %dma_start3A_310 = tpu.memref_slice %arg9[%dma_start3A_307, %dma_start3A_308, %dma_start3A_309] : memref<3x80x128xf32, #tpu.memory_space<vmem>> -> memref<1x80x128xf32, #tpu.memory_space<vmem>>
        %dma_start3A_311 = tpu.memref_squeeze %dma_start3A_310 : memref<1x80x128xf32, #tpu.memory_space<vmem>> -> memref<80x128xf32, #tpu.memory_space<vmem>>
        %dma_start3A_312 = tpu.memref_slice %arg7[%multiple_of3A_293] : memref<10240xi32, #tpu.memory_space<vmem>> -> memref<80xi32, #tpu.memory_space<vmem>>
        %dma_start3A_313 = arith.constant 0 : i32
        %dma_start3A_314 = arith.constant 0 : i32
        %dma_start3A_315 = tpu.memref_slice %arg2[%dma_start3A_313, %dma_start3A_314] : memref<10000x128xf32, #tpu.memory_space<hbm>> -> memref<10000x128xf32, #tpu.memory_space<hbm>>
        tpu.enqueue_indirect_dma source(%dma_start3A_315 : memref<10000x128xf32, #tpu.memory_space<hbm>>) target(%dma_start3A_311 : memref<80x128xf32, #tpu.memory_space<vmem>>) offsets(%dma_start3A_312 : memref<80xi32, #tpu.memory_space<vmem>>) semaphore(%arg12 : memref<!tpu.dma_semaphore, #tpu.memory_space<semaphore_mem>>)
      } else {
      }
      %mul3A_249 = arith.constant 3 : i32
      %mul3A_250 = arith.muli %scan3A_179, %mul3A_249 : i32
      %add3A_251 = arith.constant 2 : i32
      %add3A_252 = arith.addi %mul3A_250, %add3A_251 : i32
      %mul3A_253 = arith.constant 80 : i32
      %mul3A_254 = arith.muli %add3A_252, %mul3A_253 : i32
      %multiple_of3A_255 = tpu.assume_multiple %mul3A_254, 8 : i32
      %mul3A_256 = arith.constant 80 : i32
      %mul3A_257 = arith.muli %add3A_252, %mul3A_256 : i32
      %add3A_258 = arith.addi %mul3A_2, %mul3A_257 : i32
      %multiple_of3A_259 = tpu.assume_multiple %add3A_258, 8 : i32
      %dma_wait3A_260 = arith.constant 2 : i32
      %dma_wait3A_261 = arith.constant 0 : i32
      %dma_wait3A_262 = tpu.memref_slice %arg8[%dma_wait3A_260, %dma_wait3A_261] : memref<3x80xi32, #tpu.memory_space<vmem>> -> memref<1x80xi32, #tpu.memory_space<vmem>>
      %dma_wait3A_263 = tpu.memref_squeeze %dma_wait3A_262 : memref<1x80xi32, #tpu.memory_space<vmem>> -> memref<80xi32, #tpu.memory_space<vmem>>
      %dma_wait3A_264 = tpu.memref_slice %arg4[%multiple_of3A_259] : memref<327680xi32, #tpu.memory_space<hbm>> -> memref<80xi32, #tpu.memory_space<hbm>>
      %dma_wait3A_265 = arith.constant 0 : i32
      %dma_wait3A_266 = tpu.memref_slice %arg8[%dma_wait3A_260, %dma_wait3A_265] : memref<3x80xi32, #tpu.memory_space<vmem>> -> memref<1x80xi32, #tpu.memory_space<vmem>>
      %dma_wait3A_267 = tpu.memref_squeeze %dma_wait3A_266 : memref<1x80xi32, #tpu.memory_space<vmem>> -> memref<80xi32, #tpu.memory_space<vmem>>
      %dma_wait3A_268 = tpu.memref_slice %arg4[%multiple_of3A_259] : memref<327680xi32, #tpu.memory_space<hbm>> -> memref<80xi32, #tpu.memory_space<hbm>>
      tpu.wait_dma2 semaphore(%arg16 : memref<!tpu.dma_semaphore, #tpu.memory_space<semaphore_mem>>) src(%dma_wait3A_268 : memref<80xi32, #tpu.memory_space<hbm>>) dst(%dma_wait3A_267 : memref<80xi32, #tpu.memory_space<vmem>>)
      %dma_wait3A_269 = arith.constant 2 : i32
      %dma_wait3A_270 = arith.constant 0 : i32
      %dma_wait3A_271 = arith.constant 0 : i32
      %dma_wait3A_272 = tpu.memref_slice %arg9[%dma_wait3A_269, %dma_wait3A_270, %dma_wait3A_271] : memref<3x80x128xf32, #tpu.memory_space<vmem>> -> memref<1x80x128xf32, #tpu.memory_space<vmem>>
      %dma_wait3A_273 = tpu.memref_squeeze %dma_wait3A_272 : memref<1x80x128xf32, #tpu.memory_space<vmem>> -> memref<80x128xf32, #tpu.memory_space<vmem>>
      %dma_wait3A_274 = tpu.memref_slice %arg7[%multiple_of3A_255] : memref<10240xi32, #tpu.memory_space<vmem>> -> memref<80xi32, #tpu.memory_space<vmem>>
      %dma_wait3A_275 = arith.constant 0 : i32
      %dma_wait3A_276 = arith.constant 0 : i32
      %dma_wait3A_277 = tpu.memref_slice %arg2[%dma_wait3A_275, %dma_wait3A_276] : memref<10000x128xf32, #tpu.memory_space<hbm>> -> memref<10000x128xf32, #tpu.memory_space<hbm>>
      tpu.wait_indirect_dma semaphore(%arg13 : memref<!tpu.dma_semaphore, #tpu.memory_space<semaphore_mem>>) src(%dma_wait3A_277 : memref<10000x128xf32, #tpu.memory_space<hbm>>) dst(%dma_wait3A_273 : memref<80x128xf32, #tpu.memory_space<vmem>>)
      %run_scoped3A_278 = arith.constant 2 : i32
      %run_scoped3A_279 = arith.constant 2 : i32
      "tpu.region"() ({
        %run_scoped3A_285 = tpu.sem_alloc : memref<!tpu.dma_semaphore, #tpu.memory_space<semaphore_mem>>
        %dma_start3A_286 = arith.constant 0 : i32
        %dma_start3A_287 = arith.constant 0 : i32
        %dma_start3A_288 = tpu.memref_slice %arg9[%run_scoped3A_278, %dma_start3A_286, %dma_start3A_287] : memref<3x80x128xf32, #tpu.memory_space<vmem>> -> memref<1x80x128xf32, #tpu.memory_space<vmem>>
        %dma_start3A_289 = tpu.memref_squeeze %dma_start3A_288 : memref<1x80x128xf32, #tpu.memory_space<vmem>> -> memref<80x128xf32, #tpu.memory_space<vmem>>
        %dma_start3A_290 = arith.constant 0 : i32
        %dma_start3A_291 = tpu.memref_slice %arg8[%run_scoped3A_279, %dma_start3A_290] : memref<3x80xi32, #tpu.memory_space<vmem>> -> memref<1x80xi32, #tpu.memory_space<vmem>>
        %dma_start3A_292 = tpu.memref_squeeze %dma_start3A_291 : memref<1x80xi32, #tpu.memory_space<vmem>> -> memref<80xi32, #tpu.memory_space<vmem>>
        %dma_start3A_293 = arith.constant 0 : i32
        %dma_start3A_294 = arith.constant 0 : i32
        %dma_start3A_295 = tpu.memref_slice %arg10[%dma_start3A_293, %dma_start3A_294] : memref<10240x128xf32, #tpu.memory_space<vmem_shared>> -> memref<10240x128xf32, #tpu.memory_space<vmem_shared>>
        tpu.enqueue_indirect_dma source(%dma_start3A_289 : memref<80x128xf32, #tpu.memory_space<vmem>>) target(%dma_start3A_295 : memref<10240x128xf32, #tpu.memory_space<vmem_shared>>) offsets(%dma_start3A_292 : memref<80xi32, #tpu.memory_space<vmem>>) semaphore(%run_scoped3A_285 : memref<!tpu.dma_semaphore, #tpu.memory_space<semaphore_mem>>) {add = true}
        %dma_wait3A_296 = arith.constant 0 : i32
        %dma_wait3A_297 = arith.constant 0 : i32
        %dma_wait3A_298 = tpu.memref_slice %arg9[%run_scoped3A_278, %dma_wait3A_296, %dma_wait3A_297] : memref<3x80x128xf32, #tpu.memory_space<vmem>> -> memref<1x80x128xf32, #tpu.memory_space<vmem>>
        %dma_wait3A_299 = tpu.memref_squeeze %dma_wait3A_298 : memref<1x80x128xf32, #tpu.memory_space<vmem>> -> memref<80x128xf32, #tpu.memory_space<vmem>>
        %dma_wait3A_300 = arith.constant 0 : i32
        %dma_wait3A_301 = tpu.memref_slice %arg8[%run_scoped3A_279, %dma_wait3A_300] : memref<3x80xi32, #tpu.memory_space<vmem>> -> memref<1x80xi32, #tpu.memory_space<vmem>>
        %dma_wait3A_302 = tpu.memref_squeeze %dma_wait3A_301 : memref<1x80xi32, #tpu.memory_space<vmem>> -> memref<80xi32, #tpu.memory_space<vmem>>
        %dma_wait3A_303 = arith.constant 0 : i32
        %dma_wait3A_304 = arith.constant 0 : i32
        %dma_wait3A_305 = tpu.memref_slice %arg10[%dma_wait3A_303, %dma_wait3A_304] : memref<10240x128xf32, #tpu.memory_space<vmem_shared>> -> memref<10240x128xf32, #tpu.memory_space<vmem_shared>>
        tpu.wait_indirect_dma semaphore(%run_scoped3A_285 : memref<!tpu.dma_semaphore, #tpu.memory_space<semaphore_mem>>) src(%dma_wait3A_299 : memref<80x128xf32, #tpu.memory_space<vmem>>) dst(%dma_wait3A_305 : memref<10240x128xf32, #tpu.memory_space<vmem_shared>>)
        tpu.yield
      }) : () -> ()
      %lt3A_280 = arith.constant 41 : i32
      %lt3A_281 = arith.cmpi slt, %scan3A_179, %lt3A_280 : i32
      %convert_element_type3A_282 = arith.extui %lt3A_281 : i1 to i32
      %cond3A_283 = arith.constant 0 : i32
      %cond3A_284 = arith.cmpi ne, %convert_element_type3A_282, %cond3A_283 : i32
      scf.if %cond3A_284 {
        %add3A_285 = arith.constant 1 : i32
        %add3A_286 = arith.addi %scan3A_179, %add3A_285 : i32
        %mul3A_287 = arith.constant 3 : i32
        %mul3A_288 = arith.muli %add3A_286, %mul3A_287 : i32
        %add3A_289 = arith.constant 2 : i32
        %add3A_290 = arith.addi %mul3A_288, %add3A_289 : i32
        %mul3A_291 = arith.constant 80 : i32
        %mul3A_292 = arith.muli %add3A_290, %mul3A_291 : i32
        %multiple_of3A_293 = tpu.assume_multiple %mul3A_292, 8 : i32
        %mul3A_294 = arith.constant 80 : i32
        %mul3A_295 = arith.muli %add3A_290, %mul3A_294 : i32
        %add3A_296 = arith.addi %mul3A_2, %mul3A_295 : i32
        %multiple_of3A_297 = tpu.assume_multiple %add3A_296, 8 : i32
        %dma_start3A_298 = arith.constant 2 : i32
        %dma_start3A_299 = arith.constant 0 : i32
        %dma_start3A_300 = tpu.memref_slice %arg8[%dma_start3A_298, %dma_start3A_299] : memref<3x80xi32, #tpu.memory_space<vmem>> -> memref<1x80xi32, #tpu.memory_space<vmem>>
        %dma_start3A_301 = tpu.memref_squeeze %dma_start3A_300 : memref<1x80xi32, #tpu.memory_space<vmem>> -> memref<80xi32, #tpu.memory_space<vmem>>
        %dma_start3A_302 = tpu.memref_slice %arg4[%multiple_of3A_297] : memref<327680xi32, #tpu.memory_space<hbm>> -> memref<80xi32, #tpu.memory_space<hbm>>
        %dma_start3A_303 = arith.constant 0 : i32
        %dma_start3A_304 = tpu.memref_slice %arg8[%dma_start3A_298, %dma_start3A_303] : memref<3x80xi32, #tpu.memory_space<vmem>> -> memref<1x80xi32, #tpu.memory_space<vmem>>
        %dma_start3A_305 = tpu.memref_squeeze %dma_start3A_304 : memref<1x80xi32, #tpu.memory_space<vmem>> -> memref<80xi32, #tpu.memory_space<vmem>>
        %dma_start3A_306 = tpu.memref_slice %arg4[%multiple_of3A_297] : memref<327680xi32, #tpu.memory_space<hbm>> -> memref<80xi32, #tpu.memory_space<hbm>>
        tpu.enqueue_dma source(%dma_start3A_306 : memref<80xi32, #tpu.memory_space<hbm>>) target(%dma_start3A_305 : memref<80xi32, #tpu.memory_space<vmem>>) target_semaphore(%arg16 : memref<!tpu.dma_semaphore, #tpu.memory_space<semaphore_mem>>)
        %dma_start3A_307 = arith.constant 2 : i32
        %dma_start3A_308 = arith.constant 0 : i32
        %dma_start3A_309 = arith.constant 0 : i32
        %dma_start3A_310 = tpu.memref_slice %arg9[%dma_start3A_307, %dma_start3A_308, %dma_start3A_309] : memref<3x80x128xf32, #tpu.memory_space<vmem>> -> memref<1x80x128xf32, #tpu.memory_space<vmem>>
        %dma_start3A_311 = tpu.memref_squeeze %dma_start3A_310 : memref<1x80x128xf32, #tpu.memory_space<vmem>> -> memref<80x128xf32, #tpu.memory_space<vmem>>
        %dma_start3A_312 = tpu.memref_slice %arg7[%multiple_of3A_293] : memref<10240xi32, #tpu.memory_space<vmem>> -> memref<80xi32, #tpu.memory_space<vmem>>
        %dma_start3A_313 = arith.constant 0 : i32
        %dma_start3A_314 = arith.constant 0 : i32
        %dma_start3A_315 = tpu.memref_slice %arg2[%dma_start3A_313, %dma_start3A_314] : memref<10000x128xf32, #tpu.memory_space<hbm>> -> memref<10000x128xf32, #tpu.memory_space<hbm>>
        tpu.enqueue_indirect_dma source(%dma_start3A_315 : memref<10000x128xf32, #tpu.memory_space<hbm>>) target(%dma_start3A_311 : memref<80x128xf32, #tpu.memory_space<vmem>>) offsets(%dma_start3A_312 : memref<80xi32, #tpu.memory_space<vmem>>) semaphore(%arg13 : memref<!tpu.dma_semaphore, #tpu.memory_space<semaphore_mem>>)
      } else {
      }
    }
    %scan3A_76 = arith.constant 42 : i32
    %multiple_of3A_77 = arith.constant 10080 : i32
    %multiple_of3A_78 = tpu.assume_multiple %multiple_of3A_77, 8 : i32
    %add3A_79 = arith.constant 10080 : i32
    %add3A_80 = arith.addi %mul3A_2, %add3A_79 : i32
    %multiple_of3A_81 = tpu.assume_multiple %add3A_80, 8 : i32
    %dma_start3A_82 = arith.constant 0 : i32
    %dma_start3A_83 = arith.constant 0 : i32
    %dma_start3A_84 = tpu.memref_slice %arg8[%dma_start3A_82, %dma_start3A_83] : memref<3x80xi32, #tpu.memory_space<vmem>> -> memref<1x80xi32, #tpu.memory_space<vmem>>
    %dma_start3A_85 = tpu.memref_squeeze %dma_start3A_84 : memref<1x80xi32, #tpu.memory_space<vmem>> -> memref<80xi32, #tpu.memory_space<vmem>>
    %dma_start3A_86 = tpu.memref_slice %arg4[%multiple_of3A_81] : memref<327680xi32, #tpu.memory_space<hbm>> -> memref<80xi32, #tpu.memory_space<hbm>>
    %dma_start3A_87 = arith.constant 0 : i32
    %dma_start3A_88 = tpu.memref_slice %arg8[%dma_start3A_82, %dma_start3A_87] : memref<3x80xi32, #tpu.memory_space<vmem>> -> memref<1x80xi32, #tpu.memory_space<vmem>>
    %dma_start3A_89 = tpu.memref_squeeze %dma_start3A_88 : memref<1x80xi32, #tpu.memory_space<vmem>> -> memref<80xi32, #tpu.memory_space<vmem>>
    %dma_start3A_90 = tpu.memref_slice %arg4[%multiple_of3A_81] : memref<327680xi32, #tpu.memory_space<hbm>> -> memref<80xi32, #tpu.memory_space<hbm>>
    tpu.enqueue_dma source(%dma_start3A_90 : memref<80xi32, #tpu.memory_space<hbm>>) target(%dma_start3A_89 : memref<80xi32, #tpu.memory_space<vmem>>) target_semaphore(%arg14 : memref<!tpu.dma_semaphore, #tpu.memory_space<semaphore_mem>>)
    %dma_start3A_91 = arith.constant 0 : i32
    %dma_start3A_92 = arith.constant 0 : i32
    %dma_start3A_93 = arith.constant 0 : i32
    %dma_start3A_94 = tpu.memref_slice %arg9[%dma_start3A_91, %dma_start3A_92, %dma_start3A_93] : memref<3x80x128xf32, #tpu.memory_space<vmem>> -> memref<1x80x128xf32, #tpu.memory_space<vmem>>
    %dma_start3A_95 = tpu.memref_squeeze %dma_start3A_94 : memref<1x80x128xf32, #tpu.memory_space<vmem>> -> memref<80x128xf32, #tpu.memory_space<vmem>>
    %dma_start3A_96 = tpu.memref_slice %arg7[%multiple_of3A_78] : memref<10240xi32, #tpu.memory_space<vmem>> -> memref<80xi32, #tpu.memory_space<vmem>>
    %dma_start3A_97 = arith.constant 0 : i32
    %dma_start3A_98 = arith.constant 0 : i32
    %dma_start3A_99 = tpu.memref_slice %arg2[%dma_start3A_97, %dma_start3A_98] : memref<10000x128xf32, #tpu.memory_space<hbm>> -> memref<10000x128xf32, #tpu.memory_space<hbm>>
    tpu.enqueue_indirect_dma source(%dma_start3A_99 : memref<10000x128xf32, #tpu.memory_space<hbm>>) target(%dma_start3A_95 : memref<80x128xf32, #tpu.memory_space<vmem>>) offsets(%dma_start3A_96 : memref<80xi32, #tpu.memory_space<vmem>>) semaphore(%arg11 : memref<!tpu.dma_semaphore, #tpu.memory_space<semaphore_mem>>)
    %multiple_of3A_100 = arith.constant 10160 : i32
    %multiple_of3A_101 = tpu.assume_multiple %multiple_of3A_100, 8 : i32
    %add3A_102 = arith.constant 10160 : i32
    %add3A_103 = arith.addi %mul3A_2, %add3A_102 : i32
    %multiple_of3A_104 = tpu.assume_multiple %add3A_103, 8 : i32
    %dma_start3A_105 = arith.constant 1 : i32
    %dma_start3A_106 = arith.constant 0 : i32
    %dma_start3A_107 = tpu.memref_slice %arg8[%dma_start3A_105, %dma_start3A_106] : memref<3x80xi32, #tpu.memory_space<vmem>> -> memref<1x80xi32, #tpu.memory_space<vmem>>
    %dma_start3A_108 = tpu.memref_squeeze %dma_start3A_107 : memref<1x80xi32, #tpu.memory_space<vmem>> -> memref<80xi32, #tpu.memory_space<vmem>>
    %dma_start3A_109 = tpu.memref_slice %arg4[%multiple_of3A_104] : memref<327680xi32, #tpu.memory_space<hbm>> -> memref<80xi32, #tpu.memory_space<hbm>>
    %dma_start3A_110 = arith.constant 0 : i32
    %dma_start3A_111 = tpu.memref_slice %arg8[%dma_start3A_105, %dma_start3A_110] : memref<3x80xi32, #tpu.memory_space<vmem>> -> memref<1x80xi32, #tpu.memory_space<vmem>>
    %dma_start3A_112 = tpu.memref_squeeze %dma_start3A_111 : memref<1x80xi32, #tpu.memory_space<vmem>> -> memref<80xi32, #tpu.memory_space<vmem>>
    %dma_start3A_113 = tpu.memref_slice %arg4[%multiple_of3A_104] : memref<327680xi32, #tpu.memory_space<hbm>> -> memref<80xi32, #tpu.memory_space<hbm>>
    tpu.enqueue_dma source(%dma_start3A_113 : memref<80xi32, #tpu.memory_space<hbm>>) target(%dma_start3A_112 : memref<80xi32, #tpu.memory_space<vmem>>) target_semaphore(%arg15 : memref<!tpu.dma_semaphore, #tpu.memory_space<semaphore_mem>>)
    %dma_start3A_114 = arith.constant 1 : i32
    %dma_start3A_115 = arith.constant 0 : i32
    %dma_start3A_116 = arith.constant 0 : i32
    %dma_start3A_117 = tpu.memref_slice %arg9[%dma_start3A_114, %dma_start3A_115, %dma_start3A_116] : memref<3x80x128xf32, #tpu.memory_space<vmem>> -> memref<1x80x128xf32, #tpu.memory_space<vmem>>
    %dma_start3A_118 = tpu.memref_squeeze %dma_start3A_117 : memref<1x80x128xf32, #tpu.memory_space<vmem>> -> memref<80x128xf32, #tpu.memory_space<vmem>>
    %dma_start3A_119 = tpu.memref_slice %arg7[%multiple_of3A_101] : memref<10240xi32, #tpu.memory_space<vmem>> -> memref<80xi32, #tpu.memory_space<vmem>>
    %dma_start3A_120 = arith.constant 0 : i32
    %dma_start3A_121 = arith.constant 0 : i32
    %dma_start3A_122 = tpu.memref_slice %arg2[%dma_start3A_120, %dma_start3A_121] : memref<10000x128xf32, #tpu.memory_space<hbm>> -> memref<10000x128xf32, #tpu.memory_space<hbm>>
    tpu.enqueue_indirect_dma source(%dma_start3A_122 : memref<10000x128xf32, #tpu.memory_space<hbm>>) target(%dma_start3A_118 : memref<80x128xf32, #tpu.memory_space<vmem>>) offsets(%dma_start3A_119 : memref<80xi32, #tpu.memory_space<vmem>>) semaphore(%arg12 : memref<!tpu.dma_semaphore, #tpu.memory_space<semaphore_mem>>)
    %multiple_of3A_123 = arith.constant 10080 : i32
    %multiple_of3A_124 = tpu.assume_multiple %multiple_of3A_123, 8 : i32
    %add3A_125 = arith.constant 10080 : i32
    %add3A_126 = arith.addi %mul3A_2, %add3A_125 : i32
    %multiple_of3A_127 = tpu.assume_multiple %add3A_126, 8 : i32
    %dma_wait3A = arith.constant 0 : i32
    %dma_wait3A_128 = arith.constant 0 : i32
    %dma_wait3A_129 = tpu.memref_slice %arg8[%dma_wait3A, %dma_wait3A_128] : memref<3x80xi32, #tpu.memory_space<vmem>> -> memref<1x80xi32, #tpu.memory_space<vmem>>
    %dma_wait3A_130 = tpu.memref_squeeze %dma_wait3A_129 : memref<1x80xi32, #tpu.memory_space<vmem>> -> memref<80xi32, #tpu.memory_space<vmem>>
    %dma_wait3A_131 = tpu.memref_slice %arg4[%multiple_of3A_127] : memref<327680xi32, #tpu.memory_space<hbm>> -> memref<80xi32, #tpu.memory_space<hbm>>
    %dma_wait3A_132 = arith.constant 0 : i32
    %dma_wait3A_133 = tpu.memref_slice %arg8[%dma_wait3A, %dma_wait3A_132] : memref<3x80xi32, #tpu.memory_space<vmem>> -> memref<1x80xi32, #tpu.memory_space<vmem>>
    %dma_wait3A_134 = tpu.memref_squeeze %dma_wait3A_133 : memref<1x80xi32, #tpu.memory_space<vmem>> -> memref<80xi32, #tpu.memory_space<vmem>>
    %dma_wait3A_135 = tpu.memref_slice %arg4[%multiple_of3A_127] : memref<327680xi32, #tpu.memory_space<hbm>> -> memref<80xi32, #tpu.memory_space<hbm>>
    tpu.wait_dma2 semaphore(%arg14 : memref<!tpu.dma_semaphore, #tpu.memory_space<semaphore_mem>>) src(%dma_wait3A_135 : memref<80xi32, #tpu.memory_space<hbm>>) dst(%dma_wait3A_134 : memref<80xi32, #tpu.memory_space<vmem>>)
    %dma_wait3A_136 = arith.constant 0 : i32
    %dma_wait3A_137 = arith.constant 0 : i32
    %dma_wait3A_138 = arith.constant 0 : i32
    %dma_wait3A_139 = tpu.memref_slice %arg9[%dma_wait3A_136, %dma_wait3A_137, %dma_wait3A_138] : memref<3x80x128xf32, #tpu.memory_space<vmem>> -> memref<1x80x128xf32, #tpu.memory_space<vmem>>
    %dma_wait3A_140 = tpu.memref_squeeze %dma_wait3A_139 : memref<1x80x128xf32, #tpu.memory_space<vmem>> -> memref<80x128xf32, #tpu.memory_space<vmem>>
    %dma_wait3A_141 = tpu.memref_slice %arg7[%multiple_of3A_124] : memref<10240xi32, #tpu.memory_space<vmem>> -> memref<80xi32, #tpu.memory_space<vmem>>
    %dma_wait3A_142 = arith.constant 0 : i32
    %dma_wait3A_143 = arith.constant 0 : i32
    %dma_wait3A_144 = tpu.memref_slice %arg2[%dma_wait3A_142, %dma_wait3A_143] : memref<10000x128xf32, #tpu.memory_space<hbm>> -> memref<10000x128xf32, #tpu.memory_space<hbm>>
    tpu.wait_indirect_dma semaphore(%arg11 : memref<!tpu.dma_semaphore, #tpu.memory_space<semaphore_mem>>) src(%dma_wait3A_144 : memref<10000x128xf32, #tpu.memory_space<hbm>>) dst(%dma_wait3A_140 : memref<80x128xf32, #tpu.memory_space<vmem>>)
    %run_scoped3A = arith.constant 0 : i32
    %run_scoped3A_145 = arith.constant 0 : i32
    "tpu.region"() ({
      %run_scoped3A_179 = tpu.sem_alloc : memref<!tpu.dma_semaphore, #tpu.memory_space<semaphore_mem>>
      %dma_start3A_180 = arith.constant 0 : i32
      %dma_start3A_181 = arith.constant 0 : i32
      %dma_start3A_182 = tpu.memref_slice %arg9[%run_scoped3A, %dma_start3A_180, %dma_start3A_181] : memref<3x80x128xf32, #tpu.memory_space<vmem>> -> memref<1x80x128xf32, #tpu.memory_space<vmem>>
      %dma_start3A_183 = tpu.memref_squeeze %dma_start3A_182 : memref<1x80x128xf32, #tpu.memory_space<vmem>> -> memref<80x128xf32, #tpu.memory_space<vmem>>
      %dma_start3A_184 = arith.constant 0 : i32
      %dma_start3A_185 = tpu.memref_slice %arg8[%run_scoped3A_145, %dma_start3A_184] : memref<3x80xi32, #tpu.memory_space<vmem>> -> memref<1x80xi32, #tpu.memory_space<vmem>>
      %dma_start3A_186 = tpu.memref_squeeze %dma_start3A_185 : memref<1x80xi32, #tpu.memory_space<vmem>> -> memref<80xi32, #tpu.memory_space<vmem>>
      %dma_start3A_187 = arith.constant 0 : i32
      %dma_start3A_188 = arith.constant 0 : i32
      %dma_start3A_189 = tpu.memref_slice %arg10[%dma_start3A_187, %dma_start3A_188] : memref<10240x128xf32, #tpu.memory_space<vmem_shared>> -> memref<10240x128xf32, #tpu.memory_space<vmem_shared>>
      tpu.enqueue_indirect_dma source(%dma_start3A_183 : memref<80x128xf32, #tpu.memory_space<vmem>>) target(%dma_start3A_189 : memref<10240x128xf32, #tpu.memory_space<vmem_shared>>) offsets(%dma_start3A_186 : memref<80xi32, #tpu.memory_space<vmem>>) semaphore(%run_scoped3A_179 : memref<!tpu.dma_semaphore, #tpu.memory_space<semaphore_mem>>) {add = true}
      %dma_wait3A_190 = arith.constant 0 : i32
      %dma_wait3A_191 = arith.constant 0 : i32
      %dma_wait3A_192 = tpu.memref_slice %arg9[%run_scoped3A, %dma_wait3A_190, %dma_wait3A_191] : memref<3x80x128xf32, #tpu.memory_space<vmem>> -> memref<1x80x128xf32, #tpu.memory_space<vmem>>
      %dma_wait3A_193 = tpu.memref_squeeze %dma_wait3A_192 : memref<1x80x128xf32, #tpu.memory_space<vmem>> -> memref<80x128xf32, #tpu.memory_space<vmem>>
      %dma_wait3A_194 = arith.constant 0 : i32
      %dma_wait3A_195 = tpu.memref_slice %arg8[%run_scoped3A_145, %dma_wait3A_194] : memref<3x80xi32, #tpu.memory_space<vmem>> -> memref<1x80xi32, #tpu.memory_space<vmem>>
      %dma_wait3A_196 = tpu.memref_squeeze %dma_wait3A_195 : memref<1x80xi32, #tpu.memory_space<vmem>> -> memref<80xi32, #tpu.memory_space<vmem>>
      %dma_wait3A_197 = arith.constant 0 : i32
      %dma_wait3A_198 = arith.constant 0 : i32
      %dma_wait3A_199 = tpu.memref_slice %arg10[%dma_wait3A_197, %dma_wait3A_198] : memref<10240x128xf32, #tpu.memory_space<vmem_shared>> -> memref<10240x128xf32, #tpu.memory_space<vmem_shared>>
      tpu.wait_indirect_dma semaphore(%run_scoped3A_179 : memref<!tpu.dma_semaphore, #tpu.memory_space<semaphore_mem>>) src(%dma_wait3A_193 : memref<80x128xf32, #tpu.memory_space<vmem>>) dst(%dma_wait3A_199 : memref<10240x128xf32, #tpu.memory_space<vmem_shared>>)
      tpu.yield
    }) : () -> ()
    %multiple_of3A_146 = arith.constant 10160 : i32
    %multiple_of3A_147 = tpu.assume_multiple %multiple_of3A_146, 8 : i32
    %add3A_148 = arith.constant 10160 : i32
    %add3A_149 = arith.addi %mul3A_2, %add3A_148 : i32
    %multiple_of3A_150 = tpu.assume_multiple %add3A_149, 8 : i32
    %dma_wait3A_151 = arith.constant 1 : i32
    %dma_wait3A_152 = arith.constant 0 : i32
    %dma_wait3A_153 = tpu.memref_slice %arg8[%dma_wait3A_151, %dma_wait3A_152] : memref<3x80xi32, #tpu.memory_space<vmem>> -> memref<1x80xi32, #tpu.memory_space<vmem>>
    %dma_wait3A_154 = tpu.memref_squeeze %dma_wait3A_153 : memref<1x80xi32, #tpu.memory_space<vmem>> -> memref<80xi32, #tpu.memory_space<vmem>>
    %dma_wait3A_155 = tpu.memref_slice %arg4[%multiple_of3A_150] : memref<327680xi32, #tpu.memory_space<hbm>> -> memref<80xi32, #tpu.memory_space<hbm>>
    %dma_wait3A_156 = arith.constant 0 : i32
    %dma_wait3A_157 = tpu.memref_slice %arg8[%dma_wait3A_151, %dma_wait3A_156] : memref<3x80xi32, #tpu.memory_space<vmem>> -> memref<1x80xi32, #tpu.memory_space<vmem>>
    %dma_wait3A_158 = tpu.memref_squeeze %dma_wait3A_157 : memref<1x80xi32, #tpu.memory_space<vmem>> -> memref<80xi32, #tpu.memory_space<vmem>>
    %dma_wait3A_159 = tpu.memref_slice %arg4[%multiple_of3A_150] : memref<327680xi32, #tpu.memory_space<hbm>> -> memref<80xi32, #tpu.memory_space<hbm>>
    tpu.wait_dma2 semaphore(%arg15 : memref<!tpu.dma_semaphore, #tpu.memory_space<semaphore_mem>>) src(%dma_wait3A_159 : memref<80xi32, #tpu.memory_space<hbm>>) dst(%dma_wait3A_158 : memref<80xi32, #tpu.memory_space<vmem>>)
    %dma_wait3A_160 = arith.constant 1 : i32
    %dma_wait3A_161 = arith.constant 0 : i32
    %dma_wait3A_162 = arith.constant 0 : i32
    %dma_wait3A_163 = tpu.memref_slice %arg9[%dma_wait3A_160, %dma_wait3A_161, %dma_wait3A_162] : memref<3x80x128xf32, #tpu.memory_space<vmem>> -> memref<1x80x128xf32, #tpu.memory_space<vmem>>
    %dma_wait3A_164 = tpu.memref_squeeze %dma_wait3A_163 : memref<1x80x128xf32, #tpu.memory_space<vmem>> -> memref<80x128xf32, #tpu.memory_space<vmem>>
    %dma_wait3A_165 = tpu.memref_slice %arg7[%multiple_of3A_147] : memref<10240xi32, #tpu.memory_space<vmem>> -> memref<80xi32, #tpu.memory_space<vmem>>
    %dma_wait3A_166 = arith.constant 0 : i32
    %dma_wait3A_167 = arith.constant 0 : i32
    %dma_wait3A_168 = tpu.memref_slice %arg2[%dma_wait3A_166, %dma_wait3A_167] : memref<10000x128xf32, #tpu.memory_space<hbm>> -> memref<10000x128xf32, #tpu.memory_space<hbm>>
    tpu.wait_indirect_dma semaphore(%arg12 : memref<!tpu.dma_semaphore, #tpu.memory_space<semaphore_mem>>) src(%dma_wait3A_168 : memref<10000x128xf32, #tpu.memory_space<hbm>>) dst(%dma_wait3A_164 : memref<80x128xf32, #tpu.memory_space<vmem>>)
    %run_scoped3A_169 = arith.constant 1 : i32
    %run_scoped3A_170 = arith.constant 1 : i32
    "tpu.region"() ({
      %run_scoped3A_179 = tpu.sem_alloc : memref<!tpu.dma_semaphore, #tpu.memory_space<semaphore_mem>>
      %dma_start3A_180 = arith.constant 0 : i32
      %dma_start3A_181 = arith.constant 0 : i32
      %dma_start3A_182 = tpu.memref_slice %arg9[%run_scoped3A_169, %dma_start3A_180, %dma_start3A_181] : memref<3x80x128xf32, #tpu.memory_space<vmem>> -> memref<1x80x128xf32, #tpu.memory_space<vmem>>
      %dma_start3A_183 = tpu.memref_squeeze %dma_start3A_182 : memref<1x80x128xf32, #tpu.memory_space<vmem>> -> memref<80x128xf32, #tpu.memory_space<vmem>>
      %dma_start3A_184 = arith.constant 0 : i32
      %dma_start3A_185 = tpu.memref_slice %arg8[%run_scoped3A_170, %dma_start3A_184] : memref<3x80xi32, #tpu.memory_space<vmem>> -> memref<1x80xi32, #tpu.memory_space<vmem>>
      %dma_start3A_186 = tpu.memref_squeeze %dma_start3A_185 : memref<1x80xi32, #tpu.memory_space<vmem>> -> memref<80xi32, #tpu.memory_space<vmem>>
      %dma_start3A_187 = arith.constant 0 : i32
      %dma_start3A_188 = arith.constant 0 : i32
      %dma_start3A_189 = tpu.memref_slice %arg10[%dma_start3A_187, %dma_start3A_188] : memref<10240x128xf32, #tpu.memory_space<vmem_shared>> -> memref<10240x128xf32, #tpu.memory_space<vmem_shared>>
      tpu.enqueue_indirect_dma source(%dma_start3A_183 : memref<80x128xf32, #tpu.memory_space<vmem>>) target(%dma_start3A_189 : memref<10240x128xf32, #tpu.memory_space<vmem_shared>>) offsets(%dma_start3A_186 : memref<80xi32, #tpu.memory_space<vmem>>) semaphore(%run_scoped3A_179 : memref<!tpu.dma_semaphore, #tpu.memory_space<semaphore_mem>>) {add = true}
      %dma_wait3A_190 = arith.constant 0 : i32
      %dma_wait3A_191 = arith.constant 0 : i32
      %dma_wait3A_192 = tpu.memref_slice %arg9[%run_scoped3A_169, %dma_wait3A_190, %dma_wait3A_191] : memref<3x80x128xf32, #tpu.memory_space<vmem>> -> memref<1x80x128xf32, #tpu.memory_space<vmem>>
      %dma_wait3A_193 = tpu.memref_squeeze %dma_wait3A_192 : memref<1x80x128xf32, #tpu.memory_space<vmem>> -> memref<80x128xf32, #tpu.memory_space<vmem>>
      %dma_wait3A_194 = arith.constant 0 : i32
      %dma_wait3A_195 = tpu.memref_slice %arg8[%run_scoped3A_170, %dma_wait3A_194] : memref<3x80xi32, #tpu.memory_space<vmem>> -> memref<1x80xi32, #tpu.memory_space<vmem>>
      %dma_wait3A_196 = tpu.memref_squeeze %dma_wait3A_195 : memref<1x80xi32, #tpu.memory_space<vmem>> -> memref<80xi32, #tpu.memory_space<vmem>>
      %dma_wait3A_197 = arith.constant 0 : i32
      %dma_wait3A_198 = arith.constant 0 : i32
      %dma_wait3A_199 = tpu.memref_slice %arg10[%dma_wait3A_197, %dma_wait3A_198] : memref<10240x128xf32, #tpu.memory_space<vmem_shared>> -> memref<10240x128xf32, #tpu.memory_space<vmem_shared>>
      tpu.wait_indirect_dma semaphore(%run_scoped3A_179 : memref<!tpu.dma_semaphore, #tpu.memory_space<semaphore_mem>>) src(%dma_wait3A_193 : memref<80x128xf32, #tpu.memory_space<vmem>>) dst(%dma_wait3A_199 : memref<10240x128xf32, #tpu.memory_space<vmem_shared>>)
      tpu.yield
    }) : () -> ()
    %barrier3A_171 = arith.constant 0 : index
    tpu.barrier barrier_id(%barrier3A_171)
    %mul3A_172 = arith.constant 10240 : i32
    %mul3A_173 = arith.muli %arg0, %mul3A_172 : i32
    %mul3A_174 = arith.constant 640 : i32
    %mul3A_175 = arith.muli %arg1, %mul3A_174 : i32
    %add3A_176 = arith.addi %mul3A_173, %mul3A_175 : i32
    %mul3A_177 = arith.constant 640 : i32
    %mul3A_178 = arith.muli %arg1, %mul3A_177 : i32
    "tpu.region"() ({
      %run_scoped3A_179 = tpu.sem_alloc : memref<!tpu.dma_semaphore, #tpu.memory_space<semaphore_mem>>
      %dma_start3A_180 = arith.constant 0 : i32
      %dma_start3A_181 = tpu.memref_slice %arg6[%add3A_176, %dma_start3A_180] : memref<20480x128xf32, #tpu.memory_space<hbm>> -> memref<640x128xf32, #tpu.memory_space<hbm>>
      %dma_start3A_182 = arith.constant 0 : i32
      %dma_start3A_183 = tpu.memref_slice %arg10[%mul3A_178, %dma_start3A_182] : memref<10240x128xf32, #tpu.memory_space<vmem_shared>> -> memref<640x128xf32, #tpu.memory_space<vmem_shared>>
      tpu.enqueue_dma source(%dma_start3A_183 : memref<640x128xf32, #tpu.memory_space<vmem_shared>>) target(%dma_start3A_181 : memref<640x128xf32, #tpu.memory_space<hbm>>) target_semaphore(%run_scoped3A_179 : memref<!tpu.dma_semaphore, #tpu.memory_space<semaphore_mem>>)
      %dma_wait3A_184 = arith.constant 0 : i32
      %dma_wait3A_185 = tpu.memref_slice %arg6[%add3A_176, %dma_wait3A_184] : memref<20480x128xf32, #tpu.memory_space<hbm>> -> memref<640x128xf32, #tpu.memory_space<hbm>>
      %dma_wait3A_186 = arith.constant 0 : i32
      %dma_wait3A_187 = tpu.memref_slice %arg10[%mul3A_178, %dma_wait3A_186] : memref<10240x128xf32, #tpu.memory_space<vmem_shared>> -> memref<640x128xf32, #tpu.memory_space<vmem_shared>>
      tpu.wait_dma2 semaphore(%run_scoped3A_179 : memref<!tpu.dma_semaphore, #tpu.memory_space<semaphore_mem>>) src(%dma_wait3A_187 : memref<640x128xf32, #tpu.memory_space<vmem_shared>>) dst(%dma_wait3A_185 : memref<640x128xf32, #tpu.memory_space<hbm>>)
      tpu.yield
    }) : () -> ()
    return
  }
}

#map = affine_map<(d0, d1) -> (0, 0)>
#map1 = affine_map<(d0, d1) -> (0)>
module attributes {stable_mosaic.version = 14 : i64} {
  func.func @_edge_agg(%arg0: i32, %arg1: i32, %arg2: memref<10000x128xf32, #tpu.memory_space<hbm>>, %arg3: memref<327680xi32, #tpu.memory_space<hbm>>, %arg4: memref<327680xi32, #tpu.memory_space<hbm>>, %arg5: memref<640x128xf32, #tpu.memory_space<hbm>>, %arg6: memref<20480x128xf32, #tpu.memory_space<hbm>>, %arg7: memref<10240xi32, #tpu.memory_space<vmem>>, %arg8: memref<3x80xi32, #tpu.memory_space<vmem>>, %arg9: memref<3x80x128xf32, #tpu.memory_space<vmem>>, %arg10: memref<10240x128xf32, #tpu.memory_space<vmem_shared>>, %arg11: memref<!tpu.dma_semaphore, #tpu.memory_space<semaphore_mem>>, %arg12: memref<!tpu.dma_semaphore, #tpu.memory_space<semaphore_mem>>, %arg13: memref<!tpu.dma_semaphore, #tpu.memory_space<semaphore_mem>>, %arg14: memref<!tpu.dma_semaphore, #tpu.memory_space<semaphore_mem>>, %arg15: memref<!tpu.dma_semaphore, #tpu.memory_space<semaphore_mem>>, %arg16: memref<!tpu.dma_semaphore, #tpu.memory_space<semaphore_mem>>) attributes {dimension_semantics = [#tpu.dimension_semantics<core_parallel>, #tpu.dimension_semantics<subcore_parallel>], iteration_bounds = array<i64: 2, 16>, scalar_prefetch = 0 : i64, scratch_operands = 10 : i64, tpu.core_type = #tpu.core_type<sc_vector_subcore>, window_params = [{transform_indices = #map}, {transform_indices = #map1}, {transform_indices = #map1}, {transform_indices = #map}, {transform_indices = #map}]} {
    %mul3A = arith.constant 2 : i32
    %mul3A_0 = arith.muli %arg1, %mul3A : i32
    %add3A = arith.addi %mul3A_0, %arg0 : i32
    %mul3A_1 = arith.constant 10240 : i32
    %mul3A_2 = arith.muli %add3A, %mul3A_1 : i32
    "tpu.region"() ({
      %run_scoped3A_179 = tpu.sem_alloc : memref<!tpu.dma_semaphore, #tpu.memory_space<semaphore_mem>>
      %dma_start3A_180 = tpu.memref_slice %arg3[%mul3A_2] : memref<327680xi32, #tpu.memory_space<hbm>> -> memref<10240xi32, #tpu.memory_space<hbm>>
      %dma_start3A_181 = tpu.memref_slice %arg3[%mul3A_2] : memref<327680xi32, #tpu.memory_space<hbm>> -> memref<10240xi32, #tpu.memory_space<hbm>>
      tpu.enqueue_dma source(%dma_start3A_181 : memref<10240xi32, #tpu.memory_space<hbm>>) target(%arg7 : memref<10240xi32, #tpu.memory_space<vmem>>) target_semaphore(%run_scoped3A_179 : memref<!tpu.dma_semaphore, #tpu.memory_space<semaphore_mem>>)
      %dma_wait3A_182 = tpu.memref_slice %arg3[%mul3A_2] : memref<327680xi32, #tpu.memory_space<hbm>> -> memref<10240xi32, #tpu.memory_space<hbm>>
      %dma_wait3A_183 = tpu.memref_slice %arg3[%mul3A_2] : memref<327680xi32, #tpu.memory_space<hbm>> -> memref<10240xi32, #tpu.memory_space<hbm>>
      tpu.wait_dma2 semaphore(%run_scoped3A_179 : memref<!tpu.dma_semaphore, #tpu.memory_space<semaphore_mem>>) src(%dma_wait3A_183 : memref<10240xi32, #tpu.memory_space<hbm>>) dst(%arg7 : memref<10240xi32, #tpu.memory_space<vmem>>)
      tpu.yield
    }) : () -> ()
    %multiple_of3A = arith.constant 0 : i32
    %multiple_of3A_3 = tpu.assume_multiple %multiple_of3A, 8 : i32
    %add3A_4 = arith.constant 0 : i32
    %add3A_5 = arith.addi %mul3A_2, %add3A_4 : i32
    %multiple_of3A_6 = tpu.assume_multiple %add3A_5, 8 : i32
    %dma_start3A = arith.constant 0 : i32
    %dma_start3A_7 = arith.constant 0 : i32
    %dma_start3A_8 = tpu.memref_slice %arg8[%dma_start3A, %dma_start3A_7] : memref<3x80xi32, #tpu.memory_space<vmem>> -> memref<1x80xi32, #tpu.memory_space<vmem>>
    %dma_start3A_9 = tpu.memref_squeeze %dma_start3A_8 : memref<1x80xi32, #tpu.memory_space<vmem>> -> memref<80xi32, #tpu.memory_space<vmem>>
    %dma_start3A_10 = tpu.memref_slice %arg4[%multiple_of3A_6] : memref<327680xi32, #tpu.memory_space<hbm>> -> memref<80xi32, #tpu.memory_space<hbm>>
    %dma_start3A_11 = arith.constant 0 : i32
    %dma_start3A_12 = tpu.memref_slice %arg8[%dma_start3A, %dma_start3A_11] : memref<3x80xi32, #tpu.memory_space<vmem>> -> memref<1x80xi32, #tpu.memory_space<vmem>>
    %dma_start3A_13 = tpu.memref_squeeze %dma_start3A_12 : memref<1x80xi32, #tpu.memory_space<vmem>> -> memref<80xi32, #tpu.memory_space<vmem>>
    %dma_start3A_14 = tpu.memref_slice %arg4[%multiple_of3A_6] : memref<327680xi32, #tpu.memory_space<hbm>> -> memref<80xi32, #tpu.memory_space<hbm>>
    tpu.enqueue_dma source(%dma_start3A_14 : memref<80xi32, #tpu.memory_space<hbm>>) target(%dma_start3A_13 : memref<80xi32, #tpu.memory_space<vmem>>) target_semaphore(%arg14 : memref<!tpu.dma_semaphore, #tpu.memory_space<semaphore_mem>>)
    %dma_start3A_15 = arith.constant 0 : i32
    %dma_start3A_16 = arith.constant 0 : i32
    %dma_start3A_17 = arith.constant 0 : i32
    %dma_start3A_18 = tpu.memref_slice %arg9[%dma_start3A_15, %dma_start3A_16, %dma_start3A_17] : memref<3x80x128xf32, #tpu.memory_space<vmem>> -> memref<1x80x128xf32, #tpu.memory_space<vmem>>
    %dma_start3A_19 = tpu.memref_squeeze %dma_start3A_18 : memref<1x80x128xf32, #tpu.memory_space<vmem>> -> memref<80x128xf32, #tpu.memory_space<vmem>>
    %dma_start3A_20 = tpu.memref_slice %arg7[%multiple_of3A_3] : memref<10240xi32, #tpu.memory_space<vmem>> -> memref<80xi32, #tpu.memory_space<vmem>>
    %dma_start3A_21 = arith.constant 0 : i32
    %dma_start3A_22 = arith.constant 0 : i32
    %dma_start3A_23 = tpu.memref_slice %arg2[%dma_start3A_21, %dma_start3A_22] : memref<10000x128xf32, #tpu.memory_space<hbm>> -> memref<10000x128xf32, #tpu.memory_space<hbm>>
    tpu.enqueue_indirect_dma source(%dma_start3A_23 : memref<10000x128xf32, #tpu.memory_space<hbm>>) target(%dma_start3A_19 : memref<80x128xf32, #tpu.memory_space<vmem>>) offsets(%dma_start3A_20 : memref<80xi32, #tpu.memory_space<vmem>>) semaphore(%arg11 : memref<!tpu.dma_semaphore, #tpu.memory_space<semaphore_mem>>)
    %multiple_of3A_24 = arith.constant 80 : i32
    %multiple_of3A_25 = tpu.assume_multiple %multiple_of3A_24, 8 : i32
    %add3A_26 = arith.constant 80 : i32
    %add3A_27 = arith.addi %mul3A_2, %add3A_26 : i32
    %multiple_of3A_28 = tpu.assume_multiple %add3A_27, 8 : i32
    %dma_start3A_29 = arith.constant 1 : i32
    %dma_start3A_30 = arith.constant 0 : i32
    %dma_start3A_31 = tpu.memref_slice %arg8[%dma_start3A_29, %dma_start3A_30] : memref<3x80xi32, #tpu.memory_space<vmem>> -> memref<1x80xi32, #tpu.memory_space<vmem>>
    %dma_start3A_32 = tpu.memref_squeeze %dma_start3A_31 : memref<1x80xi32, #tpu.memory_space<vmem>> -> memref<80xi32, #tpu.memory_space<vmem>>
    %dma_start3A_33 = tpu.memref_slice %arg4[%multiple_of3A_28] : memref<327680xi32, #tpu.memory_space<hbm>> -> memref<80xi32, #tpu.memory_space<hbm>>
    %dma_start3A_34 = arith.constant 0 : i32
    %dma_start3A_35 = tpu.memref_slice %arg8[%dma_start3A_29, %dma_start3A_34] : memref<3x80xi32, #tpu.memory_space<vmem>> -> memref<1x80xi32, #tpu.memory_space<vmem>>
    %dma_start3A_36 = tpu.memref_squeeze %dma_start3A_35 : memref<1x80xi32, #tpu.memory_space<vmem>> -> memref<80xi32, #tpu.memory_space<vmem>>
    %dma_start3A_37 = tpu.memref_slice %arg4[%multiple_of3A_28] : memref<327680xi32, #tpu.memory_space<hbm>> -> memref<80xi32, #tpu.memory_space<hbm>>
    tpu.enqueue_dma source(%dma_start3A_37 : memref<80xi32, #tpu.memory_space<hbm>>) target(%dma_start3A_36 : memref<80xi32, #tpu.memory_space<vmem>>) target_semaphore(%arg15 : memref<!tpu.dma_semaphore, #tpu.memory_space<semaphore_mem>>)
    %dma_start3A_38 = arith.constant 1 : i32
    %dma_start3A_39 = arith.constant 0 : i32
    %dma_start3A_40 = arith.constant 0 : i32
    %dma_start3A_41 = tpu.memref_slice %arg9[%dma_start3A_38, %dma_start3A_39, %dma_start3A_40] : memref<3x80x128xf32, #tpu.memory_space<vmem>> -> memref<1x80x128xf32, #tpu.memory_space<vmem>>
    %dma_start3A_42 = tpu.memref_squeeze %dma_start3A_41 : memref<1x80x128xf32, #tpu.memory_space<vmem>> -> memref<80x128xf32, #tpu.memory_space<vmem>>
    %dma_start3A_43 = tpu.memref_slice %arg7[%multiple_of3A_25] : memref<10240xi32, #tpu.memory_space<vmem>> -> memref<80xi32, #tpu.memory_space<vmem>>
    %dma_start3A_44 = arith.constant 0 : i32
    %dma_start3A_45 = arith.constant 0 : i32
    %dma_start3A_46 = tpu.memref_slice %arg2[%dma_start3A_44, %dma_start3A_45] : memref<10000x128xf32, #tpu.memory_space<hbm>> -> memref<10000x128xf32, #tpu.memory_space<hbm>>
    tpu.enqueue_indirect_dma source(%dma_start3A_46 : memref<10000x128xf32, #tpu.memory_space<hbm>>) target(%dma_start3A_42 : memref<80x128xf32, #tpu.memory_space<vmem>>) offsets(%dma_start3A_43 : memref<80xi32, #tpu.memory_space<vmem>>) semaphore(%arg12 : memref<!tpu.dma_semaphore, #tpu.memory_space<semaphore_mem>>)
    %multiple_of3A_47 = arith.constant 160 : i32
    %multiple_of3A_48 = tpu.assume_multiple %multiple_of3A_47, 8 : i32
    %add3A_49 = arith.constant 160 : i32
    %add3A_50 = arith.addi %mul3A_2, %add3A_49 : i32
    %multiple_of3A_51 = tpu.assume_multiple %add3A_50, 8 : i32
    %dma_start3A_52 = arith.constant 2 : i32
    %dma_start3A_53 = arith.constant 0 : i32
    %dma_start3A_54 = tpu.memref_slice %arg8[%dma_start3A_52, %dma_start3A_53] : memref<3x80xi32, #tpu.memory_space<vmem>> -> memref<1x80xi32, #tpu.memory_space<vmem>>
    %dma_start3A_55 = tpu.memref_squeeze %dma_start3A_54 : memref<1x80xi32, #tpu.memory_space<vmem>> -> memref<80xi32, #tpu.memory_space<vmem>>
    %dma_start3A_56 = tpu.memref_slice %arg4[%multiple_of3A_51] : memref<327680xi32, #tpu.memory_space<hbm>> -> memref<80xi32, #tpu.memory_space<hbm>>
    %dma_start3A_57 = arith.constant 0 : i32
    %dma_start3A_58 = tpu.memref_slice %arg8[%dma_start3A_52, %dma_start3A_57] : memref<3x80xi32, #tpu.memory_space<vmem>> -> memref<1x80xi32, #tpu.memory_space<vmem>>
    %dma_start3A_59 = tpu.memref_squeeze %dma_start3A_58 : memref<1x80xi32, #tpu.memory_space<vmem>> -> memref<80xi32, #tpu.memory_space<vmem>>
    %dma_start3A_60 = tpu.memref_slice %arg4[%multiple_of3A_51] : memref<327680xi32, #tpu.memory_space<hbm>> -> memref<80xi32, #tpu.memory_space<hbm>>
    tpu.enqueue_dma source(%dma_start3A_60 : memref<80xi32, #tpu.memory_space<hbm>>) target(%dma_start3A_59 : memref<80xi32, #tpu.memory_space<vmem>>) target_semaphore(%arg16 : memref<!tpu.dma_semaphore, #tpu.memory_space<semaphore_mem>>)
    %dma_start3A_61 = arith.constant 2 : i32
    %dma_start3A_62 = arith.constant 0 : i32
    %dma_start3A_63 = arith.constant 0 : i32
    %dma_start3A_64 = tpu.memref_slice %arg9[%dma_start3A_61, %dma_start3A_62, %dma_start3A_63] : memref<3x80x128xf32, #tpu.memory_space<vmem>> -> memref<1x80x128xf32, #tpu.memory_space<vmem>>
    %dma_start3A_65 = tpu.memref_squeeze %dma_start3A_64 : memref<1x80x128xf32, #tpu.memory_space<vmem>> -> memref<80x128xf32, #tpu.memory_space<vmem>>
    %dma_start3A_66 = tpu.memref_slice %arg7[%multiple_of3A_48] : memref<10240xi32, #tpu.memory_space<vmem>> -> memref<80xi32, #tpu.memory_space<vmem>>
    %dma_start3A_67 = arith.constant 0 : i32
    %dma_start3A_68 = arith.constant 0 : i32
    %dma_start3A_69 = tpu.memref_slice %arg2[%dma_start3A_67, %dma_start3A_68] : memref<10000x128xf32, #tpu.memory_space<hbm>> -> memref<10000x128xf32, #tpu.memory_space<hbm>>
    tpu.enqueue_indirect_dma source(%dma_start3A_69 : memref<10000x128xf32, #tpu.memory_space<hbm>>) target(%dma_start3A_65 : memref<80x128xf32, #tpu.memory_space<vmem>>) offsets(%dma_start3A_66 : memref<80xi32, #tpu.memory_space<vmem>>) semaphore(%arg13 : memref<!tpu.dma_semaphore, #tpu.memory_space<semaphore_mem>>)
    %mul3A_70 = arith.constant 640 : i32
    %mul3A_71 = arith.muli %arg1, %mul3A_70 : i32
    "tpu.region"() ({
      %run_scoped3A_179 = tpu.sem_alloc : memref<!tpu.dma_semaphore, #tpu.memory_space<semaphore_mem>>
      %dma_start3A_180 = arith.constant 0 : i32
      %dma_start3A_181 = tpu.memref_slice %arg10[%mul3A_71, %dma_start3A_180] : memref<10240x128xf32, #tpu.memory_space<vmem_shared>> -> memref<640x128xf32, #tpu.memory_space<vmem_shared>>
      tpu.enqueue_dma source(%arg5 : memref<640x128xf32, #tpu.memory_space<hbm>>) target(%dma_start3A_181 : memref<640x128xf32, #tpu.memory_space<vmem_shared>>) target_semaphore(%run_scoped3A_179 : memref<!tpu.dma_semaphore, #tpu.memory_space<semaphore_mem>>)
      %dma_wait3A_182 = arith.constant 0 : i32
      %dma_wait3A_183 = tpu.memref_slice %arg10[%mul3A_71, %dma_wait3A_182] : memref<10240x128xf32, #tpu.memory_space<vmem_shared>> -> memref<640x128xf32, #tpu.memory_space<vmem_shared>>
      tpu.wait_dma2 semaphore(%run_scoped3A_179 : memref<!tpu.dma_semaphore, #tpu.memory_space<semaphore_mem>>) src(%arg5 : memref<640x128xf32, #tpu.memory_space<hbm>>) dst(%dma_wait3A_183 : memref<640x128xf32, #tpu.memory_space<vmem_shared>>)
      tpu.yield
    }) : () -> ()
    %barrier3A = arith.constant 0 : index
    tpu.barrier barrier_id(%barrier3A)
    %scan3A = arith.constant 0 : i32
    %scan3A_72 = arith.constant 0 : i32
    %scan3A_73 = arith.constant 42 : i32
    %scan3A_74 = arith.addi %scan3A_72, %scan3A_73 : i32
    %scan3A_75 = arith.constant 1 : i32
    scf.for %scan3A_179 = %scan3A_72 to %scan3A_74 step %scan3A_75  : i32 {
      %mul3A_180 = arith.constant 3 : i32
      %mul3A_181 = arith.muli %scan3A_179, %mul3A_180 : i32
      %add3A_182 = arith.constant 0 : i32
      %add3A_183 = arith.addi %mul3A_181, %add3A_182 : i32
      %mul3A_184 = arith.constant 80 : i32
      %mul3A_185 = arith.muli %add3A_183, %mul3A_184 : i32
      %multiple_of3A_186 = tpu.assume_multiple %mul3A_185, 8 : i32
      %mul3A_187 = arith.constant 80 : i32
      %mul3A_188 = arith.muli %add3A_183, %mul3A_187 : i32
      %add3A_189 = arith.addi %mul3A_2, %mul3A_188 : i32
      %multiple_of3A_190 = tpu.assume_multiple %add3A_189, 8 : i32
      %dma_wait3A_191 = arith.constant 0 : i32
      %dma_wait3A_192 = arith.constant 0 : i32
      %dma_wait3A_193 = tpu.memref_slice %arg8[%dma_wait3A_191, %dma_wait3A_192] : memref<3x80xi32, #tpu.memory_space<vmem>> -> memref<1x80xi32, #tpu.memory_space<vmem>>
      %dma_wait3A_194 = tpu.memref_squeeze %dma_wait3A_193 : memref<1x80xi32, #tpu.memory_space<vmem>> -> memref<80xi32, #tpu.memory_space<vmem>>
      %dma_wait3A_195 = tpu.memref_slice %arg4[%multiple_of3A_190] : memref<327680xi32, #tpu.memory_space<hbm>> -> memref<80xi32, #tpu.memory_space<hbm>>
      %dma_wait3A_196 = arith.constant 0 : i32
      %dma_wait3A_197 = tpu.memref_slice %arg8[%dma_wait3A_191, %dma_wait3A_196] : memref<3x80xi32, #tpu.memory_space<vmem>> -> memref<1x80xi32, #tpu.memory_space<vmem>>
      %dma_wait3A_198 = tpu.memref_squeeze %dma_wait3A_197 : memref<1x80xi32, #tpu.memory_space<vmem>> -> memref<80xi32, #tpu.memory_space<vmem>>
      %dma_wait3A_199 = tpu.memref_slice %arg4[%multiple_of3A_190] : memref<327680xi32, #tpu.memory_space<hbm>> -> memref<80xi32, #tpu.memory_space<hbm>>
      tpu.wait_dma2 semaphore(%arg14 : memref<!tpu.dma_semaphore, #tpu.memory_space<semaphore_mem>>) src(%dma_wait3A_199 : memref<80xi32, #tpu.memory_space<hbm>>) dst(%dma_wait3A_198 : memref<80xi32, #tpu.memory_space<vmem>>)
      %dma_wait3A_200 = arith.constant 0 : i32
      %dma_wait3A_201 = arith.constant 0 : i32
      %dma_wait3A_202 = arith.constant 0 : i32
      %dma_wait3A_203 = tpu.memref_slice %arg9[%dma_wait3A_200, %dma_wait3A_201, %dma_wait3A_202] : memref<3x80x128xf32, #tpu.memory_space<vmem>> -> memref<1x80x128xf32, #tpu.memory_space<vmem>>
      %dma_wait3A_204 = tpu.memref_squeeze %dma_wait3A_203 : memref<1x80x128xf32, #tpu.memory_space<vmem>> -> memref<80x128xf32, #tpu.memory_space<vmem>>
      %dma_wait3A_205 = tpu.memref_slice %arg7[%multiple_of3A_186] : memref<10240xi32, #tpu.memory_space<vmem>> -> memref<80xi32, #tpu.memory_space<vmem>>
      %dma_wait3A_206 = arith.constant 0 : i32
      %dma_wait3A_207 = arith.constant 0 : i32
      %dma_wait3A_208 = tpu.memref_slice %arg2[%dma_wait3A_206, %dma_wait3A_207] : memref<10000x128xf32, #tpu.memory_space<hbm>> -> memref<10000x128xf32, #tpu.memory_space<hbm>>
      tpu.wait_indirect_dma semaphore(%arg11 : memref<!tpu.dma_semaphore, #tpu.memory_space<semaphore_mem>>) src(%dma_wait3A_208 : memref<10000x128xf32, #tpu.memory_space<hbm>>) dst(%dma_wait3A_204 : memref<80x128xf32, #tpu.memory_space<vmem>>)
      %run_scoped3A_209 = arith.constant 0 : i32
      %run_scoped3A_210 = arith.constant 0 : i32
      "tpu.region"() ({
        %run_scoped3A_285 = tpu.sem_alloc : memref<!tpu.dma_semaphore, #tpu.memory_space<semaphore_mem>>
        %dma_start3A_286 = arith.constant 0 : i32
        %dma_start3A_287 = arith.constant 0 : i32
        %dma_start3A_288 = tpu.memref_slice %arg9[%run_scoped3A_209, %dma_start3A_286, %dma_start3A_287] : memref<3x80x128xf32, #tpu.memory_space<vmem>> -> memref<1x80x128xf32, #tpu.memory_space<vmem>>
        %dma_start3A_289 = tpu.memref_squeeze %dma_start3A_288 : memref<1x80x128xf32, #tpu.memory_space<vmem>> -> memref<80x128xf32, #tpu.memory_space<vmem>>
        %dma_start3A_290 = arith.constant 0 : i32
        %dma_start3A_291 = tpu.memref_slice %arg8[%run_scoped3A_210, %dma_start3A_290] : memref<3x80xi32, #tpu.memory_space<vmem>> -> memref<1x80xi32, #tpu.memory_space<vmem>>
        %dma_start3A_292 = tpu.memref_squeeze %dma_start3A_291 : memref<1x80xi32, #tpu.memory_space<vmem>> -> memref<80xi32, #tpu.memory_space<vmem>>
        %dma_start3A_293 = arith.constant 0 : i32
        %dma_start3A_294 = arith.constant 0 : i32
        %dma_start3A_295 = tpu.memref_slice %arg10[%dma_start3A_293, %dma_start3A_294] : memref<10240x128xf32, #tpu.memory_space<vmem_shared>> -> memref<10240x128xf32, #tpu.memory_space<vmem_shared>>
        tpu.enqueue_indirect_dma source(%dma_start3A_289 : memref<80x128xf32, #tpu.memory_space<vmem>>) target(%dma_start3A_295 : memref<10240x128xf32, #tpu.memory_space<vmem_shared>>) offsets(%dma_start3A_292 : memref<80xi32, #tpu.memory_space<vmem>>) semaphore(%run_scoped3A_285 : memref<!tpu.dma_semaphore, #tpu.memory_space<semaphore_mem>>) {add = true}
        %dma_wait3A_296 = arith.constant 0 : i32
        %dma_wait3A_297 = arith.constant 0 : i32
        %dma_wait3A_298 = tpu.memref_slice %arg9[%run_scoped3A_209, %dma_wait3A_296, %dma_wait3A_297] : memref<3x80x128xf32, #tpu.memory_space<vmem>> -> memref<1x80x128xf32, #tpu.memory_space<vmem>>
        %dma_wait3A_299 = tpu.memref_squeeze %dma_wait3A_298 : memref<1x80x128xf32, #tpu.memory_space<vmem>> -> memref<80x128xf32, #tpu.memory_space<vmem>>
        %dma_wait3A_300 = arith.constant 0 : i32
        %dma_wait3A_301 = tpu.memref_slice %arg8[%run_scoped3A_210, %dma_wait3A_300] : memref<3x80xi32, #tpu.memory_space<vmem>> -> memref<1x80xi32, #tpu.memory_space<vmem>>
        %dma_wait3A_302 = tpu.memref_squeeze %dma_wait3A_301 : memref<1x80xi32, #tpu.memory_space<vmem>> -> memref<80xi32, #tpu.memory_space<vmem>>
        %dma_wait3A_303 = arith.constant 0 : i32
        %dma_wait3A_304 = arith.constant 0 : i32
        %dma_wait3A_305 = tpu.memref_slice %arg10[%dma_wait3A_303, %dma_wait3A_304] : memref<10240x128xf32, #tpu.memory_space<vmem_shared>> -> memref<10240x128xf32, #tpu.memory_space<vmem_shared>>
        tpu.wait_indirect_dma semaphore(%run_scoped3A_285 : memref<!tpu.dma_semaphore, #tpu.memory_space<semaphore_mem>>) src(%dma_wait3A_299 : memref<80x128xf32, #tpu.memory_space<vmem>>) dst(%dma_wait3A_305 : memref<10240x128xf32, #tpu.memory_space<vmem_shared>>)
        tpu.yield
      }) : () -> ()
      %lt3A = arith.constant 41 : i32
      %lt3A_211 = arith.cmpi slt, %scan3A_179, %lt3A : i32
      %convert_element_type3A = arith.extui %lt3A_211 : i1 to i32
      %cond3A = arith.constant 0 : i32
      %cond3A_212 = arith.cmpi ne, %convert_element_type3A, %cond3A : i32
      scf.if %cond3A_212 {
        %add3A_285 = arith.constant 1 : i32
        %add3A_286 = arith.addi %scan3A_179, %add3A_285 : i32
        %mul3A_287 = arith.constant 3 : i32
        %mul3A_288 = arith.muli %add3A_286, %mul3A_287 : i32
        %add3A_289 = arith.constant 0 : i32
        %add3A_290 = arith.addi %mul3A_288, %add3A_289 : i32
        %mul3A_291 = arith.constant 80 : i32
        %mul3A_292 = arith.muli %add3A_290, %mul3A_291 : i32
        %multiple_of3A_293 = tpu.assume_multiple %mul3A_292, 8 : i32
        %mul3A_294 = arith.constant 80 : i32
        %mul3A_295 = arith.muli %add3A_290, %mul3A_294 : i32
        %add3A_296 = arith.addi %mul3A_2, %mul3A_295 : i32
        %multiple_of3A_297 = tpu.assume_multiple %add3A_296, 8 : i32
        %dma_start3A_298 = arith.constant 0 : i32
        %dma_start3A_299 = arith.constant 0 : i32
        %dma_start3A_300 = tpu.memref_slice %arg8[%dma_start3A_298, %dma_start3A_299] : memref<3x80xi32, #tpu.memory_space<vmem>> -> memref<1x80xi32, #tpu.memory_space<vmem>>
        %dma_start3A_301 = tpu.memref_squeeze %dma_start3A_300 : memref<1x80xi32, #tpu.memory_space<vmem>> -> memref<80xi32, #tpu.memory_space<vmem>>
        %dma_start3A_302 = tpu.memref_slice %arg4[%multiple_of3A_297] : memref<327680xi32, #tpu.memory_space<hbm>> -> memref<80xi32, #tpu.memory_space<hbm>>
        %dma_start3A_303 = arith.constant 0 : i32
        %dma_start3A_304 = tpu.memref_slice %arg8[%dma_start3A_298, %dma_start3A_303] : memref<3x80xi32, #tpu.memory_space<vmem>> -> memref<1x80xi32, #tpu.memory_space<vmem>>
        %dma_start3A_305 = tpu.memref_squeeze %dma_start3A_304 : memref<1x80xi32, #tpu.memory_space<vmem>> -> memref<80xi32, #tpu.memory_space<vmem>>
        %dma_start3A_306 = tpu.memref_slice %arg4[%multiple_of3A_297] : memref<327680xi32, #tpu.memory_space<hbm>> -> memref<80xi32, #tpu.memory_space<hbm>>
        tpu.enqueue_dma source(%dma_start3A_306 : memref<80xi32, #tpu.memory_space<hbm>>) target(%dma_start3A_305 : memref<80xi32, #tpu.memory_space<vmem>>) target_semaphore(%arg14 : memref<!tpu.dma_semaphore, #tpu.memory_space<semaphore_mem>>)
        %dma_start3A_307 = arith.constant 0 : i32
        %dma_start3A_308 = arith.constant 0 : i32
        %dma_start3A_309 = arith.constant 0 : i32
        %dma_start3A_310 = tpu.memref_slice %arg9[%dma_start3A_307, %dma_start3A_308, %dma_start3A_309] : memref<3x80x128xf32, #tpu.memory_space<vmem>> -> memref<1x80x128xf32, #tpu.memory_space<vmem>>
        %dma_start3A_311 = tpu.memref_squeeze %dma_start3A_310 : memref<1x80x128xf32, #tpu.memory_space<vmem>> -> memref<80x128xf32, #tpu.memory_space<vmem>>
        %dma_start3A_312 = tpu.memref_slice %arg7[%multiple_of3A_293] : memref<10240xi32, #tpu.memory_space<vmem>> -> memref<80xi32, #tpu.memory_space<vmem>>
        %dma_start3A_313 = arith.constant 0 : i32
        %dma_start3A_314 = arith.constant 0 : i32
        %dma_start3A_315 = tpu.memref_slice %arg2[%dma_start3A_313, %dma_start3A_314] : memref<10000x128xf32, #tpu.memory_space<hbm>> -> memref<10000x128xf32, #tpu.memory_space<hbm>>
        tpu.enqueue_indirect_dma source(%dma_start3A_315 : memref<10000x128xf32, #tpu.memory_space<hbm>>) target(%dma_start3A_311 : memref<80x128xf32, #tpu.memory_space<vmem>>) offsets(%dma_start3A_312 : memref<80xi32, #tpu.memory_space<vmem>>) semaphore(%arg11 : memref<!tpu.dma_semaphore, #tpu.memory_space<semaphore_mem>>)
      } else {
      }
      %mul3A_213 = arith.constant 3 : i32
      %mul3A_214 = arith.muli %scan3A_179, %mul3A_213 : i32
      %add3A_215 = arith.constant 1 : i32
      %add3A_216 = arith.addi %mul3A_214, %add3A_215 : i32
      %mul3A_217 = arith.constant 80 : i32
      %mul3A_218 = arith.muli %add3A_216, %mul3A_217 : i32
      %multiple_of3A_219 = tpu.assume_multiple %mul3A_218, 8 : i32
      %mul3A_220 = arith.constant 80 : i32
      %mul3A_221 = arith.muli %add3A_216, %mul3A_220 : i32
      %add3A_222 = arith.addi %mul3A_2, %mul3A_221 : i32
      %multiple_of3A_223 = tpu.assume_multiple %add3A_222, 8 : i32
      %dma_wait3A_224 = arith.constant 1 : i32
      %dma_wait3A_225 = arith.constant 0 : i32
      %dma_wait3A_226 = tpu.memref_slice %arg8[%dma_wait3A_224, %dma_wait3A_225] : memref<3x80xi32, #tpu.memory_space<vmem>> -> memref<1x80xi32, #tpu.memory_space<vmem>>
      %dma_wait3A_227 = tpu.memref_squeeze %dma_wait3A_226 : memref<1x80xi32, #tpu.memory_space<vmem>> -> memref<80xi32, #tpu.memory_space<vmem>>
      %dma_wait3A_228 = tpu.memref_slice %arg4[%multiple_of3A_223] : memref<327680xi32, #tpu.memory_space<hbm>> -> memref<80xi32, #tpu.memory_space<hbm>>
      %dma_wait3A_229 = arith.constant 0 : i32
      %dma_wait3A_230 = tpu.memref_slice %arg8[%dma_wait3A_224, %dma_wait3A_229] : memref<3x80xi32, #tpu.memory_space<vmem>> -> memref<1x80xi32, #tpu.memory_space<vmem>>
      %dma_wait3A_231 = tpu.memref_squeeze %dma_wait3A_230 : memref<1x80xi32, #tpu.memory_space<vmem>> -> memref<80xi32, #tpu.memory_space<vmem>>
      %dma_wait3A_232 = tpu.memref_slice %arg4[%multiple_of3A_223] : memref<327680xi32, #tpu.memory_space<hbm>> -> memref<80xi32, #tpu.memory_space<hbm>>
      tpu.wait_dma2 semaphore(%arg15 : memref<!tpu.dma_semaphore, #tpu.memory_space<semaphore_mem>>) src(%dma_wait3A_232 : memref<80xi32, #tpu.memory_space<hbm>>) dst(%dma_wait3A_231 : memref<80xi32, #tpu.memory_space<vmem>>)
      %dma_wait3A_233 = arith.constant 1 : i32
      %dma_wait3A_234 = arith.constant 0 : i32
      %dma_wait3A_235 = arith.constant 0 : i32
      %dma_wait3A_236 = tpu.memref_slice %arg9[%dma_wait3A_233, %dma_wait3A_234, %dma_wait3A_235] : memref<3x80x128xf32, #tpu.memory_space<vmem>> -> memref<1x80x128xf32, #tpu.memory_space<vmem>>
      %dma_wait3A_237 = tpu.memref_squeeze %dma_wait3A_236 : memref<1x80x128xf32, #tpu.memory_space<vmem>> -> memref<80x128xf32, #tpu.memory_space<vmem>>
      %dma_wait3A_238 = tpu.memref_slice %arg7[%multiple_of3A_219] : memref<10240xi32, #tpu.memory_space<vmem>> -> memref<80xi32, #tpu.memory_space<vmem>>
      %dma_wait3A_239 = arith.constant 0 : i32
      %dma_wait3A_240 = arith.constant 0 : i32
      %dma_wait3A_241 = tpu.memref_slice %arg2[%dma_wait3A_239, %dma_wait3A_240] : memref<10000x128xf32, #tpu.memory_space<hbm>> -> memref<10000x128xf32, #tpu.memory_space<hbm>>
      tpu.wait_indirect_dma semaphore(%arg12 : memref<!tpu.dma_semaphore, #tpu.memory_space<semaphore_mem>>) src(%dma_wait3A_241 : memref<10000x128xf32, #tpu.memory_space<hbm>>) dst(%dma_wait3A_237 : memref<80x128xf32, #tpu.memory_space<vmem>>)
      %run_scoped3A_242 = arith.constant 1 : i32
      %run_scoped3A_243 = arith.constant 1 : i32
      "tpu.region"() ({
        %run_scoped3A_285 = tpu.sem_alloc : memref<!tpu.dma_semaphore, #tpu.memory_space<semaphore_mem>>
        %dma_start3A_286 = arith.constant 0 : i32
        %dma_start3A_287 = arith.constant 0 : i32
        %dma_start3A_288 = tpu.memref_slice %arg9[%run_scoped3A_242, %dma_start3A_286, %dma_start3A_287] : memref<3x80x128xf32, #tpu.memory_space<vmem>> -> memref<1x80x128xf32, #tpu.memory_space<vmem>>
        %dma_start3A_289 = tpu.memref_squeeze %dma_start3A_288 : memref<1x80x128xf32, #tpu.memory_space<vmem>> -> memref<80x128xf32, #tpu.memory_space<vmem>>
        %dma_start3A_290 = arith.constant 0 : i32
        %dma_start3A_291 = tpu.memref_slice %arg8[%run_scoped3A_243, %dma_start3A_290] : memref<3x80xi32, #tpu.memory_space<vmem>> -> memref<1x80xi32, #tpu.memory_space<vmem>>
        %dma_start3A_292 = tpu.memref_squeeze %dma_start3A_291 : memref<1x80xi32, #tpu.memory_space<vmem>> -> memref<80xi32, #tpu.memory_space<vmem>>
        %dma_start3A_293 = arith.constant 0 : i32
        %dma_start3A_294 = arith.constant 0 : i32
        %dma_start3A_295 = tpu.memref_slice %arg10[%dma_start3A_293, %dma_start3A_294] : memref<10240x128xf32, #tpu.memory_space<vmem_shared>> -> memref<10240x128xf32, #tpu.memory_space<vmem_shared>>
        tpu.enqueue_indirect_dma source(%dma_start3A_289 : memref<80x128xf32, #tpu.memory_space<vmem>>) target(%dma_start3A_295 : memref<10240x128xf32, #tpu.memory_space<vmem_shared>>) offsets(%dma_start3A_292 : memref<80xi32, #tpu.memory_space<vmem>>) semaphore(%run_scoped3A_285 : memref<!tpu.dma_semaphore, #tpu.memory_space<semaphore_mem>>) {add = true}
        %dma_wait3A_296 = arith.constant 0 : i32
        %dma_wait3A_297 = arith.constant 0 : i32
        %dma_wait3A_298 = tpu.memref_slice %arg9[%run_scoped3A_242, %dma_wait3A_296, %dma_wait3A_297] : memref<3x80x128xf32, #tpu.memory_space<vmem>> -> memref<1x80x128xf32, #tpu.memory_space<vmem>>
        %dma_wait3A_299 = tpu.memref_squeeze %dma_wait3A_298 : memref<1x80x128xf32, #tpu.memory_space<vmem>> -> memref<80x128xf32, #tpu.memory_space<vmem>>
        %dma_wait3A_300 = arith.constant 0 : i32
        %dma_wait3A_301 = tpu.memref_slice %arg8[%run_scoped3A_243, %dma_wait3A_300] : memref<3x80xi32, #tpu.memory_space<vmem>> -> memref<1x80xi32, #tpu.memory_space<vmem>>
        %dma_wait3A_302 = tpu.memref_squeeze %dma_wait3A_301 : memref<1x80xi32, #tpu.memory_space<vmem>> -> memref<80xi32, #tpu.memory_space<vmem>>
        %dma_wait3A_303 = arith.constant 0 : i32
        %dma_wait3A_304 = arith.constant 0 : i32
        %dma_wait3A_305 = tpu.memref_slice %arg10[%dma_wait3A_303, %dma_wait3A_304] : memref<10240x128xf32, #tpu.memory_space<vmem_shared>> -> memref<10240x128xf32, #tpu.memory_space<vmem_shared>>
        tpu.wait_indirect_dma semaphore(%run_scoped3A_285 : memref<!tpu.dma_semaphore, #tpu.memory_space<semaphore_mem>>) src(%dma_wait3A_299 : memref<80x128xf32, #tpu.memory_space<vmem>>) dst(%dma_wait3A_305 : memref<10240x128xf32, #tpu.memory_space<vmem_shared>>)
        tpu.yield
      }) : () -> ()
      %lt3A_244 = arith.constant 41 : i32
      %lt3A_245 = arith.cmpi slt, %scan3A_179, %lt3A_244 : i32
      %convert_element_type3A_246 = arith.extui %lt3A_245 : i1 to i32
      %cond3A_247 = arith.constant 0 : i32
      %cond3A_248 = arith.cmpi ne, %convert_element_type3A_246, %cond3A_247 : i32
      scf.if %cond3A_248 {
        %add3A_285 = arith.constant 1 : i32
        %add3A_286 = arith.addi %scan3A_179, %add3A_285 : i32
        %mul3A_287 = arith.constant 3 : i32
        %mul3A_288 = arith.muli %add3A_286, %mul3A_287 : i32
        %add3A_289 = arith.constant 1 : i32
        %add3A_290 = arith.addi %mul3A_288, %add3A_289 : i32
        %mul3A_291 = arith.constant 80 : i32
        %mul3A_292 = arith.muli %add3A_290, %mul3A_291 : i32
        %multiple_of3A_293 = tpu.assume_multiple %mul3A_292, 8 : i32
        %mul3A_294 = arith.constant 80 : i32
        %mul3A_295 = arith.muli %add3A_290, %mul3A_294 : i32
        %add3A_296 = arith.addi %mul3A_2, %mul3A_295 : i32
        %multiple_of3A_297 = tpu.assume_multiple %add3A_296, 8 : i32
        %dma_start3A_298 = arith.constant 1 : i32
        %dma_start3A_299 = arith.constant 0 : i32
        %dma_start3A_300 = tpu.memref_slice %arg8[%dma_start3A_298, %dma_start3A_299] : memref<3x80xi32, #tpu.memory_space<vmem>> -> memref<1x80xi32, #tpu.memory_space<vmem>>
        %dma_start3A_301 = tpu.memref_squeeze %dma_start3A_300 : memref<1x80xi32, #tpu.memory_space<vmem>> -> memref<80xi32, #tpu.memory_space<vmem>>
        %dma_start3A_302 = tpu.memref_slice %arg4[%multiple_of3A_297] : memref<327680xi32, #tpu.memory_space<hbm>> -> memref<80xi32, #tpu.memory_space<hbm>>
        %dma_start3A_303 = arith.constant 0 : i32
        %dma_start3A_304 = tpu.memref_slice %arg8[%dma_start3A_298, %dma_start3A_303] : memref<3x80xi32, #tpu.memory_space<vmem>> -> memref<1x80xi32, #tpu.memory_space<vmem>>
        %dma_start3A_305 = tpu.memref_squeeze %dma_start3A_304 : memref<1x80xi32, #tpu.memory_space<vmem>> -> memref<80xi32, #tpu.memory_space<vmem>>
        %dma_start3A_306 = tpu.memref_slice %arg4[%multiple_of3A_297] : memref<327680xi32, #tpu.memory_space<hbm>> -> memref<80xi32, #tpu.memory_space<hbm>>
        tpu.enqueue_dma source(%dma_start3A_306 : memref<80xi32, #tpu.memory_space<hbm>>) target(%dma_start3A_305 : memref<80xi32, #tpu.memory_space<vmem>>) target_semaphore(%arg15 : memref<!tpu.dma_semaphore, #tpu.memory_space<semaphore_mem>>)
        %dma_start3A_307 = arith.constant 1 : i32
        %dma_start3A_308 = arith.constant 0 : i32
        %dma_start3A_309 = arith.constant 0 : i32
        %dma_start3A_310 = tpu.memref_slice %arg9[%dma_start3A_307, %dma_start3A_308, %dma_start3A_309] : memref<3x80x128xf32, #tpu.memory_space<vmem>> -> memref<1x80x128xf32, #tpu.memory_space<vmem>>
        %dma_start3A_311 = tpu.memref_squeeze %dma_start3A_310 : memref<1x80x128xf32, #tpu.memory_space<vmem>> -> memref<80x128xf32, #tpu.memory_space<vmem>>
        %dma_start3A_312 = tpu.memref_slice %arg7[%multiple_of3A_293] : memref<10240xi32, #tpu.memory_space<vmem>> -> memref<80xi32, #tpu.memory_space<vmem>>
        %dma_start3A_313 = arith.constant 0 : i32
        %dma_start3A_314 = arith.constant 0 : i32
        %dma_start3A_315 = tpu.memref_slice %arg2[%dma_start3A_313, %dma_start3A_314] : memref<10000x128xf32, #tpu.memory_space<hbm>> -> memref<10000x128xf32, #tpu.memory_space<hbm>>
        tpu.enqueue_indirect_dma source(%dma_start3A_315 : memref<10000x128xf32, #tpu.memory_space<hbm>>) target(%dma_start3A_311 : memref<80x128xf32, #tpu.memory_space<vmem>>) offsets(%dma_start3A_312 : memref<80xi32, #tpu.memory_space<vmem>>) semaphore(%arg12 : memref<!tpu.dma_semaphore, #tpu.memory_space<semaphore_mem>>)
      } else {
      }
      %mul3A_249 = arith.constant 3 : i32
      %mul3A_250 = arith.muli %scan3A_179, %mul3A_249 : i32
      %add3A_251 = arith.constant 2 : i32
      %add3A_252 = arith.addi %mul3A_250, %add3A_251 : i32
      %mul3A_253 = arith.constant 80 : i32
      %mul3A_254 = arith.muli %add3A_252, %mul3A_253 : i32
      %multiple_of3A_255 = tpu.assume_multiple %mul3A_254, 8 : i32
      %mul3A_256 = arith.constant 80 : i32
      %mul3A_257 = arith.muli %add3A_252, %mul3A_256 : i32
      %add3A_258 = arith.addi %mul3A_2, %mul3A_257 : i32
      %multiple_of3A_259 = tpu.assume_multiple %add3A_258, 8 : i32
      %dma_wait3A_260 = arith.constant 2 : i32
      %dma_wait3A_261 = arith.constant 0 : i32
      %dma_wait3A_262 = tpu.memref_slice %arg8[%dma_wait3A_260, %dma_wait3A_261] : memref<3x80xi32, #tpu.memory_space<vmem>> -> memref<1x80xi32, #tpu.memory_space<vmem>>
      %dma_wait3A_263 = tpu.memref_squeeze %dma_wait3A_262 : memref<1x80xi32, #tpu.memory_space<vmem>> -> memref<80xi32, #tpu.memory_space<vmem>>
      %dma_wait3A_264 = tpu.memref_slice %arg4[%multiple_of3A_259] : memref<327680xi32, #tpu.memory_space<hbm>> -> memref<80xi32, #tpu.memory_space<hbm>>
      %dma_wait3A_265 = arith.constant 0 : i32
      %dma_wait3A_266 = tpu.memref_slice %arg8[%dma_wait3A_260, %dma_wait3A_265] : memref<3x80xi32, #tpu.memory_space<vmem>> -> memref<1x80xi32, #tpu.memory_space<vmem>>
      %dma_wait3A_267 = tpu.memref_squeeze %dma_wait3A_266 : memref<1x80xi32, #tpu.memory_space<vmem>> -> memref<80xi32, #tpu.memory_space<vmem>>
      %dma_wait3A_268 = tpu.memref_slice %arg4[%multiple_of3A_259] : memref<327680xi32, #tpu.memory_space<hbm>> -> memref<80xi32, #tpu.memory_space<hbm>>
      tpu.wait_dma2 semaphore(%arg16 : memref<!tpu.dma_semaphore, #tpu.memory_space<semaphore_mem>>) src(%dma_wait3A_268 : memref<80xi32, #tpu.memory_space<hbm>>) dst(%dma_wait3A_267 : memref<80xi32, #tpu.memory_space<vmem>>)
      %dma_wait3A_269 = arith.constant 2 : i32
      %dma_wait3A_270 = arith.constant 0 : i32
      %dma_wait3A_271 = arith.constant 0 : i32
      %dma_wait3A_272 = tpu.memref_slice %arg9[%dma_wait3A_269, %dma_wait3A_270, %dma_wait3A_271] : memref<3x80x128xf32, #tpu.memory_space<vmem>> -> memref<1x80x128xf32, #tpu.memory_space<vmem>>
      %dma_wait3A_273 = tpu.memref_squeeze %dma_wait3A_272 : memref<1x80x128xf32, #tpu.memory_space<vmem>> -> memref<80x128xf32, #tpu.memory_space<vmem>>
      %dma_wait3A_274 = tpu.memref_slice %arg7[%multiple_of3A_255] : memref<10240xi32, #tpu.memory_space<vmem>> -> memref<80xi32, #tpu.memory_space<vmem>>
      %dma_wait3A_275 = arith.constant 0 : i32
      %dma_wait3A_276 = arith.constant 0 : i32
      %dma_wait3A_277 = tpu.memref_slice %arg2[%dma_wait3A_275, %dma_wait3A_276] : memref<10000x128xf32, #tpu.memory_space<hbm>> -> memref<10000x128xf32, #tpu.memory_space<hbm>>
      tpu.wait_indirect_dma semaphore(%arg13 : memref<!tpu.dma_semaphore, #tpu.memory_space<semaphore_mem>>) src(%dma_wait3A_277 : memref<10000x128xf32, #tpu.memory_space<hbm>>) dst(%dma_wait3A_273 : memref<80x128xf32, #tpu.memory_space<vmem>>)
      %run_scoped3A_278 = arith.constant 2 : i32
      %run_scoped3A_279 = arith.constant 2 : i32
      "tpu.region"() ({
        %run_scoped3A_285 = tpu.sem_alloc : memref<!tpu.dma_semaphore, #tpu.memory_space<semaphore_mem>>
        %dma_start3A_286 = arith.constant 0 : i32
        %dma_start3A_287 = arith.constant 0 : i32
        %dma_start3A_288 = tpu.memref_slice %arg9[%run_scoped3A_278, %dma_start3A_286, %dma_start3A_287] : memref<3x80x128xf32, #tpu.memory_space<vmem>> -> memref<1x80x128xf32, #tpu.memory_space<vmem>>
        %dma_start3A_289 = tpu.memref_squeeze %dma_start3A_288 : memref<1x80x128xf32, #tpu.memory_space<vmem>> -> memref<80x128xf32, #tpu.memory_space<vmem>>
        %dma_start3A_290 = arith.constant 0 : i32
        %dma_start3A_291 = tpu.memref_slice %arg8[%run_scoped3A_279, %dma_start3A_290] : memref<3x80xi32, #tpu.memory_space<vmem>> -> memref<1x80xi32, #tpu.memory_space<vmem>>
        %dma_start3A_292 = tpu.memref_squeeze %dma_start3A_291 : memref<1x80xi32, #tpu.memory_space<vmem>> -> memref<80xi32, #tpu.memory_space<vmem>>
        %dma_start3A_293 = arith.constant 0 : i32
        %dma_start3A_294 = arith.constant 0 : i32
        %dma_start3A_295 = tpu.memref_slice %arg10[%dma_start3A_293, %dma_start3A_294] : memref<10240x128xf32, #tpu.memory_space<vmem_shared>> -> memref<10240x128xf32, #tpu.memory_space<vmem_shared>>
        tpu.enqueue_indirect_dma source(%dma_start3A_289 : memref<80x128xf32, #tpu.memory_space<vmem>>) target(%dma_start3A_295 : memref<10240x128xf32, #tpu.memory_space<vmem_shared>>) offsets(%dma_start3A_292 : memref<80xi32, #tpu.memory_space<vmem>>) semaphore(%run_scoped3A_285 : memref<!tpu.dma_semaphore, #tpu.memory_space<semaphore_mem>>) {add = true}
        %dma_wait3A_296 = arith.constant 0 : i32
        %dma_wait3A_297 = arith.constant 0 : i32
        %dma_wait3A_298 = tpu.memref_slice %arg9[%run_scoped3A_278, %dma_wait3A_296, %dma_wait3A_297] : memref<3x80x128xf32, #tpu.memory_space<vmem>> -> memref<1x80x128xf32, #tpu.memory_space<vmem>>
        %dma_wait3A_299 = tpu.memref_squeeze %dma_wait3A_298 : memref<1x80x128xf32, #tpu.memory_space<vmem>> -> memref<80x128xf32, #tpu.memory_space<vmem>>
        %dma_wait3A_300 = arith.constant 0 : i32
        %dma_wait3A_301 = tpu.memref_slice %arg8[%run_scoped3A_279, %dma_wait3A_300] : memref<3x80xi32, #tpu.memory_space<vmem>> -> memref<1x80xi32, #tpu.memory_space<vmem>>
        %dma_wait3A_302 = tpu.memref_squeeze %dma_wait3A_301 : memref<1x80xi32, #tpu.memory_space<vmem>> -> memref<80xi32, #tpu.memory_space<vmem>>
        %dma_wait3A_303 = arith.constant 0 : i32
        %dma_wait3A_304 = arith.constant 0 : i32
        %dma_wait3A_305 = tpu.memref_slice %arg10[%dma_wait3A_303, %dma_wait3A_304] : memref<10240x128xf32, #tpu.memory_space<vmem_shared>> -> memref<10240x128xf32, #tpu.memory_space<vmem_shared>>
        tpu.wait_indirect_dma semaphore(%run_scoped3A_285 : memref<!tpu.dma_semaphore, #tpu.memory_space<semaphore_mem>>) src(%dma_wait3A_299 : memref<80x128xf32, #tpu.memory_space<vmem>>) dst(%dma_wait3A_305 : memref<10240x128xf32, #tpu.memory_space<vmem_shared>>)
        tpu.yield
      }) : () -> ()
      %lt3A_280 = arith.constant 41 : i32
      %lt3A_281 = arith.cmpi slt, %scan3A_179, %lt3A_280 : i32
      %convert_element_type3A_282 = arith.extui %lt3A_281 : i1 to i32
      %cond3A_283 = arith.constant 0 : i32
      %cond3A_284 = arith.cmpi ne, %convert_element_type3A_282, %cond3A_283 : i32
      scf.if %cond3A_284 {
        %add3A_285 = arith.constant 1 : i32
        %add3A_286 = arith.addi %scan3A_179, %add3A_285 : i32
        %mul3A_287 = arith.constant 3 : i32
        %mul3A_288 = arith.muli %add3A_286, %mul3A_287 : i32
        %add3A_289 = arith.constant 2 : i32
        %add3A_290 = arith.addi %mul3A_288, %add3A_289 : i32
        %mul3A_291 = arith.constant 80 : i32
        %mul3A_292 = arith.muli %add3A_290, %mul3A_291 : i32
        %multiple_of3A_293 = tpu.assume_multiple %mul3A_292, 8 : i32
        %mul3A_294 = arith.constant 80 : i32
        %mul3A_295 = arith.muli %add3A_290, %mul3A_294 : i32
        %add3A_296 = arith.addi %mul3A_2, %mul3A_295 : i32
        %multiple_of3A_297 = tpu.assume_multiple %add3A_296, 8 : i32
        %dma_start3A_298 = arith.constant 2 : i32
        %dma_start3A_299 = arith.constant 0 : i32
        %dma_start3A_300 = tpu.memref_slice %arg8[%dma_start3A_298, %dma_start3A_299] : memref<3x80xi32, #tpu.memory_space<vmem>> -> memref<1x80xi32, #tpu.memory_space<vmem>>
        %dma_start3A_301 = tpu.memref_squeeze %dma_start3A_300 : memref<1x80xi32, #tpu.memory_space<vmem>> -> memref<80xi32, #tpu.memory_space<vmem>>
        %dma_start3A_302 = tpu.memref_slice %arg4[%multiple_of3A_297] : memref<327680xi32, #tpu.memory_space<hbm>> -> memref<80xi32, #tpu.memory_space<hbm>>
        %dma_start3A_303 = arith.constant 0 : i32
        %dma_start3A_304 = tpu.memref_slice %arg8[%dma_start3A_298, %dma_start3A_303] : memref<3x80xi32, #tpu.memory_space<vmem>> -> memref<1x80xi32, #tpu.memory_space<vmem>>
        %dma_start3A_305 = tpu.memref_squeeze %dma_start3A_304 : memref<1x80xi32, #tpu.memory_space<vmem>> -> memref<80xi32, #tpu.memory_space<vmem>>
        %dma_start3A_306 = tpu.memref_slice %arg4[%multiple_of3A_297] : memref<327680xi32, #tpu.memory_space<hbm>> -> memref<80xi32, #tpu.memory_space<hbm>>
        tpu.enqueue_dma source(%dma_start3A_306 : memref<80xi32, #tpu.memory_space<hbm>>) target(%dma_start3A_305 : memref<80xi32, #tpu.memory_space<vmem>>) target_semaphore(%arg16 : memref<!tpu.dma_semaphore, #tpu.memory_space<semaphore_mem>>)
        %dma_start3A_307 = arith.constant 2 : i32
        %dma_start3A_308 = arith.constant 0 : i32
        %dma_start3A_309 = arith.constant 0 : i32
        %dma_start3A_310 = tpu.memref_slice %arg9[%dma_start3A_307, %dma_start3A_308, %dma_start3A_309] : memref<3x80x128xf32, #tpu.memory_space<vmem>> -> memref<1x80x128xf32, #tpu.memory_space<vmem>>
        %dma_start3A_311 = tpu.memref_squeeze %dma_start3A_310 : memref<1x80x128xf32, #tpu.memory_space<vmem>> -> memref<80x128xf32, #tpu.memory_space<vmem>>
        %dma_start3A_312 = tpu.memref_slice %arg7[%multiple_of3A_293] : memref<10240xi32, #tpu.memory_space<vmem>> -> memref<80xi32, #tpu.memory_space<vmem>>
        %dma_start3A_313 = arith.constant 0 : i32
        %dma_start3A_314 = arith.constant 0 : i32
        %dma_start3A_315 = tpu.memref_slice %arg2[%dma_start3A_313, %dma_start3A_314] : memref<10000x128xf32, #tpu.memory_space<hbm>> -> memref<10000x128xf32, #tpu.memory_space<hbm>>
        tpu.enqueue_indirect_dma source(%dma_start3A_315 : memref<10000x128xf32, #tpu.memory_space<hbm>>) target(%dma_start3A_311 : memref<80x128xf32, #tpu.memory_space<vmem>>) offsets(%dma_start3A_312 : memref<80xi32, #tpu.memory_space<vmem>>) semaphore(%arg13 : memref<!tpu.dma_semaphore, #tpu.memory_space<semaphore_mem>>)
      } else {
      }
    }
    %scan3A_76 = arith.constant 42 : i32
    %multiple_of3A_77 = arith.constant 10080 : i32
    %multiple_of3A_78 = tpu.assume_multiple %multiple_of3A_77, 8 : i32
    %add3A_79 = arith.constant 10080 : i32
    %add3A_80 = arith.addi %mul3A_2, %add3A_79 : i32
    %multiple_of3A_81 = tpu.assume_multiple %add3A_80, 8 : i32
    %dma_start3A_82 = arith.constant 0 : i32
    %dma_start3A_83 = arith.constant 0 : i32
    %dma_start3A_84 = tpu.memref_slice %arg8[%dma_start3A_82, %dma_start3A_83] : memref<3x80xi32, #tpu.memory_space<vmem>> -> memref<1x80xi32, #tpu.memory_space<vmem>>
    %dma_start3A_85 = tpu.memref_squeeze %dma_start3A_84 : memref<1x80xi32, #tpu.memory_space<vmem>> -> memref<80xi32, #tpu.memory_space<vmem>>
    %dma_start3A_86 = tpu.memref_slice %arg4[%multiple_of3A_81] : memref<327680xi32, #tpu.memory_space<hbm>> -> memref<80xi32, #tpu.memory_space<hbm>>
    %dma_start3A_87 = arith.constant 0 : i32
    %dma_start3A_88 = tpu.memref_slice %arg8[%dma_start3A_82, %dma_start3A_87] : memref<3x80xi32, #tpu.memory_space<vmem>> -> memref<1x80xi32, #tpu.memory_space<vmem>>
    %dma_start3A_89 = tpu.memref_squeeze %dma_start3A_88 : memref<1x80xi32, #tpu.memory_space<vmem>> -> memref<80xi32, #tpu.memory_space<vmem>>
    %dma_start3A_90 = tpu.memref_slice %arg4[%multiple_of3A_81] : memref<327680xi32, #tpu.memory_space<hbm>> -> memref<80xi32, #tpu.memory_space<hbm>>
    tpu.enqueue_dma source(%dma_start3A_90 : memref<80xi32, #tpu.memory_space<hbm>>) target(%dma_start3A_89 : memref<80xi32, #tpu.memory_space<vmem>>) target_semaphore(%arg14 : memref<!tpu.dma_semaphore, #tpu.memory_space<semaphore_mem>>)
    %dma_start3A_91 = arith.constant 0 : i32
    %dma_start3A_92 = arith.constant 0 : i32
    %dma_start3A_93 = arith.constant 0 : i32
    %dma_start3A_94 = tpu.memref_slice %arg9[%dma_start3A_91, %dma_start3A_92, %dma_start3A_93] : memref<3x80x128xf32, #tpu.memory_space<vmem>> -> memref<1x80x128xf32, #tpu.memory_space<vmem>>
    %dma_start3A_95 = tpu.memref_squeeze %dma_start3A_94 : memref<1x80x128xf32, #tpu.memory_space<vmem>> -> memref<80x128xf32, #tpu.memory_space<vmem>>
    %dma_start3A_96 = tpu.memref_slice %arg7[%multiple_of3A_78] : memref<10240xi32, #tpu.memory_space<vmem>> -> memref<80xi32, #tpu.memory_space<vmem>>
    %dma_start3A_97 = arith.constant 0 : i32
    %dma_start3A_98 = arith.constant 0 : i32
    %dma_start3A_99 = tpu.memref_slice %arg2[%dma_start3A_97, %dma_start3A_98] : memref<10000x128xf32, #tpu.memory_space<hbm>> -> memref<10000x128xf32, #tpu.memory_space<hbm>>
    tpu.enqueue_indirect_dma source(%dma_start3A_99 : memref<10000x128xf32, #tpu.memory_space<hbm>>) target(%dma_start3A_95 : memref<80x128xf32, #tpu.memory_space<vmem>>) offsets(%dma_start3A_96 : memref<80xi32, #tpu.memory_space<vmem>>) semaphore(%arg11 : memref<!tpu.dma_semaphore, #tpu.memory_space<semaphore_mem>>)
    %multiple_of3A_100 = arith.constant 10160 : i32
    %multiple_of3A_101 = tpu.assume_multiple %multiple_of3A_100, 8 : i32
    %add3A_102 = arith.constant 10160 : i32
    %add3A_103 = arith.addi %mul3A_2, %add3A_102 : i32
    %multiple_of3A_104 = tpu.assume_multiple %add3A_103, 8 : i32
    %dma_start3A_105 = arith.constant 1 : i32
    %dma_start3A_106 = arith.constant 0 : i32
    %dma_start3A_107 = tpu.memref_slice %arg8[%dma_start3A_105, %dma_start3A_106] : memref<3x80xi32, #tpu.memory_space<vmem>> -> memref<1x80xi32, #tpu.memory_space<vmem>>
    %dma_start3A_108 = tpu.memref_squeeze %dma_start3A_107 : memref<1x80xi32, #tpu.memory_space<vmem>> -> memref<80xi32, #tpu.memory_space<vmem>>
    %dma_start3A_109 = tpu.memref_slice %arg4[%multiple_of3A_104] : memref<327680xi32, #tpu.memory_space<hbm>> -> memref<80xi32, #tpu.memory_space<hbm>>
    %dma_start3A_110 = arith.constant 0 : i32
    %dma_start3A_111 = tpu.memref_slice %arg8[%dma_start3A_105, %dma_start3A_110] : memref<3x80xi32, #tpu.memory_space<vmem>> -> memref<1x80xi32, #tpu.memory_space<vmem>>
    %dma_start3A_112 = tpu.memref_squeeze %dma_start3A_111 : memref<1x80xi32, #tpu.memory_space<vmem>> -> memref<80xi32, #tpu.memory_space<vmem>>
    %dma_start3A_113 = tpu.memref_slice %arg4[%multiple_of3A_104] : memref<327680xi32, #tpu.memory_space<hbm>> -> memref<80xi32, #tpu.memory_space<hbm>>
    tpu.enqueue_dma source(%dma_start3A_113 : memref<80xi32, #tpu.memory_space<hbm>>) target(%dma_start3A_112 : memref<80xi32, #tpu.memory_space<vmem>>) target_semaphore(%arg15 : memref<!tpu.dma_semaphore, #tpu.memory_space<semaphore_mem>>)
    %dma_start3A_114 = arith.constant 1 : i32
    %dma_start3A_115 = arith.constant 0 : i32
    %dma_start3A_116 = arith.constant 0 : i32
    %dma_start3A_117 = tpu.memref_slice %arg9[%dma_start3A_114, %dma_start3A_115, %dma_start3A_116] : memref<3x80x128xf32, #tpu.memory_space<vmem>> -> memref<1x80x128xf32, #tpu.memory_space<vmem>>
    %dma_start3A_118 = tpu.memref_squeeze %dma_start3A_117 : memref<1x80x128xf32, #tpu.memory_space<vmem>> -> memref<80x128xf32, #tpu.memory_space<vmem>>
    %dma_start3A_119 = tpu.memref_slice %arg7[%multiple_of3A_101] : memref<10240xi32, #tpu.memory_space<vmem>> -> memref<80xi32, #tpu.memory_space<vmem>>
    %dma_start3A_120 = arith.constant 0 : i32
    %dma_start3A_121 = arith.constant 0 : i32
    %dma_start3A_122 = tpu.memref_slice %arg2[%dma_start3A_120, %dma_start3A_121] : memref<10000x128xf32, #tpu.memory_space<hbm>> -> memref<10000x128xf32, #tpu.memory_space<hbm>>
    tpu.enqueue_indirect_dma source(%dma_start3A_122 : memref<10000x128xf32, #tpu.memory_space<hbm>>) target(%dma_start3A_118 : memref<80x128xf32, #tpu.memory_space<vmem>>) offsets(%dma_start3A_119 : memref<80xi32, #tpu.memory_space<vmem>>) semaphore(%arg12 : memref<!tpu.dma_semaphore, #tpu.memory_space<semaphore_mem>>)
    %multiple_of3A_123 = arith.constant 10080 : i32
    %multiple_of3A_124 = tpu.assume_multiple %multiple_of3A_123, 8 : i32
    %add3A_125 = arith.constant 10080 : i32
    %add3A_126 = arith.addi %mul3A_2, %add3A_125 : i32
    %multiple_of3A_127 = tpu.assume_multiple %add3A_126, 8 : i32
    %dma_wait3A = arith.constant 0 : i32
    %dma_wait3A_128 = arith.constant 0 : i32
    %dma_wait3A_129 = tpu.memref_slice %arg8[%dma_wait3A, %dma_wait3A_128] : memref<3x80xi32, #tpu.memory_space<vmem>> -> memref<1x80xi32, #tpu.memory_space<vmem>>
    %dma_wait3A_130 = tpu.memref_squeeze %dma_wait3A_129 : memref<1x80xi32, #tpu.memory_space<vmem>> -> memref<80xi32, #tpu.memory_space<vmem>>
    %dma_wait3A_131 = tpu.memref_slice %arg4[%multiple_of3A_127] : memref<327680xi32, #tpu.memory_space<hbm>> -> memref<80xi32, #tpu.memory_space<hbm>>
    %dma_wait3A_132 = arith.constant 0 : i32
    %dma_wait3A_133 = tpu.memref_slice %arg8[%dma_wait3A, %dma_wait3A_132] : memref<3x80xi32, #tpu.memory_space<vmem>> -> memref<1x80xi32, #tpu.memory_space<vmem>>
    %dma_wait3A_134 = tpu.memref_squeeze %dma_wait3A_133 : memref<1x80xi32, #tpu.memory_space<vmem>> -> memref<80xi32, #tpu.memory_space<vmem>>
    %dma_wait3A_135 = tpu.memref_slice %arg4[%multiple_of3A_127] : memref<327680xi32, #tpu.memory_space<hbm>> -> memref<80xi32, #tpu.memory_space<hbm>>
    tpu.wait_dma2 semaphore(%arg14 : memref<!tpu.dma_semaphore, #tpu.memory_space<semaphore_mem>>) src(%dma_wait3A_135 : memref<80xi32, #tpu.memory_space<hbm>>) dst(%dma_wait3A_134 : memref<80xi32, #tpu.memory_space<vmem>>)
    %dma_wait3A_136 = arith.constant 0 : i32
    %dma_wait3A_137 = arith.constant 0 : i32
    %dma_wait3A_138 = arith.constant 0 : i32
    %dma_wait3A_139 = tpu.memref_slice %arg9[%dma_wait3A_136, %dma_wait3A_137, %dma_wait3A_138] : memref<3x80x128xf32, #tpu.memory_space<vmem>> -> memref<1x80x128xf32, #tpu.memory_space<vmem>>
    %dma_wait3A_140 = tpu.memref_squeeze %dma_wait3A_139 : memref<1x80x128xf32, #tpu.memory_space<vmem>> -> memref<80x128xf32, #tpu.memory_space<vmem>>
    %dma_wait3A_141 = tpu.memref_slice %arg7[%multiple_of3A_124] : memref<10240xi32, #tpu.memory_space<vmem>> -> memref<80xi32, #tpu.memory_space<vmem>>
    %dma_wait3A_142 = arith.constant 0 : i32
    %dma_wait3A_143 = arith.constant 0 : i32
    %dma_wait3A_144 = tpu.memref_slice %arg2[%dma_wait3A_142, %dma_wait3A_143] : memref<10000x128xf32, #tpu.memory_space<hbm>> -> memref<10000x128xf32, #tpu.memory_space<hbm>>
    tpu.wait_indirect_dma semaphore(%arg11 : memref<!tpu.dma_semaphore, #tpu.memory_space<semaphore_mem>>) src(%dma_wait3A_144 : memref<10000x128xf32, #tpu.memory_space<hbm>>) dst(%dma_wait3A_140 : memref<80x128xf32, #tpu.memory_space<vmem>>)
    %run_scoped3A = arith.constant 0 : i32
    %run_scoped3A_145 = arith.constant 0 : i32
    "tpu.region"() ({
      %run_scoped3A_179 = tpu.sem_alloc : memref<!tpu.dma_semaphore, #tpu.memory_space<semaphore_mem>>
      %dma_start3A_180 = arith.constant 0 : i32
      %dma_start3A_181 = arith.constant 0 : i32
      %dma_start3A_182 = tpu.memref_slice %arg9[%run_scoped3A, %dma_start3A_180, %dma_start3A_181] : memref<3x80x128xf32, #tpu.memory_space<vmem>> -> memref<1x80x128xf32, #tpu.memory_space<vmem>>
      %dma_start3A_183 = tpu.memref_squeeze %dma_start3A_182 : memref<1x80x128xf32, #tpu.memory_space<vmem>> -> memref<80x128xf32, #tpu.memory_space<vmem>>
      %dma_start3A_184 = arith.constant 0 : i32
      %dma_start3A_185 = tpu.memref_slice %arg8[%run_scoped3A_145, %dma_start3A_184] : memref<3x80xi32, #tpu.memory_space<vmem>> -> memref<1x80xi32, #tpu.memory_space<vmem>>
      %dma_start3A_186 = tpu.memref_squeeze %dma_start3A_185 : memref<1x80xi32, #tpu.memory_space<vmem>> -> memref<80xi32, #tpu.memory_space<vmem>>
      %dma_start3A_187 = arith.constant 0 : i32
      %dma_start3A_188 = arith.constant 0 : i32
      %dma_start3A_189 = tpu.memref_slice %arg10[%dma_start3A_187, %dma_start3A_188] : memref<10240x128xf32, #tpu.memory_space<vmem_shared>> -> memref<10240x128xf32, #tpu.memory_space<vmem_shared>>
      tpu.enqueue_indirect_dma source(%dma_start3A_183 : memref<80x128xf32, #tpu.memory_space<vmem>>) target(%dma_start3A_189 : memref<10240x128xf32, #tpu.memory_space<vmem_shared>>) offsets(%dma_start3A_186 : memref<80xi32, #tpu.memory_space<vmem>>) semaphore(%run_scoped3A_179 : memref<!tpu.dma_semaphore, #tpu.memory_space<semaphore_mem>>) {add = true}
      %dma_wait3A_190 = arith.constant 0 : i32
      %dma_wait3A_191 = arith.constant 0 : i32
      %dma_wait3A_192 = tpu.memref_slice %arg9[%run_scoped3A, %dma_wait3A_190, %dma_wait3A_191] : memref<3x80x128xf32, #tpu.memory_space<vmem>> -> memref<1x80x128xf32, #tpu.memory_space<vmem>>
      %dma_wait3A_193 = tpu.memref_squeeze %dma_wait3A_192 : memref<1x80x128xf32, #tpu.memory_space<vmem>> -> memref<80x128xf32, #tpu.memory_space<vmem>>
      %dma_wait3A_194 = arith.constant 0 : i32
      %dma_wait3A_195 = tpu.memref_slice %arg8[%run_scoped3A_145, %dma_wait3A_194] : memref<3x80xi32, #tpu.memory_space<vmem>> -> memref<1x80xi32, #tpu.memory_space<vmem>>
      %dma_wait3A_196 = tpu.memref_squeeze %dma_wait3A_195 : memref<1x80xi32, #tpu.memory_space<vmem>> -> memref<80xi32, #tpu.memory_space<vmem>>
      %dma_wait3A_197 = arith.constant 0 : i32
      %dma_wait3A_198 = arith.constant 0 : i32
      %dma_wait3A_199 = tpu.memref_slice %arg10[%dma_wait3A_197, %dma_wait3A_198] : memref<10240x128xf32, #tpu.memory_space<vmem_shared>> -> memref<10240x128xf32, #tpu.memory_space<vmem_shared>>
      tpu.wait_indirect_dma semaphore(%run_scoped3A_179 : memref<!tpu.dma_semaphore, #tpu.memory_space<semaphore_mem>>) src(%dma_wait3A_193 : memref<80x128xf32, #tpu.memory_space<vmem>>) dst(%dma_wait3A_199 : memref<10240x128xf32, #tpu.memory_space<vmem_shared>>)
      tpu.yield
    }) : () -> ()
    %multiple_of3A_146 = arith.constant 10160 : i32
    %multiple_of3A_147 = tpu.assume_multiple %multiple_of3A_146, 8 : i32
    %add3A_148 = arith.constant 10160 : i32
    %add3A_149 = arith.addi %mul3A_2, %add3A_148 : i32
    %multiple_of3A_150 = tpu.assume_multiple %add3A_149, 8 : i32
    %dma_wait3A_151 = arith.constant 1 : i32
    %dma_wait3A_152 = arith.constant 0 : i32
    %dma_wait3A_153 = tpu.memref_slice %arg8[%dma_wait3A_151, %dma_wait3A_152] : memref<3x80xi32, #tpu.memory_space<vmem>> -> memref<1x80xi32, #tpu.memory_space<vmem>>
    %dma_wait3A_154 = tpu.memref_squeeze %dma_wait3A_153 : memref<1x80xi32, #tpu.memory_space<vmem>> -> memref<80xi32, #tpu.memory_space<vmem>>
    %dma_wait3A_155 = tpu.memref_slice %arg4[%multiple_of3A_150] : memref<327680xi32, #tpu.memory_space<hbm>> -> memref<80xi32, #tpu.memory_space<hbm>>
    %dma_wait3A_156 = arith.constant 0 : i32
    %dma_wait3A_157 = tpu.memref_slice %arg8[%dma_wait3A_151, %dma_wait3A_156] : memref<3x80xi32, #tpu.memory_space<vmem>> -> memref<1x80xi32, #tpu.memory_space<vmem>>
    %dma_wait3A_158 = tpu.memref_squeeze %dma_wait3A_157 : memref<1x80xi32, #tpu.memory_space<vmem>> -> memref<80xi32, #tpu.memory_space<vmem>>
    %dma_wait3A_159 = tpu.memref_slice %arg4[%multiple_of3A_150] : memref<327680xi32, #tpu.memory_space<hbm>> -> memref<80xi32, #tpu.memory_space<hbm>>
    tpu.wait_dma2 semaphore(%arg15 : memref<!tpu.dma_semaphore, #tpu.memory_space<semaphore_mem>>) src(%dma_wait3A_159 : memref<80xi32, #tpu.memory_space<hbm>>) dst(%dma_wait3A_158 : memref<80xi32, #tpu.memory_space<vmem>>)
    %dma_wait3A_160 = arith.constant 1 : i32
    %dma_wait3A_161 = arith.constant 0 : i32
    %dma_wait3A_162 = arith.constant 0 : i32
    %dma_wait3A_163 = tpu.memref_slice %arg9[%dma_wait3A_160, %dma_wait3A_161, %dma_wait3A_162] : memref<3x80x128xf32, #tpu.memory_space<vmem>> -> memref<1x80x128xf32, #tpu.memory_space<vmem>>
    %dma_wait3A_164 = tpu.memref_squeeze %dma_wait3A_163 : memref<1x80x128xf32, #tpu.memory_space<vmem>> -> memref<80x128xf32, #tpu.memory_space<vmem>>
    %dma_wait3A_165 = tpu.memref_slice %arg7[%multiple_of3A_147] : memref<10240xi32, #tpu.memory_space<vmem>> -> memref<80xi32, #tpu.memory_space<vmem>>
    %dma_wait3A_166 = arith.constant 0 : i32
    %dma_wait3A_167 = arith.constant 0 : i32
    %dma_wait3A_168 = tpu.memref_slice %arg2[%dma_wait3A_166, %dma_wait3A_167] : memref<10000x128xf32, #tpu.memory_space<hbm>> -> memref<10000x128xf32, #tpu.memory_space<hbm>>
    tpu.wait_indirect_dma semaphore(%arg12 : memref<!tpu.dma_semaphore, #tpu.memory_space<semaphore_mem>>) src(%dma_wait3A_168 : memref<10000x128xf32, #tpu.memory_space<hbm>>) dst(%dma_wait3A_164 : memref<80x128xf32, #tpu.memory_space<vmem>>)
    %run_scoped3A_169 = arith.constant 1 : i32
    %run_scoped3A_170 = arith.constant 1 : i32
    "tpu.region"() ({
      %run_scoped3A_179 = tpu.sem_alloc : memref<!tpu.dma_semaphore, #tpu.memory_space<semaphore_mem>>
      %dma_start3A_180 = arith.constant 0 : i32
      %dma_start3A_181 = arith.constant 0 : i32
      %dma_start3A_182 = tpu.memref_slice %arg9[%run_scoped3A_169, %dma_start3A_180, %dma_start3A_181] : memref<3x80x128xf32, #tpu.memory_space<vmem>> -> memref<1x80x128xf32, #tpu.memory_space<vmem>>
      %dma_start3A_183 = tpu.memref_squeeze %dma_start3A_182 : memref<1x80x128xf32, #tpu.memory_space<vmem>> -> memref<80x128xf32, #tpu.memory_space<vmem>>
      %dma_start3A_184 = arith.constant 0 : i32
      %dma_start3A_185 = tpu.memref_slice %arg8[%run_scoped3A_170, %dma_start3A_184] : memref<3x80xi32, #tpu.memory_space<vmem>> -> memref<1x80xi32, #tpu.memory_space<vmem>>
      %dma_start3A_186 = tpu.memref_squeeze %dma_start3A_185 : memref<1x80xi32, #tpu.memory_space<vmem>> -> memref<80xi32, #tpu.memory_space<vmem>>
      %dma_start3A_187 = arith.constant 0 : i32
      %dma_start3A_188 = arith.constant 0 : i32
      %dma_start3A_189 = tpu.memref_slice %arg10[%dma_start3A_187, %dma_start3A_188] : memref<10240x128xf32, #tpu.memory_space<vmem_shared>> -> memref<10240x128xf32, #tpu.memory_space<vmem_shared>>
      tpu.enqueue_indirect_dma source(%dma_start3A_183 : memref<80x128xf32, #tpu.memory_space<vmem>>) target(%dma_start3A_189 : memref<10240x128xf32, #tpu.memory_space<vmem_shared>>) offsets(%dma_start3A_186 : memref<80xi32, #tpu.memory_space<vmem>>) semaphore(%run_scoped3A_179 : memref<!tpu.dma_semaphore, #tpu.memory_space<semaphore_mem>>) {add = true}
      %dma_wait3A_190 = arith.constant 0 : i32
      %dma_wait3A_191 = arith.constant 0 : i32
      %dma_wait3A_192 = tpu.memref_slice %arg9[%run_scoped3A_169, %dma_wait3A_190, %dma_wait3A_191] : memref<3x80x128xf32, #tpu.memory_space<vmem>> -> memref<1x80x128xf32, #tpu.memory_space<vmem>>
      %dma_wait3A_193 = tpu.memref_squeeze %dma_wait3A_192 : memref<1x80x128xf32, #tpu.memory_space<vmem>> -> memref<80x128xf32, #tpu.memory_space<vmem>>
      %dma_wait3A_194 = arith.constant 0 : i32
      %dma_wait3A_195 = tpu.memref_slice %arg8[%run_scoped3A_170, %dma_wait3A_194] : memref<3x80xi32, #tpu.memory_space<vmem>> -> memref<1x80xi32, #tpu.memory_space<vmem>>
      %dma_wait3A_196 = tpu.memref_squeeze %dma_wait3A_195 : memref<1x80xi32, #tpu.memory_space<vmem>> -> memref<80xi32, #tpu.memory_space<vmem>>
      %dma_wait3A_197 = arith.constant 0 : i32
      %dma_wait3A_198 = arith.constant 0 : i32
      %dma_wait3A_199 = tpu.memref_slice %arg10[%dma_wait3A_197, %dma_wait3A_198] : memref<10240x128xf32, #tpu.memory_space<vmem_shared>> -> memref<10240x128xf32, #tpu.memory_space<vmem_shared>>
      tpu.wait_indirect_dma semaphore(%run_scoped3A_179 : memref<!tpu.dma_semaphore, #tpu.memory_space<semaphore_mem>>) src(%dma_wait3A_193 : memref<80x128xf32, #tpu.memory_space<vmem>>) dst(%dma_wait3A_199 : memref<10240x128xf32, #tpu.memory_space<vmem_shared>>)
      tpu.yield
    }) : () -> ()
    %barrier3A_171 = arith.constant 0 : index
    tpu.barrier barrier_id(%barrier3A_171)
    %mul3A_172 = arith.constant 10240 : i32
    %mul3A_173 = arith.muli %arg0, %mul3A_172 : i32
    %mul3A_174 = arith.constant 640 : i32
    %mul3A_175 = arith.muli %arg1, %mul3A_174 : i32
    %add3A_176 = arith.addi %mul3A_173, %mul3A_175 : i32
    %mul3A_177 = arith.constant 640 : i32
    %mul3A_178 = arith.muli %arg1, %mul3A_177 : i32
    "tpu.region"() ({
      %run_scoped3A_179 = tpu.sem_alloc : memref<!tpu.dma_semaphore, #tpu.memory_space<semaphore_mem>>
      %dma_start3A_180 = arith.constant 0 : i32
      %dma_start3A_181 = tpu.memref_slice %arg6[%add3A_176, %dma_start3A_180] : memref<20480x128xf32, #tpu.memory_space<hbm>> -> memref<640x128xf32, #tpu.memory_space<hbm>>
      %dma_start3A_182 = arith.constant 0 : i32
      %dma_start3A_183 = tpu.memref_slice %arg10[%mul3A_178, %dma_start3A_182] : memref<10240x128xf32, #tpu.memory_space<vmem_shared>> -> memref<640x128xf32, #tpu.memory_space<vmem_shared>>
      tpu.enqueue_dma source(%dma_start3A_183 : memref<640x128xf32, #tpu.memory_space<vmem_shared>>) target(%dma_start3A_181 : memref<640x128xf32, #tpu.memory_space<hbm>>) target_semaphore(%run_scoped3A_179 : memref<!tpu.dma_semaphore, #tpu.memory_space<semaphore_mem>>)
      %dma_wait3A_184 = arith.constant 0 : i32
      %dma_wait3A_185 = tpu.memref_slice %arg6[%add3A_176, %dma_wait3A_184] : memref<20480x128xf32, #tpu.memory_space<hbm>> -> memref<640x128xf32, #tpu.memory_space<hbm>>
      %dma_wait3A_186 = arith.constant 0 : i32
      %dma_wait3A_187 = tpu.memref_slice %arg10[%mul3A_178, %dma_wait3A_186] : memref<10240x128xf32, #tpu.memory_space<vmem_shared>> -> memref<640x128xf32, #tpu.memory_space<vmem_shared>>
      tpu.wait_dma2 semaphore(%run_scoped3A_179 : memref<!tpu.dma_semaphore, #tpu.memory_space<semaphore_mem>>) src(%dma_wait3A_187 : memref<640x128xf32, #tpu.memory_space<vmem_shared>>) dst(%dma_wait3A_185 : memref<640x128xf32, #tpu.memory_space<hbm>>)
      tpu.yield
    }) : () -> ()
    return
  }
}

module attributes {stable_mosaic.version = 14 : i64} {
  func.func @body(%arg0: memref<10000x128xf32, #tpu.memory_space<vmem>>, %arg1: memref<128x128xf32, #tpu.memory_space<vmem>>, %arg2: memref<128x128xf32, #tpu.memory_space<vmem>>, %arg3: memref<1x128xf32, #tpu.memory_space<vmem>>, %arg4: memref<10000x128xf32, #tpu.memory_space<vmem>>, %arg5: memref<10000x128xf32, #tpu.memory_space<vmem>>) attributes {dimension_semantics = [], scalar_prefetch = 0 : i64, scratch_operands = 0 : i64, tpu.core_type = #tpu.core_type<tc>} {
    %get3A = arith.constant 0 : index
    %get3A_0 = arith.constant 0 : index
    %get3A_1 = vector.load %arg0[%get3A, %get3A_0] : memref<10000x128xf32, #tpu.memory_space<vmem>>, vector<10000x128xf32>
    %get3A_2 = arith.constant 0 : index
    %get3A_3 = arith.constant 0 : index
    %get3A_4 = vector.load %arg1[%get3A_2, %get3A_3] : memref<128x128xf32, #tpu.memory_space<vmem>>, vector<128x128xf32>
    %dot_general3A = arith.constant dense<0.000000e+00> : vector<10000x128xf32>
    %dot_general3A_5 = tpu.matmul %get3A_1, %get3A_4, %dot_general3A {dimension_numbers = #tpu.dot_dimension_numbers<[1], [0], [0], [1], [0, 0, 1, 1], [], []>, transpose_lhs_hint = false} : vector<10000x128xf32>, vector<128x128xf32>, vector<10000x128xf32> -> vector<10000x128xf32>
    %swap3A = arith.constant 0 : index
    %swap3A_6 = arith.constant 0 : index
    %swap3A_7 = vector.load %arg4[%swap3A, %swap3A_6] : memref<10000x128xf32, #tpu.memory_space<vmem>>, vector<10000x128xf32>
    tpu.vector_store %arg4[%swap3A, %swap3A_6], %dot_general3A_5 {strides = array<i32>} : memref<10000x128xf32, #tpu.memory_space<vmem>>, vector<10000x128xf32>,
    %get3A_8 = arith.constant 0 : index
    %get3A_9 = arith.constant 0 : index
    %get3A_10 = vector.load %arg2[%get3A_8, %get3A_9] : memref<128x128xf32, #tpu.memory_space<vmem>>, vector<128x128xf32>
    %dot_general3A_11 = arith.constant dense<0.000000e+00> : vector<10000x128xf32>
    %dot_general3A_12 = tpu.matmul %get3A_1, %get3A_10, %dot_general3A_11 {dimension_numbers = #tpu.dot_dimension_numbers<[1], [0], [0], [1], [0, 0, 1, 1], [], []>, transpose_lhs_hint = false} : vector<10000x128xf32>, vector<128x128xf32>, vector<10000x128xf32> -> vector<10000x128xf32>
    %get3A_13 = arith.constant 0 : index
    %get3A_14 = arith.constant 0 : index
    %get3A_15 = vector.load %arg3[%get3A_13, %get3A_14] : memref<1x128xf32, #tpu.memory_space<vmem>>, vector<1x128xf32>
    %add3A = vector.broadcast %get3A_15 : vector<1x128xf32> to vector<10000x128xf32>
    %add3A_16 = arith.addf %dot_general3A_12, %add3A : vector<10000x128xf32>
    %swap3A_17 = arith.constant 0 : index
    %swap3A_18 = arith.constant 0 : index
    %swap3A_19 = vector.load %arg5[%swap3A_17, %swap3A_18] : memref<10000x128xf32, #tpu.memory_space<vmem>>, vector<10000x128xf32>
    tpu.vector_store %arg5[%swap3A_17, %swap3A_18], %add3A_16 {strides = array<i32>} : memref<10000x128xf32, #tpu.memory_space<vmem>>, vector<10000x128xf32>,
    return
  }
}

module attributes {stable_mosaic.version = 14 : i64} {
  func.func @body(%arg0: memref<20480x128xf32, #tpu.memory_space<vmem>>, %arg1: memref<20480x128xf32, #tpu.memory_space<vmem>>, %arg2: memref<10000x128xf32, #tpu.memory_space<vmem>>, %arg3: memref<128x128xf32, #tpu.memory_space<vmem>>, %arg4: memref<128x128xf32, #tpu.memory_space<vmem>>, %arg5: memref<1x128xf32, #tpu.memory_space<vmem>>, %arg6: memref<10000x128xf32, #tpu.memory_space<vmem>>, %arg7: memref<10000x128xf32, #tpu.memory_space<vmem>>) attributes {dimension_semantics = [], scalar_prefetch = 0 : i64, scratch_operands = 0 : i64, tpu.core_type = #tpu.core_type<tc>} {
    %get3A = arith.constant 0 : index
    %get3A_0 = arith.constant 0 : index
    %get3A_1 = vector.load %arg0[%get3A, %get3A_0] : memref<20480x128xf32, #tpu.memory_space<vmem>>, vector<10000x128xf32>
    %get3A_2 = arith.constant 10240 : index
    %get3A_3 = arith.constant 0 : index
    %get3A_4 = vector.load %arg0[%get3A_2, %get3A_3] : memref<20480x128xf32, #tpu.memory_space<vmem>>, vector<10000x128xf32>
    %add3A = arith.addf %get3A_1, %get3A_4 : vector<10000x128xf32>
    %get3A_5 = arith.constant 0 : index
    %get3A_6 = arith.constant 0 : index
    %get3A_7 = vector.load %arg1[%get3A_5, %get3A_6] : memref<20480x128xf32, #tpu.memory_space<vmem>>, vector<10000x1xf32>
    %get3A_8 = arith.constant 10240 : index
    %get3A_9 = arith.constant 0 : index
    %get3A_10 = vector.load %arg1[%get3A_8, %get3A_9] : memref<20480x128xf32, #tpu.memory_space<vmem>>, vector<10000x1xf32>
    %add3A_11 = arith.addf %get3A_7, %get3A_10 : vector<10000x1xf32>
    %max3A = arith.constant 1.000000e+00 : f32
    %max3A_12 = vector.broadcast %max3A : f32 to vector<10000x1xf32>
    %max3A_13 = arith.maximumf %add3A_11, %max3A_12 : vector<10000x1xf32>
    %div3A = vector.broadcast %max3A_13 : vector<10000x1xf32> to vector<10000x128xf32>
    %div3A_14 = arith.divf %add3A, %div3A : vector<10000x128xf32>
    %get3A_15 = arith.constant 0 : index
    %get3A_16 = arith.constant 0 : index
    %get3A_17 = vector.load %arg2[%get3A_15, %get3A_16] : memref<10000x128xf32, #tpu.memory_space<vmem>>, vector<10000x128xf32>
    %add3A_18 = arith.addf %div3A_14, %get3A_17 : vector<10000x128xf32>
    %max3A_19 = arith.constant 0.000000e+00 : f32
    %max3A_20 = vector.broadcast %max3A_19 : f32 to vector<10000x128xf32>
    %max3A_21 = arith.maximumf %add3A_18, %max3A_20 : vector<10000x128xf32>
    %get3A_22 = arith.constant 0 : index
    %get3A_23 = arith.constant 0 : index
    %get3A_24 = vector.load %arg3[%get3A_22, %get3A_23] : memref<128x128xf32, #tpu.memory_space<vmem>>, vector<128x128xf32>
    %dot_general3A = arith.constant dense<0.000000e+00> : vector<10000x128xf32>
    %dot_general3A_25 = tpu.matmul %max3A_21, %get3A_24, %dot_general3A {dimension_numbers = #tpu.dot_dimension_numbers<[1], [0], [0], [1], [0, 0, 1, 1], [], []>, transpose_lhs_hint = false} : vector<10000x128xf32>, vector<128x128xf32>, vector<10000x128xf32> -> vector<10000x128xf32>
    %swap3A = arith.constant 0 : index
    %swap3A_26 = arith.constant 0 : index
    %swap3A_27 = vector.load %arg6[%swap3A, %swap3A_26] : memref<10000x128xf32, #tpu.memory_space<vmem>>, vector<10000x128xf32>
    tpu.vector_store %arg6[%swap3A, %swap3A_26], %dot_general3A_25 {strides = array<i32>} : memref<10000x128xf32, #tpu.memory_space<vmem>>, vector<10000x128xf32>,
    %get3A_28 = arith.constant 0 : index
    %get3A_29 = arith.constant 0 : index
    %get3A_30 = vector.load %arg4[%get3A_28, %get3A_29] : memref<128x128xf32, #tpu.memory_space<vmem>>, vector<128x128xf32>
    %dot_general3A_31 = arith.constant dense<0.000000e+00> : vector<10000x128xf32>
    %dot_general3A_32 = tpu.matmul %max3A_21, %get3A_30, %dot_general3A_31 {dimension_numbers = #tpu.dot_dimension_numbers<[1], [0], [0], [1], [0, 0, 1, 1], [], []>, transpose_lhs_hint = false} : vector<10000x128xf32>, vector<128x128xf32>, vector<10000x128xf32> -> vector<10000x128xf32>
    %get3A_33 = arith.constant 0 : index
    %get3A_34 = arith.constant 0 : index
    %get3A_35 = vector.load %arg5[%get3A_33, %get3A_34] : memref<1x128xf32, #tpu.memory_space<vmem>>, vector<1x128xf32>
    %add3A_36 = vector.broadcast %get3A_35 : vector<1x128xf32> to vector<10000x128xf32>
    %add3A_37 = arith.addf %dot_general3A_32, %add3A_36 : vector<10000x128xf32>
    %swap3A_38 = arith.constant 0 : index
    %swap3A_39 = arith.constant 0 : index
    %swap3A_40 = vector.load %arg7[%swap3A_38, %swap3A_39] : memref<10000x128xf32, #tpu.memory_space<vmem>>, vector<10000x128xf32>
    tpu.vector_store %arg7[%swap3A_38, %swap3A_39], %add3A_37 {strides = array<i32>} : memref<10000x128xf32, #tpu.memory_space<vmem>>, vector<10000x128xf32>,
    return
  }
}

module attributes {stable_mosaic.version = 14 : i64} {
  func.func @body(%arg0: memref<20480x128xf32, #tpu.memory_space<vmem>>, %arg1: memref<20480x128xf32, #tpu.memory_space<vmem>>, %arg2: memref<10000x128xf32, #tpu.memory_space<vmem>>, %arg3: memref<10000x128xf32, #tpu.memory_space<vmem>>) attributes {dimension_semantics = [], scalar_prefetch = 0 : i64, scratch_operands = 0 : i64, tpu.core_type = #tpu.core_type<tc>} {
    %get3A = arith.constant 0 : index
    %get3A_0 = arith.constant 0 : index
    %get3A_1 = vector.load %arg0[%get3A, %get3A_0] : memref<20480x128xf32, #tpu.memory_space<vmem>>, vector<10000x128xf32>
    %get3A_2 = arith.constant 10240 : index
    %get3A_3 = arith.constant 0 : index
    %get3A_4 = vector.load %arg0[%get3A_2, %get3A_3] : memref<20480x128xf32, #tpu.memory_space<vmem>>, vector<10000x128xf32>
    %add3A = arith.addf %get3A_1, %get3A_4 : vector<10000x128xf32>
    %get3A_5 = arith.constant 0 : index
    %get3A_6 = arith.constant 0 : index
    %get3A_7 = vector.load %arg1[%get3A_5, %get3A_6] : memref<20480x128xf32, #tpu.memory_space<vmem>>, vector<10000x1xf32>
    %get3A_8 = arith.constant 10240 : index
    %get3A_9 = arith.constant 0 : index
    %get3A_10 = vector.load %arg1[%get3A_8, %get3A_9] : memref<20480x128xf32, #tpu.memory_space<vmem>>, vector<10000x1xf32>
    %add3A_11 = arith.addf %get3A_7, %get3A_10 : vector<10000x1xf32>
    %max3A = arith.constant 1.000000e+00 : f32
    %max3A_12 = vector.broadcast %max3A : f32 to vector<10000x1xf32>
    %max3A_13 = arith.maximumf %add3A_11, %max3A_12 : vector<10000x1xf32>
    %div3A = vector.broadcast %max3A_13 : vector<10000x1xf32> to vector<10000x128xf32>
    %div3A_14 = arith.divf %add3A, %div3A : vector<10000x128xf32>
    %get3A_15 = arith.constant 0 : index
    %get3A_16 = arith.constant 0 : index
    %get3A_17 = vector.load %arg2[%get3A_15, %get3A_16] : memref<10000x128xf32, #tpu.memory_space<vmem>>, vector<10000x128xf32>
    %add3A_18 = arith.addf %div3A_14, %get3A_17 : vector<10000x128xf32>
    %swap3A = arith.constant 0 : index
    %swap3A_19 = arith.constant 0 : index
    %swap3A_20 = vector.load %arg3[%swap3A, %swap3A_19] : memref<10000x128xf32, #tpu.memory_space<vmem>>, vector<10000x128xf32>
    tpu.vector_store %arg3[%swap3A, %swap3A_19], %add3A_18 {strides = array<i32>} : memref<10000x128xf32, #tpu.memory_space<vmem>>, vector<10000x128xf32>,
    return
  }
}

</mosaic_0001>

<sc_bundles>
// kernel: kernel.11.cloned.1.call-start
scs
__scs_entry_jumppad:
0x0: {  	(pc) =	sbr.rel $0x88, $3  }
0x1: {  	(tag) =	ssettag $0x0;
	lr =	simm.s32 $0x1  }
0x2: {  	[smem:$0x3F99] =	sst lr;
	_ =	strace $0xD0000000  }
0x3: {  	_ = 	snop  }
0x4: {  	_ = 	snop  }
0x5: {  	_ = 	snop  }
0x6: {  	_ = 	snop  }
0x7: {  	_ = 	snop  }
__scs_overlays_trampoline_lowered:
0x8: {  	[smem:$0x3FA8] =	sst s0  }
0x9: {  	[smem:$0x3FA9] =	sst s1  }
0xa: {  	[smem:$0x3FAA] =	sst s2  }
0xb: {  	[smem:$0x3FAB] =	sst s3  }
0xc: {  	[smem:$0x3FAC] =	sst s4  }
0xd: {  	[smem:$0x3FAD] =	sst s5  }
0xe: {  	[smem:$0x3FAE] =	sst s6  }
0xf: {  	[smem:$0x3FAF] =	sst s7  }
0x10: {  	[smem:$0x3FB0] =	sst s8  }
0x11: {  	[smem:$0x3FB1] =	sst s9;
	s0 =	simm.s32 @!p0 $0x0  }
0x12: {  	s1 =	sld [smem:$0x3F97];
	s0 =	simm.s32 @p0 $0x1  }
0x13: {  	[smem:$0x3FB2] =	sst s0;
	s0 =	simm.s32 @!p1 $0x0  }
0x14: {  	s2 =	sld [smem:$0x3F96];
	s0 =	simm.s32 @p1 $0x1  }
0x15: {  	[smem:$0x3FB3] =	sst s0;
	s0 =	simm.s32 @!p2 $0x0  }
0x16: {  	s3 =	sld [smem:$0x3FDB];
	s0 =	simm.s32 @p2 $0x1  }
0x17: {  	s4 =	simm.s32 $0x1BF5;
	[smem:$0x3FB5] =	sst s0  }
0x18: {  	s0 =	sld [smem:$0x3F98];
	_ =	swait.ge [sflag:s4], $0x0  }
0x19: {  	s7 =	sld [smem:$0x3F99]  }
0x1a: {  	s8 =	sadd.s32 $0xFFFFE003, lr  }
0x1b: {  	s9 =	sadd.s32 $0xFFFFFEF7, lr;
	s5 =	simm.s32 $0xFFFFFFFF;
	p2 =	slt.u32 s8, $0xFFFFF086  }
0x1c: {  	p1 =	slt.u32 s9, $0xF7A;
	s5 =	simm.s32 @!p2 $0x0  }
0x1d: {  	s5 =	simm.s32 @p1 $0x1;
	p0 =	seq.s32 s7, s2  }
0x1e: {  	s7 =	smul.u32 @!p0 $0xF7A, s2;
	p2 =	seq.s32 @!p0 s5, $0x0  }
0x1f: {  	s9 =	smul.u32 $0xF7A, s1;
	s8 =	simm.s32 @!p0 $0x1BF5;
	p2 =	por !p2, p0  }
0x20: {  	[sflag:s8] =	ssyncset.s32 @!p0 $0xFFFFF086;
	s6 =	sadd.s32 @!p0 s3, s7;
	s7 =	simm.s32 @!p0 $0x108  }
0x21: {  	s3 =	sadd.s32 s3, s9;
	s6 =	sadd.s32 @!p0 $0x88, s6;
	s7 =	simm.s32 @p2 $0x1082  }
0x22: {  	[simem:s7], [sflag:s8] =	dma.local @!p0 [hbm:s6], $0xF7A  }
0x23: {  	s9 =	sor.u32 $0xD0000000, s2;
	s6 =	simm.s32 $0x108;
	_ =	swait.ge @!p0 [sflag:s8], $0x0  }
0x24: {  	s3 =	sadd.s32 $0x88, s3;
	s6 =	simm.s32 @!p1 $0x1082;
	[sflag:s4] =	ssyncset.s32 $0xFFFFF086  }
0x25: {  	[simem:s6], [sflag:s4] =	dma.local [hbm:s3], $0xF7A  }
0x26: {  	[smem:$0x3F99] =	sst s1;
	(tag) =	ssettag s2;
	_ =	strace s9  }
0x27: {  	s1 =	sld [smem:$0x3FA9]  }
0x28: {  	s2 =	sld [smem:$0x3FAA]  }
0x29: {  	s4 =	sld [smem:$0x3FAC]  }
0x2a: {  	p0 =	seq.s32 s5, $0x0;
	s5 =	sld [smem:$0x3FAD]  }
0x2b: {  	s6 =	sld [smem:$0x3FAE]  }
0x2c: {  	s7 =	sld [smem:$0x3FAF]  }
0x2d: {  	s3 =	simm.s32 $0x108;
	s8 =	sld [smem:$0x3FB0]  }
0x2e: {  	s3 =	simm.s32 @!p0 $0x1082;
	s9 =	sld [smem:$0x3FB1]  }
0x2f: {  	lr =	sadd.s32 s0, s3;
	s0 =	sld [smem:$0x3FA8]  }
0x30: {  	s3 =	sld [smem:$0x3FAB]  }
0x31: {  	[smem:$0x3FB4] =	sst s10  }
0x32: {  	s10 =	sld [smem:$0x3FB2];
	_ =	sdelay $0x3  }
0x33: {  	p0 =	seq.s32 s10, $0x1;
	s10 =	sld [smem:$0x3FB4];
	_ =	sdelay $0x3  }
0x34: {  	[smem:$0x3FB4] =	sst s10  }
0x35: {  	s10 =	sld [smem:$0x3FB3];
	_ =	sdelay $0x3  }
0x36: {  	p1 =	seq.s32 s10, $0x1;
	s10 =	sld [smem:$0x3FB4];
	_ =	sdelay $0x3  }
0x37: {  	[smem:$0x3FB4] =	sst s10  }
0x38: {  	s10 =	sld [smem:$0x3FB5]  }
0x39: {  	_ = 	snop;
	(pc) =	sbr.ind lr, $3  }
0x3a: {  	_ = 	snop  }
0x3b: {  	_ = 	snop  }
0x3c: {  	p2 =	seq.s32 s10, $0x1;
	s10 =	sld [smem:$0x3FB4]  }
0x3d: {  	_ =	shalt  }
0x3e: {  	_ =	shalt  }
0x3f: {  	_ =	shalt  }
0x40: {  	_ =	shalt  }
0x41: {  	_ =	shalt  }
0x42: {  	_ =	shalt  }
0x43: {  	_ =	shalt  }
0x44: {  	_ =	shalt  }
0x45: {  	_ =	shalt  }
0x46: {  	_ =	shalt  }
0x47: {  	_ =	shalt  }
0x48: {  	_ =	shalt  }
0x49: {  	_ =	shalt  }
0x4a: {  	_ =	shalt  }
0x4b: {  	_ =	shalt  }
0x4c: {  	_ =	shalt  }
0x4d: {  	_ =	shalt  }
0x4e: {  	_ =	shalt  }
0x4f: {  	_ =	shalt  }
0x50: {  	_ =	shalt  }
0x51: {  	_ =	shalt  }
0x52: {  	_ =	shalt  }
0x53: {  	_ =	shalt  }
0x54: {  	_ =	shalt  }
0x55: {  	_ =	shalt  }
0x56: {  	_ =	shalt  }
0x57: {  	_ =	shalt  }
0x58: {  	_ =	shalt  }
0x59: {  	_ =	shalt  }
0x5a: {  	_ =	shalt  }
0x5b: {  	_ =	shalt  }
0x5c: {  	_ =	shalt  }
0x5d: {  	_ =	shalt  }
0x5e: {  	_ =	shalt  }
0x5f: {  	_ =	shalt  }
0x60: {  	_ =	shalt  }
0x61: {  	_ =	shalt  }
0x62: {  	_ =	shalt  }
0x63: {  	_ =	shalt  }
0x64: {  	_ =	shalt  }
0x65: {  	_ =	shalt  }
0x66: {  	_ =	shalt  }
0x67: {  	_ =	shalt  }
0x68: {  	_ =	shalt  }
0x69: {  	_ =	shalt  }
0x6a: {  	_ =	shalt  }
0x6b: {  	_ =	shalt  }
0x6c: {  	_ =	shalt  }
0x6d: {  	_ =	shalt  }
0x6e: {  	_ =	shalt  }
0x6f: {  	_ =	shalt  }
0x70: {  	_ =	shalt  }
0x71: {  	_ =	shalt  }
0x72: {  	_ =	shalt  }
0x73: {  	_ =	shalt  }
0x74: {  	_ =	shalt  }
0x75: {  	_ =	shalt  }
0x76: {  	_ =	shalt  }
0x77: {  	_ =	shalt  }
0x78: {  	_ =	shalt  }
0x79: {  	_ =	shalt  }
0x7a: {  	_ =	shalt  }
0x7b: {  	_ =	shalt  }
0x7c: {  	_ =	shalt  }
0x7d: {  	_ =	shalt  }
0x7e: {  	_ =	shalt  }
0x7f: {  	_ =	shalt  }
0x80: {  	_ =	shalt  }
0x81: {  	_ =	shalt  }
0x82: {  	_ =	shalt  }
0x83: {  	_ =	shalt  }
0x84: {  	_ =	shalt  }
0x85: {  	_ =	shalt  }
0x86: {  	_ =	shalt  }
0x87: {  	_ =	shalt  }
.Lfunc_end0:
.L_simem_size_0:
called_computation.1_lowered:
.L_overlay_start_0:
0x88: {  	s2 =	sld [smem:$0x3FD9]  }
0x89: {  	s3 =	sld [smem:$0x3FFE];
	_ =	sdelay $0x1  }
0x8a: {  	s1 =	srdreg.scid  }
0x8b: {  	s0 =	sand.u32 $0x1, s1  }
0x8c: {  	s17 =	sshll.u32 s0, $0xA;
	s2 =	sadd.s32 s3, s2  }
0x8d: {  	s2 =	sadd.s32 s2, s17  }
0x8e: {  	[smem:$0x3FC0] =	sst s2  }
0x8f: {  	_ = 	snop  }
0x90: {  	(tm) =	ssettm $0x1  }
0x91: {  	s18 =	sld [smem:$0x3FFB];
	_ =	sdelay $0x3  }
0x92: {  	_ =	strace s18  }
0x93: {  	s2 =	sld [smem:$0x3FFC];
	_ =	sdelay $0x3  }
0x94: {  	_ =	strace s2  }
0x95: {  	s2 =	sld [smem:$0x3FFD];
	_ =	sdelay $0x3  }
0x96: {  	_ =	strace s2  }
0x97: {  	_ =	strace $0x8FFFFFFF  }
0x98: {  	s19 =	sld [smem:$0x3FDB];
	_ =	sdelay $0x1  }
0x99: {  	s20 =	simm.s32 $_scs_section_size  }
0x9a: {  	s4 =	simm.s32 $_size__tile_overlayer_lowered;
	s5 =	simm.s32 $_tile_overlayer_lowered  }
0x9b: {  	s6 =	simm.s32 $0x1BFF;
	s21 =	sshll.u32 s5, $0x1;
	s3 =	sadd.s32 s20, s19  }
0x9c: {  	s22 =	simm.s32 $0x0;
	s4 =	sshll.u32 s4, $0x1;
	s5 =	sadd.s32 s21, s3  }
0x9d: {  	[timem:s22], [sflag:s6] =	dma.local [hbm:s5], s4  }
0x9e: {  	_ =	swait.ge [sflag:s6], s4  }
0x9f: {  	s4 =	ssub.s32 $0x0, s4;
	[sflag:s6] =	ssyncset.done $0x0  }
0xa0: {  	[sflag:s6] =	ssyncadd.s32 s4;
	_ =	sdelay $0x1  }
0xa1: {  	s23 =	simm.s32 $0x1B8B  }
0xa2: {  	_ =	swait.ge [sflag:s23], $0x1  }
0xa3: {  	[sflag:s23] =	ssyncset.done $0x0  }
0xa4: {  	[sflag:s23] =	ssyncadd.s32 $0xFFFFFFFF  }
0xa5: {  	s4 =	sld [smem:$0x0]  }
0xa6: {  	s5 =	sand.u32 $0xFFFFFFFE, s1  }
0xa7: {  	p0 =	sne.s32 s1, s5  }
0xa8: {  	s5 =	sshll.u32 @p0 s5, $0xE  }
0xa9: {  	s5 =	sadd.s32 @p0 $0x11B8D, s5;
	s6 =	sshll.u32 @p0 s4, $0x11  }
0xaa: {  	s5 =	sor.u32 @p0 s6, s5  }
0xab: {  	[sflag:s5] =	ssyncadd.remote.s32 @p0 $0x1;
	_ =	sdelay $0x1  }
0xac: {  	s5 =	simm.s32 @p0 $0x1B8D  }
0xad: {  	_ =	swait.eq @p0 [sflag:s5], $0x1  }
0xae: {  	[sflag:s5] =	ssyncadd.s32 @p0 $0xFFFFFFFF  }
0xaf: {  	s6 =	sshll.u32 @!p0 s1, $0xE  }
0xb0: {  	s6 =	sor.u32 @!p0 $0x4000, s6;
	s5 =	simm.s32 @!p0 $0x1B8D  }
0xb1: {  	s4 =	sshll.u32 @!p0 s4, $0x11;
	s6 =	sadd.s32 @!p0 $0x11B8D, s6;
	_ =	swait.eq @!p0 [sflag:s5], $0x1  }
0xb2: {  	s4 =	sor.u32 @!p0 s4, s6;
	[sflag:s5] =	ssyncadd.s32 @!p0 $0xFFFFFFFF  }
0xb3: {  	s25 =	simm.s32 $0x1B8E;
	s24 =	sld [smem:$0x3FFE];
	[sflag:s4] =	ssyncadd.remote.s32 @!p0 $0x1  }
0xb4: {  	s26 =	simm.s32 $execute0_lowered;
	[smem:$0x3FD2] =	sst s25  }
0xb5: {  	s5 =	sshll.u32 s26, $0x1;
	_ =	strace $0x80000049;
	[dreg:$0x1] =	wrdreg $0xFFFFFFFF  }
0xb6: {  	s28 =	simm.s32 $_size_execute0_lowered;
	s3 =	sadd.s32 s3, s5;
	[dreg:$0x0] =	wrdreg $0x0  }
0xb7: {  	s5 =	sshll.u32 s28, $0x1;
	[dreg:$0x2] =	wrdreg s3  }
0xb8: {  	[dreg:$0x3] =	wrdreg s5  }
0xb9: {  	[dreg:$0x4] =	wrdreg $0xC0  }
0xba: {  	_ =	task [dreg:s22], $0x5FFFF  }
0xbb: {  	[dreg:$0x1] =	wrdreg $0xFFFFFFFF  }
0xbc: {  	[dreg:$0x0] =	wrdreg $0x60  }
0xbd: {  	[dreg:$0x2] =	wrdreg s24  }
0xbe: {  	[dreg:$0x3] =	wrdreg $0x68000  }
0xbf: {  	[dreg:$0x4] =	wrdreg $0xA  }
0xc0: {  	_ =	task.clear_ibuf [dreg:s22], $0x5FFFF;
	_ =	strace $0x90000049  }
0xc1: {  	s29 =	simm.s32 $0xA;
	_ =	strace $0x8000004B  }
0xc2: {  	_ =	swait.ge [sflag:s29], $0x1  }
0xc3: {  	[sflag:s29] =	ssyncadd.s32 $0xFFFFFFFF  }
0xc4: {  	_ =	strace $0x9000004B  }
0xc5: {  	_ =	sfence  }
0xc6: {  	s30 =	sld [smem:$0x0];
	_ =	sdelay $0x2  }
0xc7: {  	s31 =	sshll.u32 s1, $0xD;
	s1 =	sshrl.u32 s1, $0x2  }
0xc8: {  	s4 =	sand.u32 $0x4000, s31;
	s1 =	sadd.s32 s1, s30  }
0xc9: {  	s0 =	sor.u32 s4, s0;
	s1 =	sshll.u32 s1, $0x11  }
0xca: {  	s0 =	sor.u32 s1, s0  }
0xcb: {  	s0 =	sadd.s32 $0x8F2B, s0  }
0xcc: {  	[sflag:s0] =	ssyncadd.remote.s32 $0x1  }
0xcd: {  	_ =	sfence.sel $0xFFFF  }
0xce: {  	[dreg:$0x0] =	wrdreg $0xFFFFFFFF;
	(pc) =	sbr.abs _section_cstart, $3  }
0xcf: {  	[dreg:$0x1] =	wrdreg $0xFFFFFFFF  }
0xd0: {  	_ =	task.clear_ibuf [dreg:s22], $0x2FFFF;
	_ =	strace $0x9FFFFFFF  }
0xd1: {  	(tm) =	ssettm $0x7FFFFFFF  }
tec
execute0_lowered:
.L_overlay_start_1:
0x0: {  	(tag) =	ssettag $0x1  }
0x1: {  	s6 =	rddreg [dreg:$0x0]  }
0x2: {  	s2 =	rddreg [dreg:$0x1]  }
0x3: {  	s0 =	rddreg [dreg:$0x2]  }
0x4: {  	s4 =	srdreg.scid;
	s1 =	stileid.u32  }
0x5: {  	s3 =	simm.s32 $0x0;
	s12 =	simm.s32 $0x4000;
	s13 =	simm.s32 $0x50  }
0x6: {  	s14 =	simm.s32 $0x0;
	s7 =	sand.u32 $0x1, s4;
	s8 =	smul.u32 $0x2800, s1  }
0x7: {  	[smem:$0x7FF] =	sst s3;
	s5 =	sadd.s32 $0x78400, s6;
	s25 =	smul.u32 $0x50000, s1  }
0x8: {  	s28 =	sshll.u32 s1, $0xC;
	s31 =	sshll.u32 s1, $0x6;
	s4 =	sshll.u32 s7, $0xB  }
0x9: {  	s9 =	smul.u32 $0x28000, s7;
	_ =	strace $0x8000004A;
	s26 =	ssub.s32 $0x2, s7  }
0xa: {  	s10 =	sadd.s32 s4, s6;
	s4 =	sadd.s32 $0x15C00, s6;
	s11 =	sshrl.u32 s26, $0x1  }
0xb: {  	s8 =	sadd.s32 s8, s9;
	s7 =	sadd.s32 s28, s10;
	s9 =	sshrl.u32 s25, $0x2  }
0xc: {  	s29 =	ssub.s32 s26, s11;
	s10 =	sor.u32 $0x1C01, s31;
	s8 =	sadd.s32 s8, s6  }
0xd: {  	s6 =	sadd.s32 $0x68400, s7;
	s30 =	sadd.s32 s9, s2;
	s9 =	simm.s32 $0x1  }
0xe: {  	s7 =	sadd.s32 $0x78A00, s8;
	s8 =	smax.u32 s29, $0x1;
	s11 =	sshrl.u32 s30, $0x3  }
.LBB2_1:
0xf: {  	[tilespmem:s3], [sflag:$0x1] =	stream.linear.gather [hbm4b:s6+s3], $0x4000, $0x38;
	[tilespmem:$0x1A800] =	vst v63  }
0x10: {  	_ =	swait.ge [sflag:s9], $0x4000  }
0x11: {  	[sflag:s9] =	ssyncset.done $0x0  }
0x12: {  	[sflag:s9] =	ssyncadd.s32 $0xFFFFC000  }
0x13: {  	[spmem:s11], [sflag:s10] =	dma.local [hbm:s4], $0x2800  }
0x14: {  	_ =	swait.ge [sflag:s9], $0x2800  }
0x15: {  	[sflag:s9] =	ssyncset.done $0x0  }
0x16: {  	[sflag:s9] =	ssyncadd.s32 $0xFFFFD800  }
0x17: {  	[tilespmem:s12], [sflag:$0x1] =	stream.linear.gather [hbm4b:s5+s3], $0x2800, $0x38;
	[tilespmem:$0x1A800] =	vst v63  }
0x18: {  	_ =	swait.ge [sflag:s9], $0x2800  }
0x19: {  	[sflag:s9] =	ssyncset.done $0x0  }
0x1a: {  	[sflag:s9] =	ssyncadd.s32 $0xFFFFD800  }
0x1b: {  	s15 =	simm.s32 $0x0;
	[bflag:$0x0] =	sbarrier.arrive $0xFFFF  }
0x1c: {  	[spmem:s2] =	stream.indirect.scatter.add.f32 [tilespmem:s12], [sflag:$0x1], $0x80, s15, s13, $0xb8;
	[tilespmem:$0x1A800] =	vst v63  }
0x1d: {  	_ =	swait.ge [sflag:s9], $0x2800  }
0x1e: {  	s15 =	simm.s32 $0x200;
	[sflag:s9] =	ssyncset.done $0x0  }
.LBB2_2:
0x1f: {  	s16 =	sshra.s32 s15, $0x2;
	[sflag:s9] =	ssyncadd.s32 $0xFFFFD800;
	p0 =	sne.s32 s15, $0xFE00  }
0x20: {  	[spmem:s2] =	stream.indirect.scatter.add.f32 [tilespmem:s12], [sflag:$0x1], $0x80, s16, s13, $0xb8;
	[tilespmem:$0x1A800] =	vst v63  }
.Ltmp0:
0x21: {  	_ = 	snop;
	(pc) =	sbr.rel @p0 .LBB2_2-.Ltmp0, $4  }
0x22: {  	_ = 	snop  }
0x23: {  	s15 =	sadd.s32 $0x200, s15  }
0x24: {  	_ =	swait.ge [sflag:s9], $0x2800  }
0x25: {  	[sflag:s9] =	ssyncset.done $0x0  }
0x26: {  	s14 =	sadd.s32 $0x1, s14  }
0x27: {  	[sflag:s9] =	ssyncadd.s32 $0xFFFFD800;
	p0 =	sne.s32 s14, s8  }
.Ltmp1:
0x28: {  	[bflag:$0x0] =	sbarrier.arrive $0xFFFF;
	(pc) =	sbr.rel @p0 .LBB2_1-.Ltmp1, $4  }
0x29: {  	[hbm:s7], [sflag:s10] =	dma.local [spmem:s11], $0x2800  }
0x2a: {  	_ =	swait.ge [sflag:s9], $0x2800  }
0x2b: {  	[sflag:s9] =	ssyncset.done $0x0  }
0x2c: {  	[sflag:s9] =	ssyncadd.s32 $0xFFFFD800  }
0x2d: {  	_ =	sfence.sel $0x180000  }
0x2e: {  	[bflag:$0x0] =	sbarrier.arrive $0xFFFF  }
0x2f: {  	p0 =	sne.s32 s1, $0x0;
	_ =	strace $0x9000004A  }
0x30: {  	s0 =	sadd.s32 @!p0 $0x100000, s0;
	[bflag:$0x2] =	sbarrier.arrive $0xFFFF  }
0x31: {  	[sflag:s0] =	ssyncadd.tile.s32 @!p0 $0x1;
	_ =	shalt  }
.Lfunc_end2:
_tile_overlayer_lowered:
.L_overlay_start_2:
0x32: {  	(tag) =	ssettag $0x2  }
0x33: {  	s0 =	rddreg [dreg:$0x0];
	s2 =	stileid.u32  }
0x34: {  	s1 =	rddreg [dreg:$0x1];
	p0 =	sne.s32 s2, $0x0  }
0x35: {  	s3 =	rddreg [dreg:$0x2];
	[bflag:$0x3] =	sbarrier.arrive $0xFFFF;
	s2 =	simm.s32 @!p0 $0x1C01  }
0x36: {  	[timem:s3], [sflag:s2] =	dma.local @!p0 [hbm:s0], s1  }
0x37: {  	s0 =	simm.s32 @!p0 $0x1  }
0x38: {  	_ =	swait.ge @!p0 [sflag:s0], s1  }
0x39: {  	s1 =	ssub.s32 @!p0 $0x0, s1;
	[sflag:s0] =	ssyncset.done @!p0 $0x0  }
0x3a: {  	[sflag:s0] =	ssyncadd.s32 @!p0 s1  }
0x3b: {  	[bflag:$0x3] =	sbarrier.arrive $0xFFFF  }
0x3c: {  	_ =	shalt  }

// kernel: kernel.14.cloned.1.call-start
scs
__scs_entry_jumppad:
0x0: {  	(pc) =	sbr.rel $0x88, $3  }
0x1: {  	(tag) =	ssettag $0x0;
	lr =	simm.s32 $0x1  }
0x2: {  	[smem:$0x3F99] =	sst lr;
	_ =	strace $0xD0000000  }
0x3: {  	_ = 	snop  }
0x4: {  	_ = 	snop  }
0x5: {  	_ = 	snop  }
0x6: {  	_ = 	snop  }
0x7: {  	_ = 	snop  }
__scs_overlays_trampoline_lowered:
0x8: {  	[smem:$0x3FA8] =	sst s0  }
0x9: {  	[smem:$0x3FA9] =	sst s1  }
0xa: {  	[smem:$0x3FAA] =	sst s2  }
0xb: {  	[smem:$0x3FAB] =	sst s3  }
0xc: {  	[smem:$0x3FAC] =	sst s4  }
0xd: {  	[smem:$0x3FAD] =	sst s5  }
0xe: {  	[smem:$0x3FAE] =	sst s6  }
0xf: {  	[smem:$0x3FAF] =	sst s7  }
0x10: {  	[smem:$0x3FB0] =	sst s8  }
0x11: {  	[smem:$0x3FB1] =	sst s9;
	s0 =	simm.s32 @!p0 $0x0  }
0x12: {  	s1 =	sld [smem:$0x3F97];
	s0 =	simm.s32 @p0 $0x1  }
0x13: {  	[smem:$0x3FB2] =	sst s0;
	s0 =	simm.s32 @!p1 $0x0  }
0x14: {  	s2 =	sld [smem:$0x3F96];
	s0 =	simm.s32 @p1 $0x1  }
0x15: {  	[smem:$0x3FB3] =	sst s0;
	s0 =	simm.s32 @!p2 $0x0  }
0x16: {  	s3 =	sld [smem:$0x3FDB];
	s0 =	simm.s32 @p2 $0x1  }
0x17: {  	s4 =	simm.s32 $0x1BF5;
	[smem:$0x3FB5] =	sst s0  }
0x18: {  	s0 =	sld [smem:$0x3F98];
	_ =	swait.ge [sflag:s4], $0x0  }
0x19: {  	s7 =	sld [smem:$0x3F99]  }
0x1a: {  	s8 =	sadd.s32 $0xFFFFE003, lr  }
0x1b: {  	s9 =	sadd.s32 $0xFFFFFEF7, lr;
	s5 =	simm.s32 $0xFFFFFFFF;
	p2 =	slt.u32 s8, $0xFFFFF086  }
0x1c: {  	p1 =	slt.u32 s9, $0xF7A;
	s5 =	simm.s32 @!p2 $0x0  }
0x1d: {  	s5 =	simm.s32 @p1 $0x1;
	p0 =	seq.s32 s7, s2  }
0x1e: {  	s7 =	smul.u32 @!p0 $0xF7A, s2;
	p2 =	seq.s32 @!p0 s5, $0x0  }
0x1f: {  	s9 =	smul.u32 $0xF7A, s1;
	s8 =	simm.s32 @!p0 $0x1BF5;
	p2 =	por !p2, p0  }
0x20: {  	[sflag:s8] =	ssyncset.s32 @!p0 $0xFFFFF086;
	s6 =	sadd.s32 @!p0 s3, s7;
	s7 =	simm.s32 @!p0 $0x108  }
0x21: {  	s3 =	sadd.s32 s3, s9;
	s6 =	sadd.s32 @!p0 $0x88, s6;
	s7 =	simm.s32 @p2 $0x1082  }
0x22: {  	[simem:s7], [sflag:s8] =	dma.local @!p0 [hbm:s6], $0xF7A  }
0x23: {  	s9 =	sor.u32 $0xD0000000, s2;
	s6 =	simm.s32 $0x108;
	_ =	swait.ge @!p0 [sflag:s8], $0x0  }
0x24: {  	s3 =	sadd.s32 $0x88, s3;
	s6 =	simm.s32 @!p1 $0x1082;
	[sflag:s4] =	ssyncset.s32 $0xFFFFF086  }
0x25: {  	[simem:s6], [sflag:s4] =	dma.local [hbm:s3], $0xF7A  }
0x26: {  	[smem:$0x3F99] =	sst s1;
	(tag) =	ssettag s2;
	_ =	strace s9  }
0x27: {  	s1 =	sld [smem:$0x3FA9]  }
0x28: {  	s2 =	sld [smem:$0x3FAA]  }
0x29: {  	s4 =	sld [smem:$0x3FAC]  }
0x2a: {  	p0 =	seq.s32 s5, $0x0;
	s5 =	sld [smem:$0x3FAD]  }
0x2b: {  	s6 =	sld [smem:$0x3FAE]  }
0x2c: {  	s7 =	sld [smem:$0x3FAF]  }
0x2d: {  	s3 =	simm.s32 $0x108;
	s8 =	sld [smem:$0x3FB0]  }
0x2e: {  	s3 =	simm.s32 @!p0 $0x1082;
	s9 =	sld [smem:$0x3FB1]  }
0x2f: {  	lr =	sadd.s32 s0, s3;
	s0 =	sld [smem:$0x3FA8]  }
0x30: {  	s3 =	sld [smem:$0x3FAB]  }
0x31: {  	[smem:$0x3FB4] =	sst s10  }
0x32: {  	s10 =	sld [smem:$0x3FB2];
	_ =	sdelay $0x3  }
0x33: {  	p0 =	seq.s32 s10, $0x1;
	s10 =	sld [smem:$0x3FB4];
	_ =	sdelay $0x3  }
0x34: {  	[smem:$0x3FB4] =	sst s10  }
0x35: {  	s10 =	sld [smem:$0x3FB3];
	_ =	sdelay $0x3  }
0x36: {  	p1 =	seq.s32 s10, $0x1;
	s10 =	sld [smem:$0x3FB4];
	_ =	sdelay $0x3  }
0x37: {  	[smem:$0x3FB4] =	sst s10  }
0x38: {  	s10 =	sld [smem:$0x3FB5]  }
0x39: {  	_ = 	snop;
	(pc) =	sbr.ind lr, $3  }
0x3a: {  	_ = 	snop  }
0x3b: {  	_ = 	snop  }
0x3c: {  	p2 =	seq.s32 s10, $0x1;
	s10 =	sld [smem:$0x3FB4]  }
0x3d: {  	_ =	shalt  }
0x3e: {  	_ =	shalt  }
0x3f: {  	_ =	shalt  }
0x40: {  	_ =	shalt  }
0x41: {  	_ =	shalt  }
0x42: {  	_ =	shalt  }
0x43: {  	_ =	shalt  }
0x44: {  	_ =	shalt  }
0x45: {  	_ =	shalt  }
0x46: {  	_ =	shalt  }
0x47: {  	_ =	shalt  }
0x48: {  	_ =	shalt  }
0x49: {  	_ =	shalt  }
0x4a: {  	_ =	shalt  }
0x4b: {  	_ =	shalt  }
0x4c: {  	_ =	shalt  }
0x4d: {  	_ =	shalt  }
0x4e: {  	_ =	shalt  }
0x4f: {  	_ =	shalt  }
0x50: {  	_ =	shalt  }
0x51: {  	_ =	shalt  }
0x52: {  	_ =	shalt  }
0x53: {  	_ =	shalt  }
0x54: {  	_ =	shalt  }
0x55: {  	_ =	shalt  }
0x56: {  	_ =	shalt  }
0x57: {  	_ =	shalt  }
0x58: {  	_ =	shalt  }
0x59: {  	_ =	shalt  }
0x5a: {  	_ =	shalt  }
0x5b: {  	_ =	shalt  }
0x5c: {  	_ =	shalt  }
0x5d: {  	_ =	shalt  }
0x5e: {  	_ =	shalt  }
0x5f: {  	_ =	shalt  }
0x60: {  	_ =	shalt  }
0x61: {  	_ =	shalt  }
0x62: {  	_ =	shalt  }
0x63: {  	_ =	shalt  }
0x64: {  	_ =	shalt  }
0x65: {  	_ =	shalt  }
0x66: {  	_ =	shalt  }
0x67: {  	_ =	shalt  }
0x68: {  	_ =	shalt  }
0x69: {  	_ =	shalt  }
0x6a: {  	_ =	shalt  }
0x6b: {  	_ =	shalt  }
0x6c: {  	_ =	shalt  }
0x6d: {  	_ =	shalt  }
0x6e: {  	_ =	shalt  }
0x6f: {  	_ =	shalt  }
0x70: {  	_ =	shalt  }
0x71: {  	_ =	shalt  }
0x72: {  	_ =	shalt  }
0x73: {  	_ =	shalt  }
0x74: {  	_ =	shalt  }
0x75: {  	_ =	shalt  }
0x76: {  	_ =	shalt  }
0x77: {  	_ =	shalt  }
0x78: {  	_ =	shalt  }
0x79: {  	_ =	shalt  }
0x7a: {  	_ =	shalt  }
0x7b: {  	_ =	shalt  }
0x7c: {  	_ =	shalt  }
0x7d: {  	_ =	shalt  }
0x7e: {  	_ =	shalt  }
0x7f: {  	_ =	shalt  }
0x80: {  	_ =	shalt  }
0x81: {  	_ =	shalt  }
0x82: {  	_ =	shalt  }
0x83: {  	_ =	shalt  }
0x84: {  	_ =	shalt  }
0x85: {  	_ =	shalt  }
0x86: {  	_ =	shalt  }
0x87: {  	_ =	shalt  }
.Lfunc_end0:
.L_simem_size_0:
called_computation.2_lowered:
.L_overlay_start_0:
0x88: {  	s2 =	sld [smem:$0x3FD9]  }
0x89: {  	s3 =	sld [smem:$0x3FFE];
	_ =	sdelay $0x1  }
0x8a: {  	s1 =	srdreg.scid  }
0x8b: {  	s0 =	sand.u32 $0x1, s1  }
0x8c: {  	s17 =	sshll.u32 s0, $0xA;
	s2 =	sadd.s32 s3, s2  }
0x8d: {  	s2 =	sadd.s32 s2, s17  }
0x8e: {  	[smem:$0x3FC0] =	sst s2  }
0x8f: {  	_ = 	snop  }
0x90: {  	s2 =	sld [smem:$0x3FD0];
	(tm) =	ssettm $0x1  }
0x91: {  	s18 =	sld [smem:$0x3FFB];
	_ =	sdelay $0x3  }
0x92: {  	_ =	strace s18  }
0x93: {  	s3 =	sld [smem:$0x3FFC];
	_ =	sdelay $0x3  }
0x94: {  	_ =	strace s3  }
0x95: {  	s3 =	sld [smem:$0x3FFD];
	_ =	sdelay $0x3  }
0x96: {  	_ =	strace s3  }
0x97: {  	_ =	strace $0x8FFFFFFF  }
0x98: {  	s19 =	sld [smem:$0x3FDB];
	_ =	sdelay $0x1  }
0x99: {  	s4 =	simm.s32 $_scs_section_size  }
0x9a: {  	s5 =	simm.s32 $_size__tile_overlayer_lowered;
	s6 =	simm.s32 $_tile_overlayer_lowered  }
0x9b: {  	s22 =	simm.s32 $0x1BFF;
	s21 =	sshll.u32 s6, $0x1;
	s3 =	sadd.s32 s4, s19  }
0x9c: {  	s7 =	simm.s32 $0x0;
	s20 =	sshll.u32 s5, $0x1;
	s5 =	sadd.s32 s21, s3  }
0x9d: {  	[timem:s7], [sflag:s22] =	dma.local [hbm:s5], s20  }
0x9e: {  	_ =	swait.ge [sflag:s22], s20  }
0x9f: {  	s4 =	ssub.s32 $0x0, s20;
	[sflag:s22] =	ssyncset.done $0x0  }
0xa0: {  	[sflag:s22] =	ssyncadd.s32 s4;
	_ =	sdelay $0x1  }
0xa1: {  	s23 =	simm.s32 $0x1B8B  }
0xa2: {  	_ =	swait.ge [sflag:s23], $0x1  }
0xa3: {  	[sflag:s23] =	ssyncset.done $0x0  }
0xa4: {  	s25 =	simm.s32 $0x1B8E;
	s24 =	sld [smem:$0x3FFE];
	[sflag:s23] =	ssyncadd.s32 $0xFFFFFFFF  }
0xa5: {  	s26 =	simm.s32 $execute0_lowered;
	[smem:$0x3FD2] =	sst s25  }
0xa6: {  	s5 =	sshll.u32 s26, $0x1;
	_ =	strace $0x8000004C;
	[dreg:$0x1] =	wrdreg $0xFFFFFFFF  }
0xa7: {  	s28 =	simm.s32 $_size_execute0_lowered;
	s3 =	sadd.s32 s3, s5;
	[dreg:$0x0] =	wrdreg $0x0  }
0xa8: {  	s5 =	sshll.u32 s28, $0x1;
	[dreg:$0x2] =	wrdreg s3  }
0xa9: {  	[dreg:$0x3] =	wrdreg s5  }
0xaa: {  	[dreg:$0x4] =	wrdreg $0xC0  }
0xab: {  	_ =	task [dreg:s7], $0x5FFFF  }
0xac: {  	[dreg:$0x1] =	wrdreg $0xFFFFFFFF  }
0xad: {  	[dreg:$0x0] =	wrdreg $0x60  }
0xae: {  	[dreg:$0x2] =	wrdreg s2  }
0xaf: {  	[dreg:$0x3] =	wrdreg s24  }
0xb0: {  	[dreg:$0x4] =	wrdreg $0xA2000  }
0xb1: {  	[dreg:$0x5] =	wrdreg $0x9  }
0xb2: {  	_ =	task.clear_ibuf [dreg:s7], $0x6FFFF;
	_ =	strace $0x9000004C  }
0xb3: {  	s29 =	simm.s32 $0x9;
	_ =	strace $0x8000004E  }
0xb4: {  	_ =	swait.ge [sflag:s29], $0x1  }
0xb5: {  	[sflag:s29] =	ssyncadd.s32 $0xFFFFFFFF  }
0xb6: {  	_ =	strace $0x9000004E  }
0xb7: {  	_ =	sfence  }
0xb8: {  	s30 =	sld [smem:$0x0];
	_ =	sdelay $0x2  }
0xb9: {  	s31 =	sshll.u32 s1, $0xD;
	s1 =	sshrl.u32 s1, $0x2  }
0xba: {  	s3 =	sand.u32 $0x4000, s31;
	s1 =	sadd.s32 s1, s30  }
0xbb: {  	s0 =	sor.u32 s3, s0;
	s1 =	sshll.u32 s1, $0x11  }
0xbc: {  	s0 =	sor.u32 s1, s0  }
0xbd: {  	s0 =	sadd.s32 $0x8F2B, s0  }
0xbe: {  	[sflag:s0] =	ssyncadd.remote.s32 $0x1  }
0xbf: {  	_ =	sfence.sel $0xFFFF  }
0xc0: {  	[dreg:$0x0] =	wrdreg $0xFFFFFFFF;
	(pc) =	sbr.abs _section_cstart, $3  }
0xc1: {  	[dreg:$0x1] =	wrdreg $0xFFFFFFFF  }
0xc2: {  	_ =	task.clear_ibuf [dreg:s7], $0x2FFFF;
	_ =	strace $0x9FFFFFFF  }
0xc3: {  	(tm) =	ssettm $0x7FFFFFFF  }
tec
execute0_lowered:
.L_overlay_start_1:
0x0: {  	(tag) =	ssettag $0x1  }
0x1: {  	s1 =	rddreg [dreg:$0x0]  }
0x2: {  	s0 =	srdreg.scid;
	s5 =	rddreg [dreg:$0x1]  }
0x3: {  	s10 =	stileid.u32;
	s3 =	rddreg [dreg:$0x2]  }
0x4: {  	s4 =	simm.s32 $0x0;
	s28 =	simm.s32 $0x4;
	s29 =	simm.s32 $0x1  }
0x5: {  	s30 =	simm.s32 $0x6;
	s31 =	simm.s32 $0x3;
	s6 =	smul.u32 $0x2800, s10  }
0x6: {  	s0 =	sand.u32 $0x1, s0;
	s2 =	sshll.u32 s10, $0x1;
	s17 =	smul.u32 $0x50000, s10  }
0x7: {  	[smem:$0x7FF] =	sst s4;
	s9 =	sadd.s32 $0xBC00, s5;
	s19 =	smul.u32 $0x5000, s10  }
0x8: {  	s11 =	sadd.s32 $0x15C00, s5;
	s2 =	sor.u32 s0, s2;
	s7 =	smul.u32 $0x28000, s0  }
0x9: {  	_ =	strace $0x8000004D;
	s15 =	ssub.s32 $0x2, s0;
	s0 =	smul.u32 $0x2800, s0  }
0xa: {  	[dreg:$0x4] =	wrdreg s11;
	s2 =	smul.u32 $0x2800, s2;
	s16 =	sshrl.u32 s15, $0x1  }
0xb: {  	s6 =	sadd.s32 s6, s7;
	s7 =	ssub.s32 s15, s16;
	s0 =	sadd.s32 s0, s19  }
0xc: {  	s19 =	simm.s32 $0x2800;
	s2 =	sshrl.u32 s2, $0x3;
	s24 =	smax.u32 s7, $0x1  }
0xd: {  	s25 =	sor.u32 $0x190, s0;
	s26 =	sor.u32 $0x140, s0;
	s0 =	sor.u32 $0xF0, s0  }
0xe: {  	s8 =	sadd.s32 s2, s5;
	s5 =	sadd.s32 s6, s5;
	s6 =	sadd.s32 s9, s2  }
0xf: {  	s2 =	sshrl.u32 s17, $0x2;
	[dreg:$0xc] =	wrdreg s24;
	s8 =	sadd.s32 $0x1C00, s8  }
0x10: {  	s0 =	sshrl.u32 s0, $0x3;
	s18 =	sadd.s32 $0xA, s6;
	[dreg:$0x5] =	wrdreg s8  }
0x11: {  	s24 =	simm.s32 $0x2900;
	s20 =	sadd.s32 $0x14, s6;
	[dreg:$0x6] =	wrdreg s18  }
0x12: {  	s2 =	sadd.s32 s2, s3;
	s21 =	sadd.s32 $0x4EC, s6;
	[dreg:$0x7] =	wrdreg s20  }
0x13: {  	s22 =	sadd.s32 $0x4F6, s6;
	s23 =	sadd.s32 $0x18400, s5;
	[dreg:$0x8] =	wrdreg s2  }
0x14: {  	s5 =	sshrl.u32 s26, $0x3;
	s17 =	sadd.s32 s0, s9;
	[dreg:$0x9] =	wrdreg s21  }
.Ltmp0:
0x15: {  	s26 =	simm.s32 $0x7A00;
	[dreg:$0xa] =	wrdreg s22;
	(pc) =	sbr.rel .LBB2_1-.Ltmp0, $4  }
0x16: {  	s0 =	simm.s32 $0x0;
	[dreg:$0xb] =	wrdreg s23;
	s2 =	sshrl.u32 s25, $0x3  }
0x17: {  	s16 =	sadd.s32 s5, s9;
	s18 =	simm.s32 $0x7;
	s20 =	simm.s32 $0x50  }
0x18: {  	s21 =	simm.s32 $0x2A00;
	s22 =	simm.s32 $0x2880;
	s23 =	simm.s32 $0x5200  }
0x19: {  	s25 =	simm.s32 $0x5;
	s15 =	sadd.s32 s2, s9;
	s2 =	simm.s32 $0x2  }
.LBB2_4:
0x1a: {  	s8 =	rddreg [dreg:$0x9]  }
0x1b: {  	[tilespmem:s19], [sflag:$0x4] =	stream.linear.gather [hbm4b:s8+s4], $0x50, $0x38;
	[tilespmem:$0x1E200] =	vst v63  }
0x1c: {  	s10 =	simm.s32 $0x2760  }
0x1d: {  	[tilespmem:s21], [sflag:$0x1] =	stream.indirect.gather [hbm4b:s1+s20], $0x80, s10, s20, $0xb8;
	[tilespmem:$0x1E200] =	vst v63  }
0x1e: {  	s11 =	rddreg [dreg:$0xa]  }
0x1f: {  	[tilespmem:s22], [sflag:$0x5] =	stream.linear.gather [hbm4b:s11+s4], $0x50, $0x38;
	[tilespmem:$0x1E200] =	vst v63  }
0x20: {  	s12 =	simm.s32 $0x27B0  }
0x21: {  	[tilespmem:s23], [sflag:$0x2] =	stream.indirect.gather [hbm4b:s1+s20], $0x80, s12, s20, $0xb8;
	[tilespmem:$0x1E200] =	vst v63  }
0x22: {  	_ =	swait.ge [sflag:s28], $0x50  }
0x23: {  	[sflag:s28] =	ssyncset.done $0x0  }
0x24: {  	[sflag:s28] =	ssyncadd.s32 $0xFFFFFFB0  }
0x25: {  	_ =	swait.ge [sflag:s29], $0x2800  }
0x26: {  	[sflag:s29] =	ssyncset.done $0x0  }
0x27: {  	[sflag:s29] =	ssyncadd.s32 $0xFFFFD800  }
0x28: {  	[spmem:s3] =	stream.indirect.scatter.add.f32 [tilespmem:s21], [sflag:$0x7], $0x80, s19, s20, $0xb8;
	[tilespmem:$0x1E200] =	vst v63  }
0x29: {  	_ =	swait.ge [sflag:s18], $0x2800  }
0x2a: {  	[sflag:s18] =	ssyncset.done $0x0  }
0x2b: {  	[sflag:s18] =	ssyncadd.s32 $0xFFFFD800  }
0x2c: {  	_ =	swait.ge [sflag:s25], $0x50  }
0x2d: {  	[sflag:s25] =	ssyncset.done $0x0  }
0x2e: {  	[sflag:s25] =	ssyncadd.s32 $0xFFFFFFB0  }
0x2f: {  	_ =	swait.ge [sflag:s2], $0x2800  }
0x30: {  	[sflag:s2] =	ssyncset.done $0x0  }
0x31: {  	[sflag:s2] =	ssyncadd.s32 $0xFFFFD800  }
0x32: {  	[spmem:s3] =	stream.indirect.scatter.add.f32 [tilespmem:s23], [sflag:$0x7], $0x80, s22, s20, $0xb8;
	[tilespmem:$0x1E200] =	vst v63  }
0x33: {  	_ =	swait.ge [sflag:s18], $0x2800  }
0x34: {  	[sflag:s18] =	ssyncset.done $0x0  }
0x35: {  	[sflag:s18] =	ssyncadd.s32 $0xFFFFD800  }
0x36: {  	[bflag:$0x0] =	sbarrier.arrive $0xFFFF  }
0x37: {  	s13 =	rddreg [dreg:$0xb]  }
0x38: {  	[hbm:s13], [sflag:s5] =	dma.local [spmem:s7], $0x2800  }
0x39: {  	_ =	swait.ge [sflag:s18], $0x2800  }
0x3a: {  	s0 =	sadd.s32 $0x1, s0;
	s14 =	rddreg [dreg:$0xc]  }
0x3b: {  	p0 =	sne.s32 s0, s14  }
.Ltmp1:
0x3c: {  	_ = 	snop;
	(pc) =	sbr.rel @!p0 .LBB2_5-.Ltmp1, $3  }
0x3d: {  	_ =	sdelay $0x1  }
0x3e: {  	[sflag:s18] =	ssyncset.done $0x0  }
0x3f: {  	[sflag:s18] =	ssyncadd.s32 $0xFFFFD800  }
.LBB2_1:
0x40: {  	s5 =	rddreg [dreg:$0x5]  }
0x41: {  	[tilespmem:s4], [sflag:$0x7] =	stream.linear.gather [hbm4b:s5+s4], $0x2800, $0x38;
	[tilespmem:$0x1E200] =	vst v63  }
0x42: {  	_ =	swait.ge [sflag:s18], $0x2800  }
0x43: {  	[sflag:s18] =	ssyncset.done $0x0  }
0x44: {  	[sflag:s18] =	ssyncadd.s32 $0xFFFFD800  }
0x45: {  	[tilespmem:s19], [sflag:$0x4] =	stream.linear.gather [hbm4b:s6+s4], $0x50, $0x38;
	[tilespmem:$0x1E200] =	vst v63  }
0x46: {  	_ = 	snop  }
0x47: {  	[tilespmem:s21], [sflag:$0x1] =	stream.indirect.gather [hbm4b:s1+s20], $0x80, s4, s20, $0xb8;
	[tilespmem:$0x1E200] =	vst v63  }
0x48: {  	s11 =	rddreg [dreg:$0x6]  }
0x49: {  	[tilespmem:s22], [sflag:$0x5] =	stream.linear.gather [hbm4b:s11+s4], $0x50, $0x38;
	[tilespmem:$0x1E200] =	vst v63  }
0x4a: {  	s14 =	stileid.u32;
	s12 =	rddreg [dreg:$0x7]  }
0x4b: {  	[tilespmem:s23], [sflag:$0x2] =	stream.indirect.gather [hbm4b:s1+s20], $0x80, s20, s20, $0xb8;
	[tilespmem:$0x1E200] =	vst v63  }
0x4c: {  	s13 =	simm.s32 $0xA0;
	s5 =	sshll.u32 s14, $0x6;
	s7 =	rddreg [dreg:$0x8]  }
0x4d: {  	[tilespmem:s24], [sflag:$0x6] =	stream.linear.gather [hbm4b:s12+s4], $0x50, $0x38;
	[tilespmem:$0x1E200] =	vst v63  }
0x4e: {  	s5 =	sor.u32 $0x1C07, s5;
	s8 =	rddreg [dreg:$0x4];
	s7 =	sshrl.u32 s7, $0x3  }
0x4f: {  	[tilespmem:s26], [sflag:$0x3] =	stream.indirect.gather [hbm4b:s1+s20], $0x80, s13, s20, $0xb8;
	[tilespmem:$0x1E200] =	vst v63  }
0x50: {  	[spmem:s7], [sflag:s5] =	dma.local [hbm:s8], $0x2800  }
0x51: {  	_ =	swait.ge [sflag:s18], $0x2800  }
0x52: {  	[sflag:s18] =	ssyncset.done $0x0  }
0x53: {  	[sflag:s18] =	ssyncadd.s32 $0xFFFFD800  }
0x54: {  	s9 =	simm.s32 $0x0;
	s8 =	simm.s32 $0x190;
	[bflag:$0x0] =	sbarrier.arrive $0xFFFF  }
.LBB2_2:
0x55: {  	_ =	swait.ge [sflag:s28], $0x50  }
0x56: {  	[sflag:s28] =	ssyncset.done $0x0  }
0x57: {  	[sflag:s28] =	ssyncadd.s32 $0xFFFFFFB0  }
0x58: {  	_ =	swait.ge [sflag:s29], $0x2800  }
0x59: {  	[sflag:s29] =	ssyncset.done $0x0  }
0x5a: {  	[sflag:s29] =	ssyncadd.s32 $0xFFFFD800  }
0x5b: {  	[spmem:s3] =	stream.indirect.scatter.add.f32 [tilespmem:s21], [sflag:$0x7], $0x80, s19, s20, $0xb8;
	[tilespmem:$0x1E200] =	vst v63  }
0x5c: {  	_ =	swait.ge [sflag:s18], $0x2800  }
0x5d: {  	p0 =	seq.s32 s9, $0x4CE;
	[sflag:s18] =	ssyncset.done $0x0  }
0x5e: {  	s10 =	simm.s32 @p0 $0x5;
	[sflag:s18] =	ssyncadd.s32 $0xFFFFD800  }
0x5f: {  	_ =	swait.ge @p0 [sflag:s10], $0x50  }
0x60: {  	[sflag:s10] =	ssyncset.done @p0 $0x0  }
0x61: {  	[sflag:s10] =	ssyncadd.s32 @p0 $0xFFFFFFB0;
	s10 =	simm.s32 @p0 $0x2  }
0x62: {  	_ =	swait.ge @p0 [sflag:s10], $0x2800  }
0x63: {  	s11 =	simm.s32 @p0 $0x2880;
	[sflag:s10] =	ssyncset.done @p0 $0x0  }
0x64: {  	s12 =	simm.s32 @p0 $0x5200;
	[sflag:s10] =	ssyncadd.s32 @p0 $0xFFFFD800;
	s10 =	simm.s32 @p0 $0x50  }
0x65: {  	[spmem:s3] =	stream.indirect.scatter.add.f32 @p0 [tilespmem:s12], [sflag:$0x7], $0x80, s11, s10, $0xb8;
	[tilespmem:$0x1E200] =	vst v63  }
0x66: {  	s10 =	simm.s32 @p0 $0x7  }
0x67: {  	_ =	swait.ge @p0 [sflag:s10], $0x2800  }
0x68: {  	s11 =	simm.s32 @!p0 $0x0;
	[sflag:s10] =	ssyncset.done @p0 $0x0  }
0x69: {  	s12 =	simm.s32 @!p0 $0x2800;
	[sflag:s10] =	ssyncadd.s32 @p0 $0xFFFFD800;
	s10 =	sadd.s32 @!p0 s9, s17  }
0x6a: {  	[tilespmem:s12], [sflag:$0x4] =	stream.linear.gather @!p0 [hbm4b:s10+s11], $0x50, $0x38;
	[tilespmem:$0x1E200] =	vst v63  }
0x6b: {  	s13 =	simm.s32 @!p0 $0x2A00;
	s10 =	sadd.s32 @!p0 $0xFFFFFF60, s8;
	s12 =	simm.s32 @!p0 $0x50  }
0x6c: {  	[tilespmem:s13], [sflag:$0x1] =	stream.indirect.gather @!p0 [hbm4b:s1+s12], $0x80, s10, s12, $0xb8;
	[tilespmem:$0x1E200] =	vst v63  }
0x6d: {  	s10 =	simm.s32 @!p0 $0x5  }
0x6e: {  	_ =	swait.ge @!p0 [sflag:s10], $0x50  }
0x6f: {  	[sflag:s10] =	ssyncset.done @!p0 $0x0  }
0x70: {  	[sflag:s10] =	ssyncadd.s32 @!p0 $0xFFFFFFB0;
	s10 =	simm.s32 @!p0 $0x2  }
0x71: {  	_ =	swait.ge @!p0 [sflag:s10], $0x2800  }
0x72: {  	s14 =	simm.s32 @!p0 $0x7;
	[sflag:s10] =	ssyncset.done @!p0 $0x0  }
0x73: {  	s13 =	simm.s32 @!p0 $0x5200;
	[sflag:s10] =	ssyncadd.s32 @!p0 $0xFFFFD800;
	s10 =	simm.s32 @!p0 $0x2880  }
0x74: {  	[spmem:s3] =	stream.indirect.scatter.add.f32 @!p0 [tilespmem:s13], [sflag:$0x7], $0x80, s10, s12, $0xb8;
	[tilespmem:$0x1E200] =	vst v63  }
0x75: {  	_ =	swait.ge @!p0 [sflag:s14], $0x2800  }
0x76: {  	[sflag:s14] =	ssyncset.done @!p0 $0x0  }
0x77: {  	[sflag:s14] =	ssyncadd.s32 @!p0 $0xFFFFD800;
	s14 =	sadd.s32 @!p0 s9, s16  }
0x78: {  	[tilespmem:s10], [sflag:$0x5] =	stream.linear.gather @!p0 [hbm4b:s14+s11], $0x50, $0x38;
	[tilespmem:$0x1E200] =	vst v63  }
0x79: {  	s10 =	sadd.s32 @!p0 $0xFFFFFFB0, s8  }
0x7a: {  	[tilespmem:s13], [sflag:$0x2] =	stream.indirect.gather @!p0 [hbm4b:s1+s12], $0x80, s10, s12, $0xb8;
	[tilespmem:$0x1E200] =	vst v63  }
0x7b: {  	_ =	swait.ge [sflag:s30], $0x50  }
0x7c: {  	[sflag:s30] =	ssyncset.done $0x0  }
0x7d: {  	[sflag:s30] =	ssyncadd.s32 $0xFFFFFFB0  }
0x7e: {  	_ =	swait.ge [sflag:s31], $0x2800  }
0x7f: {  	[sflag:s31] =	ssyncset.done $0x0  }
.Ltmp2:
0x80: {  	[sflag:s31] =	ssyncadd.s32 $0xFFFFD800;
	(pc) =	sbr.rel @p0 .LBB2_4-.Ltmp2, $4  }
0x81: {  	[spmem:s3] =	stream.indirect.scatter.add.f32 [tilespmem:s26], [sflag:$0x7], $0x80, s24, s20, $0xb8;
	[tilespmem:$0x1E200] =	vst v63  }
0x82: {  	_ =	swait.ge [sflag:s18], $0x2800  }
0x83: {  	[sflag:s18] =	ssyncset.done $0x0  }
0x84: {  	[sflag:s18] =	ssyncadd.s32 $0xFFFFD800  }
.Ltmp3:
0x85: {  	s10 =	sadd.s32 s9, s15;
	(pc) =	sbr.rel .LBB2_2-.Ltmp3, $4  }
0x86: {  	[tilespmem:s24], [sflag:$0x6] =	stream.linear.gather [hbm4b:s10+s4], $0x50, $0x38;
	[tilespmem:$0x1E200] =	vst v63  }
0x87: {  	_ = 	snop  }
0x88: {  	[tilespmem:s26], [sflag:$0x3] =	stream.indirect.gather [hbm4b:s1+s20], $0x80, s8, s20, $0xb8;
	[tilespmem:$0x1E200] =	vst v63  }
0x89: {  	s9 =	sadd.s32 $0x1E, s9;
	s8 =	sadd.s32 $0xF0, s8  }
.LBB2_5:
0x8a: {  	_ =	sfence.sel $0x180000  }
0x8b: {  	[bflag:$0x0] =	sbarrier.arrive $0xFFFF  }
0x8c: {  	_ =	strace $0x9000004D  }
0x8d: {  	s0 =	stileid.u32;
	[bflag:$0x2] =	sbarrier.arrive $0xFFFF  }
0x8e: {  	p0 =	sne.s32 s0, $0x0;
	s0 =	rddreg [dreg:$0x3]  }
0x8f: {  	s0 =	sadd.s32 @!p0 $0x100000, s0  }
0x90: {  	[sflag:s0] =	ssyncadd.tile.s32 @!p0 $0x1;
	_ =	shalt  }
.Lfunc_end2:
_tile_overlayer_lowered:
.L_overlay_start_2:
0x91: {  	(tag) =	ssettag $0x2  }
0x92: {  	s0 =	rddreg [dreg:$0x0];
	s2 =	stileid.u32  }
0x93: {  	s1 =	rddreg [dreg:$0x1];
	p0 =	sne.s32 s2, $0x0  }
0x94: {  	s3 =	rddreg [dreg:$0x2];
	[bflag:$0x3] =	sbarrier.arrive $0xFFFF;
	s2 =	simm.s32 @!p0 $0x1C07  }
0x95: {  	[timem:s3], [sflag:s2] =	dma.local @!p0 [hbm:s0], s1  }
0x96: {  	s0 =	simm.s32 @!p0 $0x7  }
0x97: {  	_ =	swait.ge @!p0 [sflag:s0], s1  }
0x98: {  	s1 =	ssub.s32 @!p0 $0x0, s1;
	[sflag:s0] =	ssyncset.done @!p0 $0x0  }
0x99: {  	[sflag:s0] =	ssyncadd.s32 @!p0 s1  }
0x9a: {  	[bflag:$0x3] =	sbarrier.arrive $0xFFFF  }
0x9b: {  	_ =	shalt  }

// kernel: kernel.8.cloned.1.call-start
scs
__scs_entry_jumppad:
0x0: {  	(pc) =	sbr.rel $0x88, $3  }
0x1: {  	(tag) =	ssettag $0x0;
	lr =	simm.s32 $0x1  }
0x2: {  	[smem:$0x3F99] =	sst lr;
	_ =	strace $0xD0000000  }
0x3: {  	_ = 	snop  }
0x4: {  	_ = 	snop  }
0x5: {  	_ = 	snop  }
0x6: {  	_ = 	snop  }
0x7: {  	_ = 	snop  }
__scs_overlays_trampoline_lowered:
0x8: {  	[smem:$0x3FA8] =	sst s0  }
0x9: {  	[smem:$0x3FA9] =	sst s1  }
0xa: {  	[smem:$0x3FAA] =	sst s2  }
0xb: {  	[smem:$0x3FAB] =	sst s3  }
0xc: {  	[smem:$0x3FAC] =	sst s4  }
0xd: {  	[smem:$0x3FAD] =	sst s5  }
0xe: {  	[smem:$0x3FAE] =	sst s6  }
0xf: {  	[smem:$0x3FAF] =	sst s7  }
0x10: {  	[smem:$0x3FB0] =	sst s8  }
0x11: {  	[smem:$0x3FB1] =	sst s9;
	s0 =	simm.s32 @!p0 $0x0  }
0x12: {  	s1 =	sld [smem:$0x3F97];
	s0 =	simm.s32 @p0 $0x1  }
0x13: {  	[smem:$0x3FB2] =	sst s0;
	s0 =	simm.s32 @!p1 $0x0  }
0x14: {  	s2 =	sld [smem:$0x3F96];
	s0 =	simm.s32 @p1 $0x1  }
0x15: {  	[smem:$0x3FB3] =	sst s0;
	s0 =	simm.s32 @!p2 $0x0  }
0x16: {  	s3 =	sld [smem:$0x3FDB];
	s0 =	simm.s32 @p2 $0x1  }
0x17: {  	s4 =	simm.s32 $0x1BF5;
	[smem:$0x3FB5] =	sst s0  }
0x18: {  	s0 =	sld [smem:$0x3F98];
	_ =	swait.ge [sflag:s4], $0x0  }
0x19: {  	s7 =	sld [smem:$0x3F99]  }
0x1a: {  	s8 =	sadd.s32 $0xFFFFE003, lr  }
0x1b: {  	s9 =	sadd.s32 $0xFFFFFEF7, lr;
	s5 =	simm.s32 $0xFFFFFFFF;
	p2 =	slt.u32 s8, $0xFFFFF086  }
0x1c: {  	p1 =	slt.u32 s9, $0xF7A;
	s5 =	simm.s32 @!p2 $0x0  }
0x1d: {  	s5 =	simm.s32 @p1 $0x1;
	p0 =	seq.s32 s7, s2  }
0x1e: {  	s7 =	smul.u32 @!p0 $0xF7A, s2;
	p2 =	seq.s32 @!p0 s5, $0x0  }
0x1f: {  	s9 =	smul.u32 $0xF7A, s1;
	s8 =	simm.s32 @!p0 $0x1BF5;
	p2 =	por !p2, p0  }
0x20: {  	[sflag:s8] =	ssyncset.s32 @!p0 $0xFFFFF086;
	s6 =	sadd.s32 @!p0 s3, s7;
	s7 =	simm.s32 @!p0 $0x108  }
0x21: {  	s3 =	sadd.s32 s3, s9;
	s6 =	sadd.s32 @!p0 $0x88, s6;
	s7 =	simm.s32 @p2 $0x1082  }
0x22: {  	[simem:s7], [sflag:s8] =	dma.local @!p0 [hbm:s6], $0xF7A  }
0x23: {  	s9 =	sor.u32 $0xD0000000, s2;
	s6 =	simm.s32 $0x108;
	_ =	swait.ge @!p0 [sflag:s8], $0x0  }
0x24: {  	s3 =	sadd.s32 $0x88, s3;
	s6 =	simm.s32 @!p1 $0x1082;
	[sflag:s4] =	ssyncset.s32 $0xFFFFF086  }
0x25: {  	[simem:s6], [sflag:s4] =	dma.local [hbm:s3], $0xF7A  }
0x26: {  	[smem:$0x3F99] =	sst s1;
	(tag) =	ssettag s2;
	_ =	strace s9  }
0x27: {  	s1 =	sld [smem:$0x3FA9]  }
0x28: {  	s2 =	sld [smem:$0x3FAA]  }
0x29: {  	s4 =	sld [smem:$0x3FAC]  }
0x2a: {  	p0 =	seq.s32 s5, $0x0;
	s5 =	sld [smem:$0x3FAD]  }
0x2b: {  	s6 =	sld [smem:$0x3FAE]  }
0x2c: {  	s7 =	sld [smem:$0x3FAF]  }
0x2d: {  	s3 =	simm.s32 $0x108;
	s8 =	sld [smem:$0x3FB0]  }
0x2e: {  	s3 =	simm.s32 @!p0 $0x1082;
	s9 =	sld [smem:$0x3FB1]  }
0x2f: {  	lr =	sadd.s32 s0, s3;
	s0 =	sld [smem:$0x3FA8]  }
0x30: {  	s3 =	sld [smem:$0x3FAB]  }
0x31: {  	[smem:$0x3FB4] =	sst s10  }
0x32: {  	s10 =	sld [smem:$0x3FB2];
	_ =	sdelay $0x3  }
0x33: {  	p0 =	seq.s32 s10, $0x1;
	s10 =	sld [smem:$0x3FB4];
	_ =	sdelay $0x3  }
0x34: {  	[smem:$0x3FB4] =	sst s10  }
0x35: {  	s10 =	sld [smem:$0x3FB3];
	_ =	sdelay $0x3  }
0x36: {  	p1 =	seq.s32 s10, $0x1;
	s10 =	sld [smem:$0x3FB4];
	_ =	sdelay $0x3  }
0x37: {  	[smem:$0x3FB4] =	sst s10  }
0x38: {  	s10 =	sld [smem:$0x3FB5]  }
0x39: {  	_ = 	snop;
	(pc) =	sbr.ind lr, $3  }
0x3a: {  	_ = 	snop  }
0x3b: {  	_ = 	snop  }
0x3c: {  	p2 =	seq.s32 s10, $0x1;
	s10 =	sld [smem:$0x3FB4]  }
0x3d: {  	_ =	shalt  }
0x3e: {  	_ =	shalt  }
0x3f: {  	_ =	shalt  }
0x40: {  	_ =	shalt  }
0x41: {  	_ =	shalt  }
0x42: {  	_ =	shalt  }
0x43: {  	_ =	shalt  }
0x44: {  	_ =	shalt  }
0x45: {  	_ =	shalt  }
0x46: {  	_ =	shalt  }
0x47: {  	_ =	shalt  }
0x48: {  	_ =	shalt  }
0x49: {  	_ =	shalt  }
0x4a: {  	_ =	shalt  }
0x4b: {  	_ =	shalt  }
0x4c: {  	_ =	shalt  }
0x4d: {  	_ =	shalt  }
0x4e: {  	_ =	shalt  }
0x4f: {  	_ =	shalt  }
0x50: {  	_ =	shalt  }
0x51: {  	_ =	shalt  }
0x52: {  	_ =	shalt  }
0x53: {  	_ =	shalt  }
0x54: {  	_ =	shalt  }
0x55: {  	_ =	shalt  }
0x56: {  	_ =	shalt  }
0x57: {  	_ =	shalt  }
0x58: {  	_ =	shalt  }
0x59: {  	_ =	shalt  }
0x5a: {  	_ =	shalt  }
0x5b: {  	_ =	shalt  }
0x5c: {  	_ =	shalt  }
0x5d: {  	_ =	shalt  }
0x5e: {  	_ =	shalt  }
0x5f: {  	_ =	shalt  }
0x60: {  	_ =	shalt  }
0x61: {  	_ =	shalt  }
0x62: {  	_ =	shalt  }
0x63: {  	_ =	shalt  }
0x64: {  	_ =	shalt  }
0x65: {  	_ =	shalt  }
0x66: {  	_ =	shalt  }
0x67: {  	_ =	shalt  }
0x68: {  	_ =	shalt  }
0x69: {  	_ =	shalt  }
0x6a: {  	_ =	shalt  }
0x6b: {  	_ =	shalt  }
0x6c: {  	_ =	shalt  }
0x6d: {  	_ =	shalt  }
0x6e: {  	_ =	shalt  }
0x6f: {  	_ =	shalt  }
0x70: {  	_ =	shalt  }
0x71: {  	_ =	shalt  }
0x72: {  	_ =	shalt  }
0x73: {  	_ =	shalt  }
0x74: {  	_ =	shalt  }
0x75: {  	_ =	shalt  }
0x76: {  	_ =	shalt  }
0x77: {  	_ =	shalt  }
0x78: {  	_ =	shalt  }
0x79: {  	_ =	shalt  }
0x7a: {  	_ =	shalt  }
0x7b: {  	_ =	shalt  }
0x7c: {  	_ =	shalt  }
0x7d: {  	_ =	shalt  }
0x7e: {  	_ =	shalt  }
0x7f: {  	_ =	shalt  }
0x80: {  	_ =	shalt  }
0x81: {  	_ =	shalt  }
0x82: {  	_ =	shalt  }
0x83: {  	_ =	shalt  }
0x84: {  	_ =	shalt  }
0x85: {  	_ =	shalt  }
0x86: {  	_ =	shalt  }
0x87: {  	_ =	shalt  }
.Lfunc_end0:
.L_simem_size_0:
called_computation_lowered:
.L_overlay_start_0:
0x88: {  	s2 =	sld [smem:$0x3FD9]  }
0x89: {  	s3 =	sld [smem:$0x3FFE];
	_ =	sdelay $0x1  }
0x8a: {  	s1 =	srdreg.scid  }
0x8b: {  	s0 =	sand.u32 $0x1, s1  }
0x8c: {  	s17 =	sshll.u32 s0, $0xA;
	s2 =	sadd.s32 s3, s2  }
0x8d: {  	s2 =	sadd.s32 s2, s17  }
0x8e: {  	[smem:$0x3FC0] =	sst s2  }
0x8f: {  	_ = 	snop  }
0x90: {  	s2 =	sld [smem:$0x3FD0];
	(tm) =	ssettm $0x1  }
0x91: {  	s18 =	sld [smem:$0x3FFB];
	_ =	sdelay $0x3  }
0x92: {  	_ =	strace s18  }
0x93: {  	s3 =	sld [smem:$0x3FFC];
	_ =	sdelay $0x3  }
0x94: {  	_ =	strace s3  }
0x95: {  	s3 =	sld [smem:$0x3FFD];
	_ =	sdelay $0x3  }
0x96: {  	_ =	strace s3  }
0x97: {  	_ =	strace $0x8FFFFFFF  }
0x98: {  	s19 =	sld [smem:$0x3FDB];
	_ =	sdelay $0x1  }
0x99: {  	s4 =	simm.s32 $_scs_section_size  }
0x9a: {  	s5 =	simm.s32 $_size__tile_overlayer_lowered;
	s6 =	simm.s32 $_tile_overlayer_lowered  }
0x9b: {  	s22 =	simm.s32 $0x1BFF;
	s21 =	sshll.u32 s6, $0x1;
	s3 =	sadd.s32 s4, s19  }
0x9c: {  	s7 =	simm.s32 $0x0;
	s20 =	sshll.u32 s5, $0x1;
	s5 =	sadd.s32 s21, s3  }
0x9d: {  	[timem:s7], [sflag:s22] =	dma.local [hbm:s5], s20  }
0x9e: {  	_ =	swait.ge [sflag:s22], s20  }
0x9f: {  	s4 =	ssub.s32 $0x0, s20;
	[sflag:s22] =	ssyncset.done $0x0  }
0xa0: {  	[sflag:s22] =	ssyncadd.s32 s4;
	_ =	sdelay $0x1  }
0xa1: {  	s23 =	simm.s32 $0x1B8B  }
0xa2: {  	_ =	swait.ge [sflag:s23], $0x1  }
0xa3: {  	[sflag:s23] =	ssyncset.done $0x0  }
0xa4: {  	s25 =	simm.s32 $0x1B8E;
	s24 =	sld [smem:$0x3FFE];
	[sflag:s23] =	ssyncadd.s32 $0xFFFFFFFF  }
0xa5: {  	s26 =	simm.s32 $execute0_lowered;
	[smem:$0x3FD2] =	sst s25  }
0xa6: {  	s5 =	sshll.u32 s26, $0x1;
	_ =	strace $0x80000046;
	[dreg:$0x1] =	wrdreg $0xFFFFFFFF  }
0xa7: {  	s28 =	simm.s32 $_size_execute0_lowered;
	s3 =	sadd.s32 s3, s5;
	[dreg:$0x0] =	wrdreg $0x0  }
0xa8: {  	s5 =	sshll.u32 s28, $0x1;
	[dreg:$0x2] =	wrdreg s3  }
0xa9: {  	[dreg:$0x3] =	wrdreg s5  }
0xaa: {  	[dreg:$0x4] =	wrdreg $0xC0  }
0xab: {  	_ =	task [dreg:s7], $0x5FFFF  }
0xac: {  	[dreg:$0x1] =	wrdreg $0xFFFFFFFF  }
0xad: {  	[dreg:$0x0] =	wrdreg $0x60  }
0xae: {  	[dreg:$0x2] =	wrdreg s2  }
0xaf: {  	[dreg:$0x3] =	wrdreg s24  }
0xb0: {  	[dreg:$0x4] =	wrdreg $0xA2000  }
0xb1: {  	[dreg:$0x5] =	wrdreg $0x9  }
0xb2: {  	_ =	task.clear_ibuf [dreg:s7], $0x6FFFF;
	_ =	strace $0x90000046  }
0xb3: {  	s29 =	simm.s32 $0x9;
	_ =	strace $0x80000048  }
0xb4: {  	_ =	swait.ge [sflag:s29], $0x1  }
0xb5: {  	[sflag:s29] =	ssyncadd.s32 $0xFFFFFFFF  }
0xb6: {  	_ =	strace $0x90000048  }
0xb7: {  	_ =	sfence  }
0xb8: {  	s30 =	sld [smem:$0x0];
	_ =	sdelay $0x2  }
0xb9: {  	s31 =	sshll.u32 s1, $0xD;
	s1 =	sshrl.u32 s1, $0x2  }
0xba: {  	s3 =	sand.u32 $0x4000, s31;
	s1 =	sadd.s32 s1, s30  }
0xbb: {  	s0 =	sor.u32 s3, s0;
	s1 =	sshll.u32 s1, $0x11  }
0xbc: {  	s0 =	sor.u32 s1, s0  }
0xbd: {  	s0 =	sadd.s32 $0x8F2B, s0  }
0xbe: {  	[sflag:s0] =	ssyncadd.remote.s32 $0x1  }
0xbf: {  	_ =	sfence.sel $0xFFFF  }
0xc0: {  	[dreg:$0x0] =	wrdreg $0xFFFFFFFF;
	(pc) =	sbr.abs _section_cstart, $3  }
0xc1: {  	[dreg:$0x1] =	wrdreg $0xFFFFFFFF  }
0xc2: {  	_ =	task.clear_ibuf [dreg:s7], $0x2FFFF;
	_ =	strace $0x9FFFFFFF  }
0xc3: {  	(tm) =	ssettm $0x7FFFFFFF  }
tec
execute0_lowered:
.L_overlay_start_1:
0x0: {  	(tag) =	ssettag $0x1  }
0x1: {  	s1 =	rddreg [dreg:$0x0]  }
0x2: {  	s0 =	srdreg.scid;
	s5 =	rddreg [dreg:$0x1]  }
0x3: {  	s10 =	stileid.u32;
	s3 =	rddreg [dreg:$0x2]  }
0x4: {  	s4 =	simm.s32 $0x0;
	s28 =	simm.s32 $0x4;
	s29 =	simm.s32 $0x1  }
0x5: {  	s30 =	simm.s32 $0x6;
	s31 =	simm.s32 $0x3;
	s6 =	smul.u32 $0x2800, s10  }
0x6: {  	s0 =	sand.u32 $0x1, s0;
	s2 =	sshll.u32 s10, $0x1;
	s17 =	smul.u32 $0x50000, s10  }
0x7: {  	[smem:$0x7FF] =	sst s4;
	s9 =	sadd.s32 $0xBC00, s5;
	s19 =	smul.u32 $0x5000, s10  }
0x8: {  	s11 =	sadd.s32 $0x15C00, s5;
	s2 =	sor.u32 s0, s2;
	s7 =	smul.u32 $0x28000, s0  }
0x9: {  	_ =	strace $0x80000047;
	s15 =	ssub.s32 $0x2, s0;
	s0 =	smul.u32 $0x2800, s0  }
0xa: {  	[dreg:$0x4] =	wrdreg s11;
	s2 =	smul.u32 $0x2800, s2;
	s16 =	sshrl.u32 s15, $0x1  }
0xb: {  	s6 =	sadd.s32 s6, s7;
	s7 =	ssub.s32 s15, s16;
	s0 =	sadd.s32 s0, s19  }
0xc: {  	s19 =	simm.s32 $0x2800;
	s2 =	sshrl.u32 s2, $0x3;
	s24 =	smax.u32 s7, $0x1  }
0xd: {  	s25 =	sor.u32 $0x190, s0;
	s26 =	sor.u32 $0x140, s0;
	s0 =	sor.u32 $0xF0, s0  }
0xe: {  	s8 =	sadd.s32 s2, s5;
	s5 =	sadd.s32 s6, s5;
	s6 =	sadd.s32 s9, s2  }
0xf: {  	s2 =	sshrl.u32 s17, $0x2;
	[dreg:$0xc] =	wrdreg s24;
	s8 =	sadd.s32 $0x1C00, s8  }
0x10: {  	s0 =	sshrl.u32 s0, $0x3;
	s18 =	sadd.s32 $0xA, s6;
	[dreg:$0x5] =	wrdreg s8  }
0x11: {  	s24 =	simm.s32 $0x2900;
	s20 =	sadd.s32 $0x14, s6;
	[dreg:$0x6] =	wrdreg s18  }
0x12: {  	s2 =	sadd.s32 s2, s3;
	s21 =	sadd.s32 $0x4EC, s6;
	[dreg:$0x7] =	wrdreg s20  }
0x13: {  	s22 =	sadd.s32 $0x4F6, s6;
	s23 =	sadd.s32 $0x18400, s5;
	[dreg:$0x8] =	wrdreg s2  }
0x14: {  	s5 =	sshrl.u32 s26, $0x3;
	s17 =	sadd.s32 s0, s9;
	[dreg:$0x9] =	wrdreg s21  }
.Ltmp0:
0x15: {  	s26 =	simm.s32 $0x7A00;
	[dreg:$0xa] =	wrdreg s22;
	(pc) =	sbr.rel .LBB2_1-.Ltmp0, $4  }
0x16: {  	s0 =	simm.s32 $0x0;
	[dreg:$0xb] =	wrdreg s23;
	s2 =	sshrl.u32 s25, $0x3  }
0x17: {  	s16 =	sadd.s32 s5, s9;
	s18 =	simm.s32 $0x7;
	s20 =	simm.s32 $0x50  }
0x18: {  	s21 =	simm.s32 $0x2A00;
	s22 =	simm.s32 $0x2880;
	s23 =	simm.s32 $0x5200  }
0x19: {  	s25 =	simm.s32 $0x5;
	s15 =	sadd.s32 s2, s9;
	s2 =	simm.s32 $0x2  }
.LBB2_4:
0x1a: {  	s8 =	rddreg [dreg:$0x9]  }
0x1b: {  	[tilespmem:s19], [sflag:$0x4] =	stream.linear.gather [hbm4b:s8+s4], $0x50, $0x38;
	[tilespmem:$0x1E200] =	vst v63  }
0x1c: {  	s10 =	simm.s32 $0x2760  }
0x1d: {  	[tilespmem:s21], [sflag:$0x1] =	stream.indirect.gather [hbm4b:s1+s20], $0x80, s10, s20, $0xb8;
	[tilespmem:$0x1E200] =	vst v63  }
0x1e: {  	s11 =	rddreg [dreg:$0xa]  }
0x1f: {  	[tilespmem:s22], [sflag:$0x5] =	stream.linear.gather [hbm4b:s11+s4], $0x50, $0x38;
	[tilespmem:$0x1E200] =	vst v63  }
0x20: {  	s12 =	simm.s32 $0x27B0  }
0x21: {  	[tilespmem:s23], [sflag:$0x2] =	stream.indirect.gather [hbm4b:s1+s20], $0x80, s12, s20, $0xb8;
	[tilespmem:$0x1E200] =	vst v63  }
0x22: {  	_ =	swait.ge [sflag:s28], $0x50  }
0x23: {  	[sflag:s28] =	ssyncset.done $0x0  }
0x24: {  	[sflag:s28] =	ssyncadd.s32 $0xFFFFFFB0  }
0x25: {  	_ =	swait.ge [sflag:s29], $0x2800  }
0x26: {  	[sflag:s29] =	ssyncset.done $0x0  }
0x27: {  	[sflag:s29] =	ssyncadd.s32 $0xFFFFD800  }
0x28: {  	[spmem:s3] =	stream.indirect.scatter.add.f32 [tilespmem:s21], [sflag:$0x7], $0x80, s19, s20, $0xb8;
	[tilespmem:$0x1E200] =	vst v63  }
0x29: {  	_ =	swait.ge [sflag:s18], $0x2800  }
0x2a: {  	[sflag:s18] =	ssyncset.done $0x0  }
0x2b: {  	[sflag:s18] =	ssyncadd.s32 $0xFFFFD800  }
0x2c: {  	_ =	swait.ge [sflag:s25], $0x50  }
0x2d: {  	[sflag:s25] =	ssyncset.done $0x0  }
0x2e: {  	[sflag:s25] =	ssyncadd.s32 $0xFFFFFFB0  }
0x2f: {  	_ =	swait.ge [sflag:s2], $0x2800  }
0x30: {  	[sflag:s2] =	ssyncset.done $0x0  }
0x31: {  	[sflag:s2] =	ssyncadd.s32 $0xFFFFD800  }
0x32: {  	[spmem:s3] =	stream.indirect.scatter.add.f32 [tilespmem:s23], [sflag:$0x7], $0x80, s22, s20, $0xb8;
	[tilespmem:$0x1E200] =	vst v63  }
0x33: {  	_ =	swait.ge [sflag:s18], $0x2800  }
0x34: {  	[sflag:s18] =	ssyncset.done $0x0  }
0x35: {  	[sflag:s18] =	ssyncadd.s32 $0xFFFFD800  }
0x36: {  	[bflag:$0x0] =	sbarrier.arrive $0xFFFF  }
0x37: {  	s13 =	rddreg [dreg:$0xb]  }
0x38: {  	[hbm:s13], [sflag:s5] =	dma.local [spmem:s7], $0x2800  }
0x39: {  	_ =	swait.ge [sflag:s18], $0x2800  }
0x3a: {  	s0 =	sadd.s32 $0x1, s0;
	s14 =	rddreg [dreg:$0xc]  }
0x3b: {  	p0 =	sne.s32 s0, s14  }
.Ltmp1:
0x3c: {  	_ = 	snop;
	(pc) =	sbr.rel @!p0 .LBB2_5-.Ltmp1, $3  }
0x3d: {  	_ =	sdelay $0x1  }
0x3e: {  	[sflag:s18] =	ssyncset.done $0x0  }
0x3f: {  	[sflag:s18] =	ssyncadd.s32 $0xFFFFD800  }
.LBB2_1:
0x40: {  	s5 =	rddreg [dreg:$0x5]  }
0x41: {  	[tilespmem:s4], [sflag:$0x7] =	stream.linear.gather [hbm4b:s5+s4], $0x2800, $0x38;
	[tilespmem:$0x1E200] =	vst v63  }
0x42: {  	_ =	swait.ge [sflag:s18], $0x2800  }
0x43: {  	[sflag:s18] =	ssyncset.done $0x0  }
0x44: {  	[sflag:s18] =	ssyncadd.s32 $0xFFFFD800  }
0x45: {  	[tilespmem:s19], [sflag:$0x4] =	stream.linear.gather [hbm4b:s6+s4], $0x50, $0x38;
	[tilespmem:$0x1E200] =	vst v63  }
0x46: {  	_ = 	snop  }
0x47: {  	[tilespmem:s21], [sflag:$0x1] =	stream.indirect.gather [hbm4b:s1+s20], $0x80, s4, s20, $0xb8;
	[tilespmem:$0x1E200] =	vst v63  }
0x48: {  	s11 =	rddreg [dreg:$0x6]  }
0x49: {  	[tilespmem:s22], [sflag:$0x5] =	stream.linear.gather [hbm4b:s11+s4], $0x50, $0x38;
	[tilespmem:$0x1E200] =	vst v63  }
0x4a: {  	s14 =	stileid.u32;
	s12 =	rddreg [dreg:$0x7]  }
0x4b: {  	[tilespmem:s23], [sflag:$0x2] =	stream.indirect.gather [hbm4b:s1+s20], $0x80, s20, s20, $0xb8;
	[tilespmem:$0x1E200] =	vst v63  }
0x4c: {  	s13 =	simm.s32 $0xA0;
	s5 =	sshll.u32 s14, $0x6;
	s7 =	rddreg [dreg:$0x8]  }
0x4d: {  	[tilespmem:s24], [sflag:$0x6] =	stream.linear.gather [hbm4b:s12+s4], $0x50, $0x38;
	[tilespmem:$0x1E200] =	vst v63  }
0x4e: {  	s5 =	sor.u32 $0x1C07, s5;
	s8 =	rddreg [dreg:$0x4];
	s7 =	sshrl.u32 s7, $0x3  }
0x4f: {  	[tilespmem:s26], [sflag:$0x3] =	stream.indirect.gather [hbm4b:s1+s20], $0x80, s13, s20, $0xb8;
	[tilespmem:$0x1E200] =	vst v63  }
0x50: {  	[spmem:s7], [sflag:s5] =	dma.local [hbm:s8], $0x2800  }
0x51: {  	_ =	swait.ge [sflag:s18], $0x2800  }
0x52: {  	[sflag:s18] =	ssyncset.done $0x0  }
0x53: {  	[sflag:s18] =	ssyncadd.s32 $0xFFFFD800  }
0x54: {  	s9 =	simm.s32 $0x0;
	s8 =	simm.s32 $0x190;
	[bflag:$0x0] =	sbarrier.arrive $0xFFFF  }
.LBB2_2:
0x55: {  	_ =	swait.ge [sflag:s28], $0x50  }
0x56: {  	[sflag:s28] =	ssyncset.done $0x0  }
0x57: {  	[sflag:s28] =	ssyncadd.s32 $0xFFFFFFB0  }
0x58: {  	_ =	swait.ge [sflag:s29], $0x2800  }
0x59: {  	[sflag:s29] =	ssyncset.done $0x0  }
0x5a: {  	[sflag:s29] =	ssyncadd.s32 $0xFFFFD800  }
0x5b: {  	[spmem:s3] =	stream.indirect.scatter.add.f32 [tilespmem:s21], [sflag:$0x7], $0x80, s19, s20, $0xb8;
	[tilespmem:$0x1E200] =	vst v63  }
0x5c: {  	_ =	swait.ge [sflag:s18], $0x2800  }
0x5d: {  	p0 =	seq.s32 s9, $0x4CE;
	[sflag:s18] =	ssyncset.done $0x0  }
0x5e: {  	s10 =	simm.s32 @p0 $0x5;
	[sflag:s18] =	ssyncadd.s32 $0xFFFFD800  }
0x5f: {  	_ =	swait.ge @p0 [sflag:s10], $0x50  }
0x60: {  	[sflag:s10] =	ssyncset.done @p0 $0x0  }
0x61: {  	[sflag:s10] =	ssyncadd.s32 @p0 $0xFFFFFFB0;
	s10 =	simm.s32 @p0 $0x2  }
0x62: {  	_ =	swait.ge @p0 [sflag:s10], $0x2800  }
0x63: {  	s11 =	simm.s32 @p0 $0x2880;
	[sflag:s10] =	ssyncset.done @p0 $0x0  }
0x64: {  	s12 =	simm.s32 @p0 $0x5200;
	[sflag:s10] =	ssyncadd.s32 @p0 $0xFFFFD800;
	s10 =	simm.s32 @p0 $0x50  }
0x65: {  	[spmem:s3] =	stream.indirect.scatter.add.f32 @p0 [tilespmem:s12], [sflag:$0x7], $0x80, s11, s10, $0xb8;
	[tilespmem:$0x1E200] =	vst v63  }
0x66: {  	s10 =	simm.s32 @p0 $0x7  }
0x67: {  	_ =	swait.ge @p0 [sflag:s10], $0x2800  }
0x68: {  	s11 =	simm.s32 @!p0 $0x0;
	[sflag:s10] =	ssyncset.done @p0 $0x0  }
0x69: {  	s12 =	simm.s32 @!p0 $0x2800;
	[sflag:s10] =	ssyncadd.s32 @p0 $0xFFFFD800;
	s10 =	sadd.s32 @!p0 s9, s17  }
0x6a: {  	[tilespmem:s12], [sflag:$0x4] =	stream.linear.gather @!p0 [hbm4b:s10+s11], $0x50, $0x38;
	[tilespmem:$0x1E200] =	vst v63  }
0x6b: {  	s13 =	simm.s32 @!p0 $0x2A00;
	s10 =	sadd.s32 @!p0 $0xFFFFFF60, s8;
	s12 =	simm.s32 @!p0 $0x50  }
0x6c: {  	[tilespmem:s13], [sflag:$0x1] =	stream.indirect.gather @!p0 [hbm4b:s1+s12], $0x80, s10, s12, $0xb8;
	[tilespmem:$0x1E200] =	vst v63  }
0x6d: {  	s10 =	simm.s32 @!p0 $0x5  }
0x6e: {  	_ =	swait.ge @!p0 [sflag:s10], $0x50  }
0x6f: {  	[sflag:s10] =	ssyncset.done @!p0 $0x0  }
0x70: {  	[sflag:s10] =	ssyncadd.s32 @!p0 $0xFFFFFFB0;
	s10 =	simm.s32 @!p0 $0x2  }
0x71: {  	_ =	swait.ge @!p0 [sflag:s10], $0x2800  }
0x72: {  	s14 =	simm.s32 @!p0 $0x7;
	[sflag:s10] =	ssyncset.done @!p0 $0x0  }
0x73: {  	s13 =	simm.s32 @!p0 $0x5200;
	[sflag:s10] =	ssyncadd.s32 @!p0 $0xFFFFD800;
	s10 =	simm.s32 @!p0 $0x2880  }
0x74: {  	[spmem:s3] =	stream.indirect.scatter.add.f32 @!p0 [tilespmem:s13], [sflag:$0x7], $0x80, s10, s12, $0xb8;
	[tilespmem:$0x1E200] =	vst v63  }
0x75: {  	_ =	swait.ge @!p0 [sflag:s14], $0x2800  }
0x76: {  	[sflag:s14] =	ssyncset.done @!p0 $0x0  }
0x77: {  	[sflag:s14] =	ssyncadd.s32 @!p0 $0xFFFFD800;
	s14 =	sadd.s32 @!p0 s9, s16  }
0x78: {  	[tilespmem:s10], [sflag:$0x5] =	stream.linear.gather @!p0 [hbm4b:s14+s11], $0x50, $0x38;
	[tilespmem:$0x1E200] =	vst v63  }
0x79: {  	s10 =	sadd.s32 @!p0 $0xFFFFFFB0, s8  }
0x7a: {  	[tilespmem:s13], [sflag:$0x2] =	stream.indirect.gather @!p0 [hbm4b:s1+s12], $0x80, s10, s12, $0xb8;
	[tilespmem:$0x1E200] =	vst v63  }
0x7b: {  	_ =	swait.ge [sflag:s30], $0x50  }
0x7c: {  	[sflag:s30] =	ssyncset.done $0x0  }
0x7d: {  	[sflag:s30] =	ssyncadd.s32 $0xFFFFFFB0  }
0x7e: {  	_ =	swait.ge [sflag:s31], $0x2800  }
0x7f: {  	[sflag:s31] =	ssyncset.done $0x0  }
.Ltmp2:
0x80: {  	[sflag:s31] =	ssyncadd.s32 $0xFFFFD800;
	(pc) =	sbr.rel @p0 .LBB2_4-.Ltmp2, $4  }
0x81: {  	[spmem:s3] =	stream.indirect.scatter.add.f32 [tilespmem:s26], [sflag:$0x7], $0x80, s24, s20, $0xb8;
	[tilespmem:$0x1E200] =	vst v63  }
0x82: {  	_ =	swait.ge [sflag:s18], $0x2800  }
0x83: {  	[sflag:s18] =	ssyncset.done $0x0  }
0x84: {  	[sflag:s18] =	ssyncadd.s32 $0xFFFFD800  }
.Ltmp3:
0x85: {  	s10 =	sadd.s32 s9, s15;
	(pc) =	sbr.rel .LBB2_2-.Ltmp3, $4  }
0x86: {  	[tilespmem:s24], [sflag:$0x6] =	stream.linear.gather [hbm4b:s10+s4], $0x50, $0x38;
	[tilespmem:$0x1E200] =	vst v63  }
0x87: {  	_ = 	snop  }
0x88: {  	[tilespmem:s26], [sflag:$0x3] =	stream.indirect.gather [hbm4b:s1+s20], $0x80, s8, s20, $0xb8;
	[tilespmem:$0x1E200] =	vst v63  }
0x89: {  	s9 =	sadd.s32 $0x1E, s9;
	s8 =	sadd.s32 $0xF0, s8  }
.LBB2_5:
0x8a: {  	_ =	sfence.sel $0x180000  }
0x8b: {  	[bflag:$0x0] =	sbarrier.arrive $0xFFFF  }
0x8c: {  	_ =	strace $0x90000047  }
0x8d: {  	s0 =	stileid.u32;
	[bflag:$0x2] =	sbarrier.arrive $0xFFFF  }
0x8e: {  	p0 =	sne.s32 s0, $0x0;
	s0 =	rddreg [dreg:$0x3]  }
0x8f: {  	s0 =	sadd.s32 @!p0 $0x100000, s0  }
0x90: {  	[sflag:s0] =	ssyncadd.tile.s32 @!p0 $0x1;
	_ =	shalt  }
.Lfunc_end2:
_tile_overlayer_lowered:
.L_overlay_start_2:
0x91: {  	(tag) =	ssettag $0x2  }
0x92: {  	s0 =	rddreg [dreg:$0x0];
	s2 =	stileid.u32  }
0x93: {  	s1 =	rddreg [dreg:$0x1];
	p0 =	sne.s32 s2, $0x0  }
0x94: {  	s3 =	rddreg [dreg:$0x2];
	[bflag:$0x3] =	sbarrier.arrive $0xFFFF;
	s2 =	simm.s32 @!p0 $0x1C07  }
0x95: {  	[timem:s3], [sflag:s2] =	dma.local @!p0 [hbm:s0], s1  }
0x96: {  	s0 =	simm.s32 @!p0 $0x7  }
0x97: {  	_ =	swait.ge @!p0 [sflag:s0], s1  }
0x98: {  	s1 =	ssub.s32 @!p0 $0x0, s1;
	[sflag:s0] =	ssyncset.done @!p0 $0x0  }
0x99: {  	[sflag:s0] =	ssyncadd.s32 @!p0 s1  }
0x9a: {  	[bflag:$0x3] =	sbarrier.arrive $0xFFFF  }
0x9b: {  	_ =	shalt  }

</sc_bundles>
